<compile_context>
chip_gen: v7x
topology: tpu7x:2x2x1
jax: 0.10.2.dev20260603
libtpu: 0.0.44.dev20260713+nightly
codegen_flags: <defaults>
</compile_context>

<pallas_src>
import functools

import jax
import jax.numpy as jnp
from jax import lax
from jax.experimental import pallas as pl
from jax.experimental.pallas import tpu as pltpu
from jax.experimental.pallas import tpu_sc as plsc

N = 20000
MAX_OUT = 100
IOU_THR = 0.5
SCORE_THR = 0.05

NPAD = 20480
NL1 = NPAD // 16
NL2 = NL1 // 16
NL2V = NL2 // 16
KCAP = 112
KSL = KCAP // 16

_GDN = lax.GatherDimensionNumbers(
    offset_dims=(), collapsed_slice_dims=(0,), start_index_map=(0,))


def _perm(x, idx):
    return lax.gather(x, idx.reshape(16, 1), _GDN, (1,),
                      mode=lax.GatherScatterMode.PROMISE_IN_BOUNDS)


def _bmax(x, pin15):
    return _perm(plsc.cummax(x), pin15)


def _nms_sc(bh, sh,
            obh, osch, oidxh,
            vb, vs, lvl1, lvl2,
            kx1, ky1, kx2, ky2, ka, kb, ksc, kidx,
            sem1):
    tile0 = jnp.logical_and(lax.axis_index("c") == 0, lax.axis_index("s") == 0)

    @pl.when(tile0)
    def _():
        lane = lax.iota(jnp.int32, 16)
        lane0 = lane == 0
        pin15 = jnp.full((16,), 15, jnp.int32)

        cb = pltpu.async_copy(bh, vb, sem1)
        pltpu.sync_copy(sh, vs.at[pl.ds(0, N)])

        neg16 = jnp.full((16,), -1.0, jnp.float32)
        for t in range((NPAD - N) // 16):
            vs[pl.ds(N + t * 16, 16)] = neg16

        zero16 = jnp.zeros((16,), jnp.float32)
        for t in range(KSL):
            kx1[pl.ds(t * 16, 16)] = zero16
            ky1[pl.ds(t * 16, 16)] = zero16
            kx2[pl.ds(t * 16, 16)] = zero16
            ky2[pl.ds(t * 16, 16)] = zero16
            ka[pl.ds(t * 16, 16)] = zero16
            ksc[pl.ds(t * 16, 16)] = zero16
            kidx[pl.ds(t * 16, 16)] = jnp.full((16,), -1, jnp.int32)
        for t in range(KSL * 4):
            kb[pl.ds(t * 16, 16)] = zero16

        def initb(i, _):
            base = i * 256
            mx = plsc.load_gather(vs, [base + lane * 16])
            for c in range(1, 16):
                mx = jnp.maximum(mx, plsc.load_gather(vs, [base + lane * 16 + c]))
            lvl1[pl.ds(i * 16, 16)] = mx
            return 0

        lax.fori_loop(0, NL2, initb, 0, unroll=4)

        l3 = jnp.full((16,), -1.0, jnp.float32)
        l2list = []
        for t in range(NL2V):
            base = t * 256
            mx = plsc.load_gather(lvl1, [base + lane * 16])
            for c in range(1, 16):
                mx = jnp.maximum(mx, plsc.load_gather(lvl1, [base + lane * 16 + c]))
            l2list.append(mx)
            l3 = jnp.where(lane == t, _bmax(mx, pin15), l3)

        m0 = _bmax(l3, pin15)

        cb.wait()

        def cond(carry):
            k, ok = carry[0], carry[1]
            return jnp.logical_and(k < MAX_OUT, ok)

        def body(carry):
            k, _, m, l3, l2r = carry
            gs = plsc.all_reduce_ffs(l3 == m)
            l2sel = l2r[NL2V - 1]
            for t in range(NL2V - 2, -1, -1):
                l2sel = jnp.where(gs == t, l2r[t], l2sel)
            f = plsc.all_reduce_ffs(l2sel == m)
            g = gs * 16 + f
            lv = plsc.load_gather(lvl1, [g * 16 + lane])
            f2 = plsc.all_reduce_ffs(lv == m)
            j = g * 16 + f2
            sl = plsc.load_gather(vs, [j * 16 + lane])
            f3 = plsc.all_reduce_ffs(sl == m)
            idx = j * 16 + f3
            slp = jnp.where(lane == f3, jnp.float32(-1.0), sl)
            plsc.store_scatter(vs, [idx], jnp.full((16,), -1.0), mask=lane0)
            n1 = _bmax(slp, pin15)
            plsc.store_scatter(lvl1, [j], n1, mask=lane0)
            lvp = jnp.where(lane == f2, n1, lv)
            n2 = _bmax(lvp, pin15)
            l2p = jnp.where(lane == f, n2, l2sel)
            l2r = tuple(jnp.where(gs == t, l2p, l2r[t]) for t in range(NL2V))
            n3 = _bmax(l2p, pin15)
            l3 = jnp.where(lane == gs, n3, l3)
            m2 = _bmax(l3, pin15)
            ib = idx * 4
            bx1 = plsc.load_gather(vb, [ib])
            by1 = plsc.load_gather(vb, [ib + 1])
            bx2 = plsc.load_gather(vb, [ib + 2])
            by2 = plsc.load_gather(vb, [ib + 3])
            barea = (bx2 - bx1) * (by2 - by1)
            acc = jnp.zeros((16,), jnp.bool_)
            for t in range(KSL):
                tx1 = kx1[pl.ds(t * 16, 16)]
                ty1 = ky1[pl.ds(t * 16, 16)]
                tx2 = kx2[pl.ds(t * 16, 16)]
                ty2 = ky2[pl.ds(t * 16, 16)]
                ta = ka[pl.ds(t * 16, 16)]
                xx1 = jnp.maximum(tx1, bx1)
                yy1 = jnp.maximum(ty1, by1)
                xx2 = jnp.minimum(tx2, bx2)
                yy2 = jnp.minimum(ty2, by2)
                inter = (jnp.maximum(xx2 - xx1, 0.0)
                         * jnp.maximum(yy2 - yy1, 0.0))
                iou = inter / (ta + barea - inter + 1e-8)
                acc = jnp.logical_or(acc, iou >= IOU_THR)
            keep = jnp.logical_not(jnp.any(acc))

            @pl.when(keep)
            def _():
                kv = jnp.full((16,), k, jnp.int32)
                plsc.store_scatter(kx1, [kv], bx1, mask=lane0)
                plsc.store_scatter(ky1, [kv], by1, mask=lane0)
                plsc.store_scatter(kx2, [kv], bx2, mask=lane0)
                plsc.store_scatter(ky2, [kv], by2, mask=lane0)
                plsc.store_scatter(ka, [kv], barea, mask=lane0)
                kr = kv * 4
                plsc.store_scatter(kb, [kr], bx1, mask=lane0)
                plsc.store_scatter(kb, [kr + 1], by1, mask=lane0)
                plsc.store_scatter(kb, [kr + 2], bx2, mask=lane0)
                plsc.store_scatter(kb, [kr + 3], by2, mask=lane0)
                plsc.store_scatter(ksc, [kv], m, mask=lane0)
                plsc.store_scatter(kidx, [kv], idx, mask=lane0)

            k = k + keep.astype(jnp.int32)
            ok = jnp.any(m2 >= SCORE_THR)
            return (k, ok, m2, l3, l2r)

        lax.while_loop(cond, body,
                       (jnp.int32(0), jnp.any(m0 >= SCORE_THR), m0, l3,
                        tuple(l2list)))

        o1 = pltpu.async_copy(kb, obh, sem1)
        o1.wait()
        o2 = pltpu.async_copy(ksc, osch, sem1)
        o3 = pltpu.async_copy(kidx, oidxh, sem1)
        o2.wait()
        o3.wait()


def kernel(boxes, scores):
    mesh = plsc.VectorSubcoreMesh(
        core_axis_name="c", subcore_axis_name="s", num_cores=2, num_subcores=16)
    f32 = jnp.float32
    run = functools.partial(
        pl.kernel, mesh=mesh,
        compiler_params=pltpu.CompilerParams(needs_layout_passes=False),
        out_type=[jax.ShapeDtypeStruct((KCAP * 4,), f32),
                  jax.ShapeDtypeStruct((KCAP,), f32),
                  jax.ShapeDtypeStruct((KCAP,), jnp.int32)],
        scratch_types=[
            pltpu.VMEM((N * 4,), f32),
            pltpu.VMEM((NPAD,), f32),
            pltpu.VMEM((NL1,), f32),
            pltpu.VMEM((NL2,), f32),
            pltpu.VMEM((KCAP,), f32),
            pltpu.VMEM((KCAP,), f32),
            pltpu.VMEM((KCAP,), f32),
            pltpu.VMEM((KCAP,), f32),
            pltpu.VMEM((KCAP,), f32),
            pltpu.VMEM((KCAP * 4,), f32),
            pltpu.VMEM((KCAP,), f32),
            pltpu.VMEM((KCAP,), jnp.int32),
            pltpu.SemaphoreType.DMA,
        ],
    )(_nms_sc)
    ob, osc, oidx = run(boxes.reshape(N * 4), scores)
    kept_boxes = ob.reshape(KCAP, 4)[:MAX_OUT]
    return kept_boxes, osc[:MAX_OUT], oidx[:MAX_OUT]

# --- scband reference (transcript-rebuilt; emitter-appended) ---
"""Pipeline reference for scband-point-pillar-78924319031400 (READ-ONLY COPY).

The authoritative reference and input builder live on the scoring server;
editing this copy changes nothing except your own understanding.
"""

import jax, jax.numpy as jnp
import numpy as np

N = 20000
MAX_OUT = 100
IOU_THR = 0.5
SCORE_THR = 0.05


def setup_inputs(seed: int = 0) -> dict:
    key = jax.random.key(seed)
    k1, k2 = jax.random.split(key)
    raw = jax.random.uniform(k1, (N, 4), dtype=jnp.float32)
    # build valid corner-format boxes (x1, y1, x2, y2) from the uniform fill
    x1 = raw[:, 0] * 992.0
    y1 = raw[:, 1] * 992.0
    x2 = x1 + raw[:, 2] * 63.0 + 1.0
    y2 = y1 + raw[:, 3] * 63.0 + 1.0
    boxes = jnp.stack([x1, y1, x2, y2], axis=1)
    scores = jax.random.uniform(k2, (N,), dtype=jnp.float32)
    return {"boxes": boxes, "scores": scores}


def _greedy_nms(boxes, scores):
    area = (boxes[:, 2] - boxes[:, 0]) * (boxes[:, 3] - boxes[:, 1])
    s0 = jnp.where(scores >= SCORE_THR, scores, -1.0)

    def step(s, _):
        idx = jnp.argmax(s)
        sc = s[idx]
        box = boxes[idx]
        xx1 = jnp.maximum(boxes[:, 0], box[0])
        yy1 = jnp.maximum(boxes[:, 1], box[1])
        xx2 = jnp.minimum(boxes[:, 2], box[2])
        yy2 = jnp.minimum(boxes[:, 3], box[3])
        inter = jnp.maximum(xx2 - xx1, 0.0) * jnp.maximum(yy2 - yy1, 0.0)
        iou = inter / (area + area[idx] - inter + 1e-8)
        valid = sc > 0.0
        suppress = jnp.logical_and(valid, iou >= IOU_THR)
        s_new = jnp.where(suppress, -1.0, s)
        s_new = s_new.at[idx].set(-1.0)
        out_box = jnp.where(valid, box, jnp.zeros_like(box))
        out_sc = jnp.where(valid, sc, 0.0)
        out_idx = jnp.where(valid, idx.astype(jnp.int32), jnp.int32(-1))
        return s_new, (out_box, out_sc, out_idx)

    _, (kept_boxes, kept_scores, kept_idx) = jax.lax.scan(step, s0, None, length=MAX_OUT)
    return kept_boxes, kept_scores, kept_idx


def reference(boxes, scores):
    # PointPillar post-processing style greedy NMS:
    # score threshold -> iterative argmax selection -> IoU suppression -> top MAX_OUT kept
    kept_boxes, kept_scores, kept_idx = _greedy_nms(boxes, scores)
    return kept_boxes, kept_scores, kept_idx

if __name__ == "__main__":
    import jax
    _d = setup_inputs()
    print(jax.jit(kernel)(*tuple(_d.values())))

</pallas_src>

<mosaic_0001>
#map = affine_map<(d0, d1) -> (0)>
module attributes {stable_mosaic.version = 14 : i64} {
  func.func @_nms_sc(%arg0: i32, %arg1: i32, %arg2: memref<80000xf32, #tpu.memory_space<hbm>>, %arg3: memref<20000xf32, #tpu.memory_space<hbm>>, %arg4: memref<448xf32, #tpu.memory_space<hbm>>, %arg5: memref<112xf32, #tpu.memory_space<hbm>>, %arg6: memref<112xi32, #tpu.memory_space<hbm>>, %arg7: memref<80000xf32, #tpu.memory_space<vmem>>, %arg8: memref<20480xf32, #tpu.memory_space<vmem>>, %arg9: memref<1280xf32, #tpu.memory_space<vmem>>, %arg10: memref<80xf32, #tpu.memory_space<vmem>>, %arg11: memref<112xf32, #tpu.memory_space<vmem>>, %arg12: memref<112xf32, #tpu.memory_space<vmem>>, %arg13: memref<112xf32, #tpu.memory_space<vmem>>, %arg14: memref<112xf32, #tpu.memory_space<vmem>>, %arg15: memref<112xf32, #tpu.memory_space<vmem>>, %arg16: memref<448xf32, #tpu.memory_space<vmem>>, %arg17: memref<112xf32, #tpu.memory_space<vmem>>, %arg18: memref<112xi32, #tpu.memory_space<vmem>>, %arg19: memref<!tpu.dma_semaphore, #tpu.memory_space<semaphore_mem>>) attributes {dimension_semantics = [#tpu.dimension_semantics<core_parallel>, #tpu.dimension_semantics<subcore_parallel>], iteration_bounds = array<i64: 2, 16>, scalar_prefetch = 0 : i64, scratch_operands = 13 : i64, tpu.core_type = #tpu.core_type<sc_vector_subcore>, window_params = [{transform_indices = #map}, {transform_indices = #map}, {transform_indices = #map}, {transform_indices = #map}, {transform_indices = #map}]} {
    %eq3A = arith.constant 0 : i32
    %eq3A_0 = arith.cmpi eq, %arg0, %eq3A : i32
    %eq3A_1 = arith.constant 0 : i32
    %eq3A_2 = arith.cmpi eq, %arg1, %eq3A_1 : i32
    %and3A = arith.andi %eq3A_0, %eq3A_2 : i1
    %convert_element_type3A = arith.extui %and3A : i1 to i32
    %cond3A = arith.constant 0 : i32
    %cond3A_3 = arith.cmpi ne, %convert_element_type3A, %cond3A : i32
    scf.if %cond3A_3 {
      %iota3A = tpu.iota {dimensions = array<i32: 0>} : vector<16xi32>
      %eq3A_4 = arith.constant 0 : i32
      %eq3A_5 = vector.broadcast %eq3A_4 : i32 to vector<16xi32>
      %eq3A_6 = arith.cmpi eq, %iota3A, %eq3A_5 : vector<16xi32>
      %broadcast_in_dim3A = arith.constant 15 : i32
      %broadcast_in_dim3A_7 = vector.broadcast %broadcast_in_dim3A : i32 to vector<16xi32>
      tpu.enqueue_dma source(%arg2 : memref<80000xf32, #tpu.memory_space<hbm>>) target(%arg7 : memref<80000xf32, #tpu.memory_space<vmem>>) target_semaphore(%arg19 : memref<!tpu.dma_semaphore, #tpu.memory_space<semaphore_mem>>)
      "tpu.region"() ({
        %run_scoped3A = tpu.sem_alloc : memref<!tpu.dma_semaphore, #tpu.memory_space<semaphore_mem>>
        %dma_start3A = arith.constant 0 : i32
        %dma_start3A_1169 = tpu.memref_slice %arg8[%dma_start3A] : memref<20480xf32, #tpu.memory_space<vmem>> -> memref<20000xf32, #tpu.memory_space<vmem>>
        %dma_start3A_1170 = arith.constant 0 : i32
        %dma_start3A_1171 = tpu.memref_slice %arg8[%dma_start3A_1170] : memref<20480xf32, #tpu.memory_space<vmem>> -> memref<20000xf32, #tpu.memory_space<vmem>>
        tpu.enqueue_dma source(%arg3 : memref<20000xf32, #tpu.memory_space<hbm>>) target(%dma_start3A_1171 : memref<20000xf32, #tpu.memory_space<vmem>>) target_semaphore(%run_scoped3A : memref<!tpu.dma_semaphore, #tpu.memory_space<semaphore_mem>>)
        %dma_wait3A = arith.constant 0 : i32
        %dma_wait3A_1172 = tpu.memref_slice %arg8[%dma_wait3A] : memref<20480xf32, #tpu.memory_space<vmem>> -> memref<20000xf32, #tpu.memory_space<vmem>>
        %dma_wait3A_1173 = arith.constant 0 : i32
        %dma_wait3A_1174 = tpu.memref_slice %arg8[%dma_wait3A_1173] : memref<20480xf32, #tpu.memory_space<vmem>> -> memref<20000xf32, #tpu.memory_space<vmem>>
        tpu.wait_dma2 semaphore(%run_scoped3A : memref<!tpu.dma_semaphore, #tpu.memory_space<semaphore_mem>>) src(%arg3 : memref<20000xf32, #tpu.memory_space<hbm>>) dst(%dma_wait3A_1174 : memref<20000xf32, #tpu.memory_space<vmem>>)
        tpu.yield
      }) : () -> ()
      %broadcast_in_dim3A_8 = arith.constant -1.000000e+00 : f32
      %broadcast_in_dim3A_9 = vector.broadcast %broadcast_in_dim3A_8 : f32 to vector<16xf32>
      %swap3A = arith.constant 20000 : index
      %swap3A_10 = tpu.vector_load %arg8[%swap3A] {strides = array<i32>} : memref<20480xf32, #tpu.memory_space<vmem>>, vector<16xf32>,
      tpu.vector_store %arg8[%swap3A], %broadcast_in_dim3A_9 {strides = array<i32>} : memref<20480xf32, #tpu.memory_space<vmem>>, vector<16xf32>,
      %swap3A_11 = arith.constant 20016 : index
      %swap3A_12 = tpu.vector_load %arg8[%swap3A_11] {strides = array<i32>} : memref<20480xf32, #tpu.memory_space<vmem>>, vector<16xf32>,
      tpu.vector_store %arg8[%swap3A_11], %broadcast_in_dim3A_9 {strides = array<i32>} : memref<20480xf32, #tpu.memory_space<vmem>>, vector<16xf32>,
      %swap3A_13 = arith.constant 20032 : index
      %swap3A_14 = tpu.vector_load %arg8[%swap3A_13] {strides = array<i32>} : memref<20480xf32, #tpu.memory_space<vmem>>, vector<16xf32>,
      tpu.vector_store %arg8[%swap3A_13], %broadcast_in_dim3A_9 {strides = array<i32>} : memref<20480xf32, #tpu.memory_space<vmem>>, vector<16xf32>,
      %swap3A_15 = arith.constant 20048 : index
      %swap3A_16 = tpu.vector_load %arg8[%swap3A_15] {strides = array<i32>} : memref<20480xf32, #tpu.memory_space<vmem>>, vector<16xf32>,
      tpu.vector_store %arg8[%swap3A_15], %broadcast_in_dim3A_9 {strides = array<i32>} : memref<20480xf32, #tpu.memory_space<vmem>>, vector<16xf32>,
      %swap3A_17 = arith.constant 20064 : index
      %swap3A_18 = tpu.vector_load %arg8[%swap3A_17] {strides = array<i32>} : memref<20480xf32, #tpu.memory_space<vmem>>, vector<16xf32>,
      tpu.vector_store %arg8[%swap3A_17], %broadcast_in_dim3A_9 {strides = array<i32>} : memref<20480xf32, #tpu.memory_space<vmem>>, vector<16xf32>,
      %swap3A_19 = arith.constant 20080 : index
      %swap3A_20 = tpu.vector_load %arg8[%swap3A_19] {strides = array<i32>} : memref<20480xf32, #tpu.memory_space<vmem>>, vector<16xf32>,
      tpu.vector_store %arg8[%swap3A_19], %broadcast_in_dim3A_9 {strides = array<i32>} : memref<20480xf32, #tpu.memory_space<vmem>>, vector<16xf32>,
      %swap3A_21 = arith.constant 20096 : index
      %swap3A_22 = tpu.vector_load %arg8[%swap3A_21] {strides = array<i32>} : memref<20480xf32, #tpu.memory_space<vmem>>, vector<16xf32>,
      tpu.vector_store %arg8[%swap3A_21], %broadcast_in_dim3A_9 {strides = array<i32>} : memref<20480xf32, #tpu.memory_space<vmem>>, vector<16xf32>,
      %swap3A_23 = arith.constant 20112 : index
      %swap3A_24 = tpu.vector_load %arg8[%swap3A_23] {strides = array<i32>} : memref<20480xf32, #tpu.memory_space<vmem>>, vector<16xf32>,
      tpu.vector_store %arg8[%swap3A_23], %broadcast_in_dim3A_9 {strides = array<i32>} : memref<20480xf32, #tpu.memory_space<vmem>>, vector<16xf32>,
      %swap3A_25 = arith.constant 20128 : index
      %swap3A_26 = tpu.vector_load %arg8[%swap3A_25] {strides = array<i32>} : memref<20480xf32, #tpu.memory_space<vmem>>, vector<16xf32>,
      tpu.vector_store %arg8[%swap3A_25], %broadcast_in_dim3A_9 {strides = array<i32>} : memref<20480xf32, #tpu.memory_space<vmem>>, vector<16xf32>,
      %swap3A_27 = arith.constant 20144 : index
      %swap3A_28 = tpu.vector_load %arg8[%swap3A_27] {strides = array<i32>} : memref<20480xf32, #tpu.memory_space<vmem>>, vector<16xf32>,
      tpu.vector_store %arg8[%swap3A_27], %broadcast_in_dim3A_9 {strides = array<i32>} : memref<20480xf32, #tpu.memory_space<vmem>>, vector<16xf32>,
      %swap3A_29 = arith.constant 20160 : index
      %swap3A_30 = tpu.vector_load %arg8[%swap3A_29] {strides = array<i32>} : memref<20480xf32, #tpu.memory_space<vmem>>, vector<16xf32>,
      tpu.vector_store %arg8[%swap3A_29], %broadcast_in_dim3A_9 {strides = array<i32>} : memref<20480xf32, #tpu.memory_space<vmem>>, vector<16xf32>,
      %swap3A_31 = arith.constant 20176 : index
      %swap3A_32 = tpu.vector_load %arg8[%swap3A_31] {strides = array<i32>} : memref<20480xf32, #tpu.memory_space<vmem>>, vector<16xf32>,
      tpu.vector_store %arg8[%swap3A_31], %broadcast_in_dim3A_9 {strides = array<i32>} : memref<20480xf32, #tpu.memory_space<vmem>>, vector<16xf32>,
      %swap3A_33 = arith.constant 20192 : index
      %swap3A_34 = tpu.vector_load %arg8[%swap3A_33] {strides = array<i32>} : memref<20480xf32, #tpu.memory_space<vmem>>, vector<16xf32>,
      tpu.vector_store %arg8[%swap3A_33], %broadcast_in_dim3A_9 {strides = array<i32>} : memref<20480xf32, #tpu.memory_space<vmem>>, vector<16xf32>,
      %swap3A_35 = arith.constant 20208 : index
      %swap3A_36 = tpu.vector_load %arg8[%swap3A_35] {strides = array<i32>} : memref<20480xf32, #tpu.memory_space<vmem>>, vector<16xf32>,
      tpu.vector_store %arg8[%swap3A_35], %broadcast_in_dim3A_9 {strides = array<i32>} : memref<20480xf32, #tpu.memory_space<vmem>>, vector<16xf32>,
      %swap3A_37 = arith.constant 20224 : index
      %swap3A_38 = tpu.vector_load %arg8[%swap3A_37] {strides = array<i32>} : memref<20480xf32, #tpu.memory_space<vmem>>, vector<16xf32>,
      tpu.vector_store %arg8[%swap3A_37], %broadcast_in_dim3A_9 {strides = array<i32>} : memref<20480xf32, #tpu.memory_space<vmem>>, vector<16xf32>,
      %swap3A_39 = arith.constant 20240 : index
      %swap3A_40 = tpu.vector_load %arg8[%swap3A_39] {strides = array<i32>} : memref<20480xf32, #tpu.memory_space<vmem>>, vector<16xf32>,
      tpu.vector_store %arg8[%swap3A_39], %broadcast_in_dim3A_9 {strides = array<i32>} : memref<20480xf32, #tpu.memory_space<vmem>>, vector<16xf32>,
      %swap3A_41 = arith.constant 20256 : index
      %swap3A_42 = tpu.vector_load %arg8[%swap3A_41] {strides = array<i32>} : memref<20480xf32, #tpu.memory_space<vmem>>, vector<16xf32>,
      tpu.vector_store %arg8[%swap3A_41], %broadcast_in_dim3A_9 {strides = array<i32>} : memref<20480xf32, #tpu.memory_space<vmem>>, vector<16xf32>,
      %swap3A_43 = arith.constant 20272 : index
      %swap3A_44 = tpu.vector_load %arg8[%swap3A_43] {strides = array<i32>} : memref<20480xf32, #tpu.memory_space<vmem>>, vector<16xf32>,
      tpu.vector_store %arg8[%swap3A_43], %broadcast_in_dim3A_9 {strides = array<i32>} : memref<20480xf32, #tpu.memory_space<vmem>>, vector<16xf32>,
      %swap3A_45 = arith.constant 20288 : index
      %swap3A_46 = tpu.vector_load %arg8[%swap3A_45] {strides = array<i32>} : memref<20480xf32, #tpu.memory_space<vmem>>, vector<16xf32>,
      tpu.vector_store %arg8[%swap3A_45], %broadcast_in_dim3A_9 {strides = array<i32>} : memref<20480xf32, #tpu.memory_space<vmem>>, vector<16xf32>,
      %swap3A_47 = arith.constant 20304 : index
      %swap3A_48 = tpu.vector_load %arg8[%swap3A_47] {strides = array<i32>} : memref<20480xf32, #tpu.memory_space<vmem>>, vector<16xf32>,
      tpu.vector_store %arg8[%swap3A_47], %broadcast_in_dim3A_9 {strides = array<i32>} : memref<20480xf32, #tpu.memory_space<vmem>>, vector<16xf32>,
      %swap3A_49 = arith.constant 20320 : index
      %swap3A_50 = tpu.vector_load %arg8[%swap3A_49] {strides = array<i32>} : memref<20480xf32, #tpu.memory_space<vmem>>, vector<16xf32>,
      tpu.vector_store %arg8[%swap3A_49], %broadcast_in_dim3A_9 {strides = array<i32>} : memref<20480xf32, #tpu.memory_space<vmem>>, vector<16xf32>,
      %swap3A_51 = arith.constant 20336 : index
      %swap3A_52 = tpu.vector_load %arg8[%swap3A_51] {strides = array<i32>} : memref<20480xf32, #tpu.memory_space<vmem>>, vector<16xf32>,
      tpu.vector_store %arg8[%swap3A_51], %broadcast_in_dim3A_9 {strides = array<i32>} : memref<20480xf32, #tpu.memory_space<vmem>>, vector<16xf32>,
      %swap3A_53 = arith.constant 20352 : index
      %swap3A_54 = tpu.vector_load %arg8[%swap3A_53] {strides = array<i32>} : memref<20480xf32, #tpu.memory_space<vmem>>, vector<16xf32>,
      tpu.vector_store %arg8[%swap3A_53], %broadcast_in_dim3A_9 {strides = array<i32>} : memref<20480xf32, #tpu.memory_space<vmem>>, vector<16xf32>,
      %swap3A_55 = arith.constant 20368 : index
      %swap3A_56 = tpu.vector_load %arg8[%swap3A_55] {strides = array<i32>} : memref<20480xf32, #tpu.memory_space<vmem>>, vector<16xf32>,
      tpu.vector_store %arg8[%swap3A_55], %broadcast_in_dim3A_9 {strides = array<i32>} : memref<20480xf32, #tpu.memory_space<vmem>>, vector<16xf32>,
      %swap3A_57 = arith.constant 20384 : index
      %swap3A_58 = tpu.vector_load %arg8[%swap3A_57] {strides = array<i32>} : memref<20480xf32, #tpu.memory_space<vmem>>, vector<16xf32>,
      tpu.vector_store %arg8[%swap3A_57], %broadcast_in_dim3A_9 {strides = array<i32>} : memref<20480xf32, #tpu.memory_space<vmem>>, vector<16xf32>,
      %swap3A_59 = arith.constant 20400 : index
      %swap3A_60 = tpu.vector_load %arg8[%swap3A_59] {strides = array<i32>} : memref<20480xf32, #tpu.memory_space<vmem>>, vector<16xf32>,
      tpu.vector_store %arg8[%swap3A_59], %broadcast_in_dim3A_9 {strides = array<i32>} : memref<20480xf32, #tpu.memory_space<vmem>>, vector<16xf32>,
      %swap3A_61 = arith.constant 20416 : index
      %swap3A_62 = tpu.vector_load %arg8[%swap3A_61] {strides = array<i32>} : memref<20480xf32, #tpu.memory_space<vmem>>, vector<16xf32>,
      tpu.vector_store %arg8[%swap3A_61], %broadcast_in_dim3A_9 {strides = array<i32>} : memref<20480xf32, #tpu.memory_space<vmem>>, vector<16xf32>,
      %swap3A_63 = arith.constant 20432 : index
      %swap3A_64 = tpu.vector_load %arg8[%swap3A_63] {strides = array<i32>} : memref<20480xf32, #tpu.memory_space<vmem>>, vector<16xf32>,
      tpu.vector_store %arg8[%swap3A_63], %broadcast_in_dim3A_9 {strides = array<i32>} : memref<20480xf32, #tpu.memory_space<vmem>>, vector<16xf32>,
      %swap3A_65 = arith.constant 20448 : index
      %swap3A_66 = tpu.vector_load %arg8[%swap3A_65] {strides = array<i32>} : memref<20480xf32, #tpu.memory_space<vmem>>, vector<16xf32>,
      tpu.vector_store %arg8[%swap3A_65], %broadcast_in_dim3A_9 {strides = array<i32>} : memref<20480xf32, #tpu.memory_space<vmem>>, vector<16xf32>,
      %swap3A_67 = arith.constant 20464 : index
      %swap3A_68 = tpu.vector_load %arg8[%swap3A_67] {strides = array<i32>} : memref<20480xf32, #tpu.memory_space<vmem>>, vector<16xf32>,
      tpu.vector_store %arg8[%swap3A_67], %broadcast_in_dim3A_9 {strides = array<i32>} : memref<20480xf32, #tpu.memory_space<vmem>>, vector<16xf32>,
      %broadcast_in_dim3A_69 = arith.constant 0.000000e+00 : f32
      %broadcast_in_dim3A_70 = vector.broadcast %broadcast_in_dim3A_69 : f32 to vector<16xf32>
      %swap3A_71 = arith.constant 0 : index
      %swap3A_72 = tpu.vector_load %arg11[%swap3A_71] {strides = array<i32>} : memref<112xf32, #tpu.memory_space<vmem>>, vector<16xf32>,
      tpu.vector_store %arg11[%swap3A_71], %broadcast_in_dim3A_70 {strides = array<i32>} : memref<112xf32, #tpu.memory_space<vmem>>, vector<16xf32>,
      %swap3A_73 = arith.constant 0 : index
      %swap3A_74 = tpu.vector_load %arg12[%swap3A_73] {strides = array<i32>} : memref<112xf32, #tpu.memory_space<vmem>>, vector<16xf32>,
      tpu.vector_store %arg12[%swap3A_73], %broadcast_in_dim3A_70 {strides = array<i32>} : memref<112xf32, #tpu.memory_space<vmem>>, vector<16xf32>,
      %swap3A_75 = arith.constant 0 : index
      %swap3A_76 = tpu.vector_load %arg13[%swap3A_75] {strides = array<i32>} : memref<112xf32, #tpu.memory_space<vmem>>, vector<16xf32>,
      tpu.vector_store %arg13[%swap3A_75], %broadcast_in_dim3A_70 {strides = array<i32>} : memref<112xf32, #tpu.memory_space<vmem>>, vector<16xf32>,
      %swap3A_77 = arith.constant 0 : index
      %swap3A_78 = tpu.vector_load %arg14[%swap3A_77] {strides = array<i32>} : memref<112xf32, #tpu.memory_space<vmem>>, vector<16xf32>,
      tpu.vector_store %arg14[%swap3A_77], %broadcast_in_dim3A_70 {strides = array<i32>} : memref<112xf32, #tpu.memory_space<vmem>>, vector<16xf32>,
      %swap3A_79 = arith.constant 0 : index
      %swap3A_80 = tpu.vector_load %arg15[%swap3A_79] {strides = array<i32>} : memref<112xf32, #tpu.memory_space<vmem>>, vector<16xf32>,
      tpu.vector_store %arg15[%swap3A_79], %broadcast_in_dim3A_70 {strides = array<i32>} : memref<112xf32, #tpu.memory_space<vmem>>, vector<16xf32>,
      %swap3A_81 = arith.constant 0 : index
      %swap3A_82 = tpu.vector_load %arg17[%swap3A_81] {strides = array<i32>} : memref<112xf32, #tpu.memory_space<vmem>>, vector<16xf32>,
      tpu.vector_store %arg17[%swap3A_81], %broadcast_in_dim3A_70 {strides = array<i32>} : memref<112xf32, #tpu.memory_space<vmem>>, vector<16xf32>,
      %broadcast_in_dim3A_83 = arith.constant -1 : i32
      %broadcast_in_dim3A_84 = vector.broadcast %broadcast_in_dim3A_83 : i32 to vector<16xi32>
      %swap3A_85 = arith.constant 0 : index
      %swap3A_86 = tpu.vector_load %arg18[%swap3A_85] {strides = array<i32>} : memref<112xi32, #tpu.memory_space<vmem>>, vector<16xi32>,
      tpu.vector_store %arg18[%swap3A_85], %broadcast_in_dim3A_84 {strides = array<i32>} : memref<112xi32, #tpu.memory_space<vmem>>, vector<16xi32>,
      %swap3A_87 = arith.constant 16 : index
      %swap3A_88 = tpu.vector_load %arg11[%swap3A_87] {strides = array<i32>} : memref<112xf32, #tpu.memory_space<vmem>>, vector<16xf32>,
      tpu.vector_store %arg11[%swap3A_87], %broadcast_in_dim3A_70 {strides = array<i32>} : memref<112xf32, #tpu.memory_space<vmem>>, vector<16xf32>,
      %swap3A_89 = arith.constant 16 : index
      %swap3A_90 = tpu.vector_load %arg12[%swap3A_89] {strides = array<i32>} : memref<112xf32, #tpu.memory_space<vmem>>, vector<16xf32>,
      tpu.vector_store %arg12[%swap3A_89], %broadcast_in_dim3A_70 {strides = array<i32>} : memref<112xf32, #tpu.memory_space<vmem>>, vector<16xf32>,
      %swap3A_91 = arith.constant 16 : index
      %swap3A_92 = tpu.vector_load %arg13[%swap3A_91] {strides = array<i32>} : memref<112xf32, #tpu.memory_space<vmem>>, vector<16xf32>,
      tpu.vector_store %arg13[%swap3A_91], %broadcast_in_dim3A_70 {strides = array<i32>} : memref<112xf32, #tpu.memory_space<vmem>>, vector<16xf32>,
      %swap3A_93 = arith.constant 16 : index
      %swap3A_94 = tpu.vector_load %arg14[%swap3A_93] {strides = array<i32>} : memref<112xf32, #tpu.memory_space<vmem>>, vector<16xf32>,
      tpu.vector_store %arg14[%swap3A_93], %broadcast_in_dim3A_70 {strides = array<i32>} : memref<112xf32, #tpu.memory_space<vmem>>, vector<16xf32>,
      %swap3A_95 = arith.constant 16 : index
      %swap3A_96 = tpu.vector_load %arg15[%swap3A_95] {strides = array<i32>} : memref<112xf32, #tpu.memory_space<vmem>>, vector<16xf32>,
      tpu.vector_store %arg15[%swap3A_95], %broadcast_in_dim3A_70 {strides = array<i32>} : memref<112xf32, #tpu.memory_space<vmem>>, vector<16xf32>,
      %swap3A_97 = arith.constant 16 : index
      %swap3A_98 = tpu.vector_load %arg17[%swap3A_97] {strides = array<i32>} : memref<112xf32, #tpu.memory_space<vmem>>, vector<16xf32>,
      tpu.vector_store %arg17[%swap3A_97], %broadcast_in_dim3A_70 {strides = array<i32>} : memref<112xf32, #tpu.memory_space<vmem>>, vector<16xf32>,
      %broadcast_in_dim3A_99 = arith.constant -1 : i32
      %broadcast_in_dim3A_100 = vector.broadcast %broadcast_in_dim3A_99 : i32 to vector<16xi32>
      %swap3A_101 = arith.constant 16 : index
      %swap3A_102 = tpu.vector_load %arg18[%swap3A_101] {strides = array<i32>} : memref<112xi32, #tpu.memory_space<vmem>>, vector<16xi32>,
      tpu.vector_store %arg18[%swap3A_101], %broadcast_in_dim3A_100 {strides = array<i32>} : memref<112xi32, #tpu.memory_space<vmem>>, vector<16xi32>,
      %swap3A_103 = arith.constant 32 : index
      %swap3A_104 = tpu.vector_load %arg11[%swap3A_103] {strides = array<i32>} : memref<112xf32, #tpu.memory_space<vmem>>, vector<16xf32>,
      tpu.vector_store %arg11[%swap3A_103], %broadcast_in_dim3A_70 {strides = array<i32>} : memref<112xf32, #tpu.memory_space<vmem>>, vector<16xf32>,
      %swap3A_105 = arith.constant 32 : index
      %swap3A_106 = tpu.vector_load %arg12[%swap3A_105] {strides = array<i32>} : memref<112xf32, #tpu.memory_space<vmem>>, vector<16xf32>,
      tpu.vector_store %arg12[%swap3A_105], %broadcast_in_dim3A_70 {strides = array<i32>} : memref<112xf32, #tpu.memory_space<vmem>>, vector<16xf32>,
      %swap3A_107 = arith.constant 32 : index
      %swap3A_108 = tpu.vector_load %arg13[%swap3A_107] {strides = array<i32>} : memref<112xf32, #tpu.memory_space<vmem>>, vector<16xf32>,
      tpu.vector_store %arg13[%swap3A_107], %broadcast_in_dim3A_70 {strides = array<i32>} : memref<112xf32, #tpu.memory_space<vmem>>, vector<16xf32>,
      %swap3A_109 = arith.constant 32 : index
      %swap3A_110 = tpu.vector_load %arg14[%swap3A_109] {strides = array<i32>} : memref<112xf32, #tpu.memory_space<vmem>>, vector<16xf32>,
      tpu.vector_store %arg14[%swap3A_109], %broadcast_in_dim3A_70 {strides = array<i32>} : memref<112xf32, #tpu.memory_space<vmem>>, vector<16xf32>,
      %swap3A_111 = arith.constant 32 : index
      %swap3A_112 = tpu.vector_load %arg15[%swap3A_111] {strides = array<i32>} : memref<112xf32, #tpu.memory_space<vmem>>, vector<16xf32>,
      tpu.vector_store %arg15[%swap3A_111], %broadcast_in_dim3A_70 {strides = array<i32>} : memref<112xf32, #tpu.memory_space<vmem>>, vector<16xf32>,
      %swap3A_113 = arith.constant 32 : index
      %swap3A_114 = tpu.vector_load %arg17[%swap3A_113] {strides = array<i32>} : memref<112xf32, #tpu.memory_space<vmem>>, vector<16xf32>,
      tpu.vector_store %arg17[%swap3A_113], %broadcast_in_dim3A_70 {strides = array<i32>} : memref<112xf32, #tpu.memory_space<vmem>>, vector<16xf32>,
      %broadcast_in_dim3A_115 = arith.constant -1 : i32
      %broadcast_in_dim3A_116 = vector.broadcast %broadcast_in_dim3A_115 : i32 to vector<16xi32>
      %swap3A_117 = arith.constant 32 : index
      %swap3A_118 = tpu.vector_load %arg18[%swap3A_117] {strides = array<i32>} : memref<112xi32, #tpu.memory_space<vmem>>, vector<16xi32>,
      tpu.vector_store %arg18[%swap3A_117], %broadcast_in_dim3A_116 {strides = array<i32>} : memref<112xi32, #tpu.memory_space<vmem>>, vector<16xi32>,
      %swap3A_119 = arith.constant 48 : index
      %swap3A_120 = tpu.vector_load %arg11[%swap3A_119] {strides = array<i32>} : memref<112xf32, #tpu.memory_space<vmem>>, vector<16xf32>,
      tpu.vector_store %arg11[%swap3A_119], %broadcast_in_dim3A_70 {strides = array<i32>} : memref<112xf32, #tpu.memory_space<vmem>>, vector<16xf32>,
      %swap3A_121 = arith.constant 48 : index
      %swap3A_122 = tpu.vector_load %arg12[%swap3A_121] {strides = array<i32>} : memref<112xf32, #tpu.memory_space<vmem>>, vector<16xf32>,
      tpu.vector_store %arg12[%swap3A_121], %broadcast_in_dim3A_70 {strides = array<i32>} : memref<112xf32, #tpu.memory_space<vmem>>, vector<16xf32>,
      %swap3A_123 = arith.constant 48 : index
      %swap3A_124 = tpu.vector_load %arg13[%swap3A_123] {strides = array<i32>} : memref<112xf32, #tpu.memory_space<vmem>>, vector<16xf32>,
      tpu.vector_store %arg13[%swap3A_123], %broadcast_in_dim3A_70 {strides = array<i32>} : memref<112xf32, #tpu.memory_space<vmem>>, vector<16xf32>,
      %swap3A_125 = arith.constant 48 : index
      %swap3A_126 = tpu.vector_load %arg14[%swap3A_125] {strides = array<i32>} : memref<112xf32, #tpu.memory_space<vmem>>, vector<16xf32>,
      tpu.vector_store %arg14[%swap3A_125], %broadcast_in_dim3A_70 {strides = array<i32>} : memref<112xf32, #tpu.memory_space<vmem>>, vector<16xf32>,
      %swap3A_127 = arith.constant 48 : index
      %swap3A_128 = tpu.vector_load %arg15[%swap3A_127] {strides = array<i32>} : memref<112xf32, #tpu.memory_space<vmem>>, vector<16xf32>,
      tpu.vector_store %arg15[%swap3A_127], %broadcast_in_dim3A_70 {strides = array<i32>} : memref<112xf32, #tpu.memory_space<vmem>>, vector<16xf32>,
      %swap3A_129 = arith.constant 48 : index
      %swap3A_130 = tpu.vector_load %arg17[%swap3A_129] {strides = array<i32>} : memref<112xf32, #tpu.memory_space<vmem>>, vector<16xf32>,
      tpu.vector_store %arg17[%swap3A_129], %broadcast_in_dim3A_70 {strides = array<i32>} : memref<112xf32, #tpu.memory_space<vmem>>, vector<16xf32>,
      %broadcast_in_dim3A_131 = arith.constant -1 : i32
      %broadcast_in_dim3A_132 = vector.broadcast %broadcast_in_dim3A_131 : i32 to vector<16xi32>
      %swap3A_133 = arith.constant 48 : index
      %swap3A_134 = tpu.vector_load %arg18[%swap3A_133] {strides = array<i32>} : memref<112xi32, #tpu.memory_space<vmem>>, vector<16xi32>,
      tpu.vector_store %arg18[%swap3A_133], %broadcast_in_dim3A_132 {strides = array<i32>} : memref<112xi32, #tpu.memory_space<vmem>>, vector<16xi32>,
      %swap3A_135 = arith.constant 64 : index
      %swap3A_136 = tpu.vector_load %arg11[%swap3A_135] {strides = array<i32>} : memref<112xf32, #tpu.memory_space<vmem>>, vector<16xf32>,
      tpu.vector_store %arg11[%swap3A_135], %broadcast_in_dim3A_70 {strides = array<i32>} : memref<112xf32, #tpu.memory_space<vmem>>, vector<16xf32>,
      %swap3A_137 = arith.constant 64 : index
      %swap3A_138 = tpu.vector_load %arg12[%swap3A_137] {strides = array<i32>} : memref<112xf32, #tpu.memory_space<vmem>>, vector<16xf32>,
      tpu.vector_store %arg12[%swap3A_137], %broadcast_in_dim3A_70 {strides = array<i32>} : memref<112xf32, #tpu.memory_space<vmem>>, vector<16xf32>,
      %swap3A_139 = arith.constant 64 : index
      %swap3A_140 = tpu.vector_load %arg13[%swap3A_139] {strides = array<i32>} : memref<112xf32, #tpu.memory_space<vmem>>, vector<16xf32>,
      tpu.vector_store %arg13[%swap3A_139], %broadcast_in_dim3A_70 {strides = array<i32>} : memref<112xf32, #tpu.memory_space<vmem>>, vector<16xf32>,
      %swap3A_141 = arith.constant 64 : index
      %swap3A_142 = tpu.vector_load %arg14[%swap3A_141] {strides = array<i32>} : memref<112xf32, #tpu.memory_space<vmem>>, vector<16xf32>,
      tpu.vector_store %arg14[%swap3A_141], %broadcast_in_dim3A_70 {strides = array<i32>} : memref<112xf32, #tpu.memory_space<vmem>>, vector<16xf32>,
      %swap3A_143 = arith.constant 64 : index
      %swap3A_144 = tpu.vector_load %arg15[%swap3A_143] {strides = array<i32>} : memref<112xf32, #tpu.memory_space<vmem>>, vector<16xf32>,
      tpu.vector_store %arg15[%swap3A_143], %broadcast_in_dim3A_70 {strides = array<i32>} : memref<112xf32, #tpu.memory_space<vmem>>, vector<16xf32>,
      %swap3A_145 = arith.constant 64 : index
      %swap3A_146 = tpu.vector_load %arg17[%swap3A_145] {strides = array<i32>} : memref<112xf32, #tpu.memory_space<vmem>>, vector<16xf32>,
      tpu.vector_store %arg17[%swap3A_145], %broadcast_in_dim3A_70 {strides = array<i32>} : memref<112xf32, #tpu.memory_space<vmem>>, vector<16xf32>,
      %broadcast_in_dim3A_147 = arith.constant -1 : i32
      %broadcast_in_dim3A_148 = vector.broadcast %broadcast_in_dim3A_147 : i32 to vector<16xi32>
      %swap3A_149 = arith.constant 64 : index
      %swap3A_150 = tpu.vector_load %arg18[%swap3A_149] {strides = array<i32>} : memref<112xi32, #tpu.memory_space<vmem>>, vector<16xi32>,
      tpu.vector_store %arg18[%swap3A_149], %broadcast_in_dim3A_148 {strides = array<i32>} : memref<112xi32, #tpu.memory_space<vmem>>, vector<16xi32>,
      %swap3A_151 = arith.constant 80 : index
      %swap3A_152 = tpu.vector_load %arg11[%swap3A_151] {strides = array<i32>} : memref<112xf32, #tpu.memory_space<vmem>>, vector<16xf32>,
      tpu.vector_store %arg11[%swap3A_151], %broadcast_in_dim3A_70 {strides = array<i32>} : memref<112xf32, #tpu.memory_space<vmem>>, vector<16xf32>,
      %swap3A_153 = arith.constant 80 : index
      %swap3A_154 = tpu.vector_load %arg12[%swap3A_153] {strides = array<i32>} : memref<112xf32, #tpu.memory_space<vmem>>, vector<16xf32>,
      tpu.vector_store %arg12[%swap3A_153], %broadcast_in_dim3A_70 {strides = array<i32>} : memref<112xf32, #tpu.memory_space<vmem>>, vector<16xf32>,
      %swap3A_155 = arith.constant 80 : index
      %swap3A_156 = tpu.vector_load %arg13[%swap3A_155] {strides = array<i32>} : memref<112xf32, #tpu.memory_space<vmem>>, vector<16xf32>,
      tpu.vector_store %arg13[%swap3A_155], %broadcast_in_dim3A_70 {strides = array<i32>} : memref<112xf32, #tpu.memory_space<vmem>>, vector<16xf32>,
      %swap3A_157 = arith.constant 80 : index
      %swap3A_158 = tpu.vector_load %arg14[%swap3A_157] {strides = array<i32>} : memref<112xf32, #tpu.memory_space<vmem>>, vector<16xf32>,
      tpu.vector_store %arg14[%swap3A_157], %broadcast_in_dim3A_70 {strides = array<i32>} : memref<112xf32, #tpu.memory_space<vmem>>, vector<16xf32>,
      %swap3A_159 = arith.constant 80 : index
      %swap3A_160 = tpu.vector_load %arg15[%swap3A_159] {strides = array<i32>} : memref<112xf32, #tpu.memory_space<vmem>>, vector<16xf32>,
      tpu.vector_store %arg15[%swap3A_159], %broadcast_in_dim3A_70 {strides = array<i32>} : memref<112xf32, #tpu.memory_space<vmem>>, vector<16xf32>,
      %swap3A_161 = arith.constant 80 : index
      %swap3A_162 = tpu.vector_load %arg17[%swap3A_161] {strides = array<i32>} : memref<112xf32, #tpu.memory_space<vmem>>, vector<16xf32>,
      tpu.vector_store %arg17[%swap3A_161], %broadcast_in_dim3A_70 {strides = array<i32>} : memref<112xf32, #tpu.memory_space<vmem>>, vector<16xf32>,
      %broadcast_in_dim3A_163 = arith.constant -1 : i32
      %broadcast_in_dim3A_164 = vector.broadcast %broadcast_in_dim3A_163 : i32 to vector<16xi32>
      %swap3A_165 = arith.constant 80 : index
      %swap3A_166 = tpu.vector_load %arg18[%swap3A_165] {strides = array<i32>} : memref<112xi32, #tpu.memory_space<vmem>>, vector<16xi32>,
      tpu.vector_store %arg18[%swap3A_165], %broadcast_in_dim3A_164 {strides = array<i32>} : memref<112xi32, #tpu.memory_space<vmem>>, vector<16xi32>,
      %swap3A_167 = arith.constant 96 : index
      %swap3A_168 = tpu.vector_load %arg11[%swap3A_167] {strides = array<i32>} : memref<112xf32, #tpu.memory_space<vmem>>, vector<16xf32>,
      tpu.vector_store %arg11[%swap3A_167], %broadcast_in_dim3A_70 {strides = array<i32>} : memref<112xf32, #tpu.memory_space<vmem>>, vector<16xf32>,
      %swap3A_169 = arith.constant 96 : index
      %swap3A_170 = tpu.vector_load %arg12[%swap3A_169] {strides = array<i32>} : memref<112xf32, #tpu.memory_space<vmem>>, vector<16xf32>,
      tpu.vector_store %arg12[%swap3A_169], %broadcast_in_dim3A_70 {strides = array<i32>} : memref<112xf32, #tpu.memory_space<vmem>>, vector<16xf32>,
      %swap3A_171 = arith.constant 96 : index
      %swap3A_172 = tpu.vector_load %arg13[%swap3A_171] {strides = array<i32>} : memref<112xf32, #tpu.memory_space<vmem>>, vector<16xf32>,
      tpu.vector_store %arg13[%swap3A_171], %broadcast_in_dim3A_70 {strides = array<i32>} : memref<112xf32, #tpu.memory_space<vmem>>, vector<16xf32>,
      %swap3A_173 = arith.constant 96 : index
      %swap3A_174 = tpu.vector_load %arg14[%swap3A_173] {strides = array<i32>} : memref<112xf32, #tpu.memory_space<vmem>>, vector<16xf32>,
      tpu.vector_store %arg14[%swap3A_173], %broadcast_in_dim3A_70 {strides = array<i32>} : memref<112xf32, #tpu.memory_space<vmem>>, vector<16xf32>,
      %swap3A_175 = arith.constant 96 : index
      %swap3A_176 = tpu.vector_load %arg15[%swap3A_175] {strides = array<i32>} : memref<112xf32, #tpu.memory_space<vmem>>, vector<16xf32>,
      tpu.vector_store %arg15[%swap3A_175], %broadcast_in_dim3A_70 {strides = array<i32>} : memref<112xf32, #tpu.memory_space<vmem>>, vector<16xf32>,
      %swap3A_177 = arith.constant 96 : index
      %swap3A_178 = tpu.vector_load %arg17[%swap3A_177] {strides = array<i32>} : memref<112xf32, #tpu.memory_space<vmem>>, vector<16xf32>,
      tpu.vector_store %arg17[%swap3A_177], %broadcast_in_dim3A_70 {strides = array<i32>} : memref<112xf32, #tpu.memory_space<vmem>>, vector<16xf32>,
      %broadcast_in_dim3A_179 = arith.constant -1 : i32
      %broadcast_in_dim3A_180 = vector.broadcast %broadcast_in_dim3A_179 : i32 to vector<16xi32>
      %swap3A_181 = arith.constant 96 : index
      %swap3A_182 = tpu.vector_load %arg18[%swap3A_181] {strides = array<i32>} : memref<112xi32, #tpu.memory_space<vmem>>, vector<16xi32>,
      tpu.vector_store %arg18[%swap3A_181], %broadcast_in_dim3A_180 {strides = array<i32>} : memref<112xi32, #tpu.memory_space<vmem>>, vector<16xi32>,
      %swap3A_183 = arith.constant 0 : index
      %swap3A_184 = tpu.vector_load %arg16[%swap3A_183] {strides = array<i32>} : memref<448xf32, #tpu.memory_space<vmem>>, vector<16xf32>,
      tpu.vector_store %arg16[%swap3A_183], %broadcast_in_dim3A_70 {strides = array<i32>} : memref<448xf32, #tpu.memory_space<vmem>>, vector<16xf32>,
      %swap3A_185 = arith.constant 16 : index
      %swap3A_186 = tpu.vector_load %arg16[%swap3A_185] {strides = array<i32>} : memref<448xf32, #tpu.memory_space<vmem>>, vector<16xf32>,
      tpu.vector_store %arg16[%swap3A_185], %broadcast_in_dim3A_70 {strides = array<i32>} : memref<448xf32, #tpu.memory_space<vmem>>, vector<16xf32>,
      %swap3A_187 = arith.constant 32 : index
      %swap3A_188 = tpu.vector_load %arg16[%swap3A_187] {strides = array<i32>} : memref<448xf32, #tpu.memory_space<vmem>>, vector<16xf32>,
      tpu.vector_store %arg16[%swap3A_187], %broadcast_in_dim3A_70 {strides = array<i32>} : memref<448xf32, #tpu.memory_space<vmem>>, vector<16xf32>,
      %swap3A_189 = arith.constant 48 : index
      %swap3A_190 = tpu.vector_load %arg16[%swap3A_189] {strides = array<i32>} : memref<448xf32, #tpu.memory_space<vmem>>, vector<16xf32>,
      tpu.vector_store %arg16[%swap3A_189], %broadcast_in_dim3A_70 {strides = array<i32>} : memref<448xf32, #tpu.memory_space<vmem>>, vector<16xf32>,
      %swap3A_191 = arith.constant 64 : index
      %swap3A_192 = tpu.vector_load %arg16[%swap3A_191] {strides = array<i32>} : memref<448xf32, #tpu.memory_space<vmem>>, vector<16xf32>,
      tpu.vector_store %arg16[%swap3A_191], %broadcast_in_dim3A_70 {strides = array<i32>} : memref<448xf32, #tpu.memory_space<vmem>>, vector<16xf32>,
      %swap3A_193 = arith.constant 80 : index
      %swap3A_194 = tpu.vector_load %arg16[%swap3A_193] {strides = array<i32>} : memref<448xf32, #tpu.memory_space<vmem>>, vector<16xf32>,
      tpu.vector_store %arg16[%swap3A_193], %broadcast_in_dim3A_70 {strides = array<i32>} : memref<448xf32, #tpu.memory_space<vmem>>, vector<16xf32>,
      %swap3A_195 = arith.constant 96 : index
      %swap3A_196 = tpu.vector_load %arg16[%swap3A_195] {strides = array<i32>} : memref<448xf32, #tpu.memory_space<vmem>>, vector<16xf32>,
      tpu.vector_store %arg16[%swap3A_195], %broadcast_in_dim3A_70 {strides = array<i32>} : memref<448xf32, #tpu.memory_space<vmem>>, vector<16xf32>,
      %swap3A_197 = arith.constant 112 : index
      %swap3A_198 = tpu.vector_load %arg16[%swap3A_197] {strides = array<i32>} : memref<448xf32, #tpu.memory_space<vmem>>, vector<16xf32>,
      tpu.vector_store %arg16[%swap3A_197], %broadcast_in_dim3A_70 {strides = array<i32>} : memref<448xf32, #tpu.memory_space<vmem>>, vector<16xf32>,
      %swap3A_199 = arith.constant 128 : index
      %swap3A_200 = tpu.vector_load %arg16[%swap3A_199] {strides = array<i32>} : memref<448xf32, #tpu.memory_space<vmem>>, vector<16xf32>,
      tpu.vector_store %arg16[%swap3A_199], %broadcast_in_dim3A_70 {strides = array<i32>} : memref<448xf32, #tpu.memory_space<vmem>>, vector<16xf32>,
      %swap3A_201 = arith.constant 144 : index
      %swap3A_202 = tpu.vector_load %arg16[%swap3A_201] {strides = array<i32>} : memref<448xf32, #tpu.memory_space<vmem>>, vector<16xf32>,
      tpu.vector_store %arg16[%swap3A_201], %broadcast_in_dim3A_70 {strides = array<i32>} : memref<448xf32, #tpu.memory_space<vmem>>, vector<16xf32>,
      %swap3A_203 = arith.constant 160 : index
      %swap3A_204 = tpu.vector_load %arg16[%swap3A_203] {strides = array<i32>} : memref<448xf32, #tpu.memory_space<vmem>>, vector<16xf32>,
      tpu.vector_store %arg16[%swap3A_203], %broadcast_in_dim3A_70 {strides = array<i32>} : memref<448xf32, #tpu.memory_space<vmem>>, vector<16xf32>,
      %swap3A_205 = arith.constant 176 : index
      %swap3A_206 = tpu.vector_load %arg16[%swap3A_205] {strides = array<i32>} : memref<448xf32, #tpu.memory_space<vmem>>, vector<16xf32>,
      tpu.vector_store %arg16[%swap3A_205], %broadcast_in_dim3A_70 {strides = array<i32>} : memref<448xf32, #tpu.memory_space<vmem>>, vector<16xf32>,
      %swap3A_207 = arith.constant 192 : index
      %swap3A_208 = tpu.vector_load %arg16[%swap3A_207] {strides = array<i32>} : memref<448xf32, #tpu.memory_space<vmem>>, vector<16xf32>,
      tpu.vector_store %arg16[%swap3A_207], %broadcast_in_dim3A_70 {strides = array<i32>} : memref<448xf32, #tpu.memory_space<vmem>>, vector<16xf32>,
      %swap3A_209 = arith.constant 208 : index
      %swap3A_210 = tpu.vector_load %arg16[%swap3A_209] {strides = array<i32>} : memref<448xf32, #tpu.memory_space<vmem>>, vector<16xf32>,
      tpu.vector_store %arg16[%swap3A_209], %broadcast_in_dim3A_70 {strides = array<i32>} : memref<448xf32, #tpu.memory_space<vmem>>, vector<16xf32>,
      %swap3A_211 = arith.constant 224 : index
      %swap3A_212 = tpu.vector_load %arg16[%swap3A_211] {strides = array<i32>} : memref<448xf32, #tpu.memory_space<vmem>>, vector<16xf32>,
      tpu.vector_store %arg16[%swap3A_211], %broadcast_in_dim3A_70 {strides = array<i32>} : memref<448xf32, #tpu.memory_space<vmem>>, vector<16xf32>,
      %swap3A_213 = arith.constant 240 : index
      %swap3A_214 = tpu.vector_load %arg16[%swap3A_213] {strides = array<i32>} : memref<448xf32, #tpu.memory_space<vmem>>, vector<16xf32>,
      tpu.vector_store %arg16[%swap3A_213], %broadcast_in_dim3A_70 {strides = array<i32>} : memref<448xf32, #tpu.memory_space<vmem>>, vector<16xf32>,
      %swap3A_215 = arith.constant 256 : index
      %swap3A_216 = tpu.vector_load %arg16[%swap3A_215] {strides = array<i32>} : memref<448xf32, #tpu.memory_space<vmem>>, vector<16xf32>,
      tpu.vector_store %arg16[%swap3A_215], %broadcast_in_dim3A_70 {strides = array<i32>} : memref<448xf32, #tpu.memory_space<vmem>>, vector<16xf32>,
      %swap3A_217 = arith.constant 272 : index
      %swap3A_218 = tpu.vector_load %arg16[%swap3A_217] {strides = array<i32>} : memref<448xf32, #tpu.memory_space<vmem>>, vector<16xf32>,
      tpu.vector_store %arg16[%swap3A_217], %broadcast_in_dim3A_70 {strides = array<i32>} : memref<448xf32, #tpu.memory_space<vmem>>, vector<16xf32>,
      %swap3A_219 = arith.constant 288 : index
      %swap3A_220 = tpu.vector_load %arg16[%swap3A_219] {strides = array<i32>} : memref<448xf32, #tpu.memory_space<vmem>>, vector<16xf32>,
      tpu.vector_store %arg16[%swap3A_219], %broadcast_in_dim3A_70 {strides = array<i32>} : memref<448xf32, #tpu.memory_space<vmem>>, vector<16xf32>,
      %swap3A_221 = arith.constant 304 : index
      %swap3A_222 = tpu.vector_load %arg16[%swap3A_221] {strides = array<i32>} : memref<448xf32, #tpu.memory_space<vmem>>, vector<16xf32>,
      tpu.vector_store %arg16[%swap3A_221], %broadcast_in_dim3A_70 {strides = array<i32>} : memref<448xf32, #tpu.memory_space<vmem>>, vector<16xf32>,
      %swap3A_223 = arith.constant 320 : index
      %swap3A_224 = tpu.vector_load %arg16[%swap3A_223] {strides = array<i32>} : memref<448xf32, #tpu.memory_space<vmem>>, vector<16xf32>,
      tpu.vector_store %arg16[%swap3A_223], %broadcast_in_dim3A_70 {strides = array<i32>} : memref<448xf32, #tpu.memory_space<vmem>>, vector<16xf32>,
      %swap3A_225 = arith.constant 336 : index
      %swap3A_226 = tpu.vector_load %arg16[%swap3A_225] {strides = array<i32>} : memref<448xf32, #tpu.memory_space<vmem>>, vector<16xf32>,
      tpu.vector_store %arg16[%swap3A_225], %broadcast_in_dim3A_70 {strides = array<i32>} : memref<448xf32, #tpu.memory_space<vmem>>, vector<16xf32>,
      %swap3A_227 = arith.constant 352 : index
      %swap3A_228 = tpu.vector_load %arg16[%swap3A_227] {strides = array<i32>} : memref<448xf32, #tpu.memory_space<vmem>>, vector<16xf32>,
      tpu.vector_store %arg16[%swap3A_227], %broadcast_in_dim3A_70 {strides = array<i32>} : memref<448xf32, #tpu.memory_space<vmem>>, vector<16xf32>,
      %swap3A_229 = arith.constant 368 : index
      %swap3A_230 = tpu.vector_load %arg16[%swap3A_229] {strides = array<i32>} : memref<448xf32, #tpu.memory_space<vmem>>, vector<16xf32>,
      tpu.vector_store %arg16[%swap3A_229], %broadcast_in_dim3A_70 {strides = array<i32>} : memref<448xf32, #tpu.memory_space<vmem>>, vector<16xf32>,
      %swap3A_231 = arith.constant 384 : index
      %swap3A_232 = tpu.vector_load %arg16[%swap3A_231] {strides = array<i32>} : memref<448xf32, #tpu.memory_space<vmem>>, vector<16xf32>,
      tpu.vector_store %arg16[%swap3A_231], %broadcast_in_dim3A_70 {strides = array<i32>} : memref<448xf32, #tpu.memory_space<vmem>>, vector<16xf32>,
      %swap3A_233 = arith.constant 400 : index
      %swap3A_234 = tpu.vector_load %arg16[%swap3A_233] {strides = array<i32>} : memref<448xf32, #tpu.memory_space<vmem>>, vector<16xf32>,
      tpu.vector_store %arg16[%swap3A_233], %broadcast_in_dim3A_70 {strides = array<i32>} : memref<448xf32, #tpu.memory_space<vmem>>, vector<16xf32>,
      %swap3A_235 = arith.constant 416 : index
      %swap3A_236 = tpu.vector_load %arg16[%swap3A_235] {strides = array<i32>} : memref<448xf32, #tpu.memory_space<vmem>>, vector<16xf32>,
      tpu.vector_store %arg16[%swap3A_235], %broadcast_in_dim3A_70 {strides = array<i32>} : memref<448xf32, #tpu.memory_space<vmem>>, vector<16xf32>,
      %swap3A_237 = arith.constant 432 : index
      %swap3A_238 = tpu.vector_load %arg16[%swap3A_237] {strides = array<i32>} : memref<448xf32, #tpu.memory_space<vmem>>, vector<16xf32>,
      tpu.vector_store %arg16[%swap3A_237], %broadcast_in_dim3A_70 {strides = array<i32>} : memref<448xf32, #tpu.memory_space<vmem>>, vector<16xf32>,
      %scan3A = arith.constant 0 : i32
      %scan3A_239 = arith.constant 0 : i32
      %scan3A_240 = arith.constant 80 : i32
      %scan3A_241 = arith.addi %scan3A_239, %scan3A_240 : i32
      %scan3A_242 = arith.constant 4 : i32
      %scan3A_243 = scf.for %scan3A_1169 = %scan3A_239 to %scan3A_241 step %scan3A_242 iter_args(%scan3A_1170 = %scan3A) -> (i32)  : i32 {
        %mul3A_1171 = arith.constant 256 : i32
        %mul3A_1172 = arith.muli %scan3A_1169, %mul3A_1171 : i32
        %mul3A_1173 = arith.constant 16 : i32
        %mul3A_1174 = vector.broadcast %mul3A_1173 : i32 to vector<16xi32>
        %mul3A_1175 = arith.muli %iota3A, %mul3A_1174 : vector<16xi32>
        %add3A_1176 = vector.broadcast %mul3A_1172 : i32 to vector<16xi32>
        %add3A_1177 = arith.addi %add3A_1176, %mul3A_1175 : vector<16xi32>
        %gather3A_1178 = tpu.vector_load_idx %arg8[%add3A_1177] : memref<20480xf32, #tpu.memory_space<vmem>>[vector<16xi32>], vector<16xf32>,
        %mul3A_1179 = arith.constant 16 : i32
        %mul3A_1180 = vector.broadcast %mul3A_1179 : i32 to vector<16xi32>
        %mul3A_1181 = arith.muli %iota3A, %mul3A_1180 : vector<16xi32>
        %add3A_1182 = vector.broadcast %mul3A_1172 : i32 to vector<16xi32>
        %add3A_1183 = arith.addi %add3A_1182, %mul3A_1181 : vector<16xi32>
        %add3A_1184 = arith.constant 1 : i32
        %add3A_1185 = vector.broadcast %add3A_1184 : i32 to vector<16xi32>
        %add3A_1186 = arith.addi %add3A_1183, %add3A_1185 : vector<16xi32>
        %gather3A_1187 = tpu.vector_load_idx %arg8[%add3A_1186] : memref<20480xf32, #tpu.memory_space<vmem>>[vector<16xi32>], vector<16xf32>,
        %max3A_1188 = arith.maximumf %gather3A_1178, %gather3A_1187 : vector<16xf32>
        %mul3A_1189 = arith.constant 16 : i32
        %mul3A_1190 = vector.broadcast %mul3A_1189 : i32 to vector<16xi32>
        %mul3A_1191 = arith.muli %iota3A, %mul3A_1190 : vector<16xi32>
        %add3A_1192 = vector.broadcast %mul3A_1172 : i32 to vector<16xi32>
        %add3A_1193 = arith.addi %add3A_1192, %mul3A_1191 : vector<16xi32>
        %add3A_1194 = arith.constant 2 : i32
        %add3A_1195 = vector.broadcast %add3A_1194 : i32 to vector<16xi32>
        %add3A_1196 = arith.addi %add3A_1193, %add3A_1195 : vector<16xi32>
        %gather3A_1197 = tpu.vector_load_idx %arg8[%add3A_1196] : memref<20480xf32, #tpu.memory_space<vmem>>[vector<16xi32>], vector<16xf32>,
        %max3A_1198 = arith.maximumf %max3A_1188, %gather3A_1197 : vector<16xf32>
        %mul3A_1199 = arith.constant 16 : i32
        %mul3A_1200 = vector.broadcast %mul3A_1199 : i32 to vector<16xi32>
        %mul3A_1201 = arith.muli %iota3A, %mul3A_1200 : vector<16xi32>
        %add3A_1202 = vector.broadcast %mul3A_1172 : i32 to vector<16xi32>
        %add3A_1203 = arith.addi %add3A_1202, %mul3A_1201 : vector<16xi32>
        %add3A_1204 = arith.constant 3 : i32
        %add3A_1205 = vector.broadcast %add3A_1204 : i32 to vector<16xi32>
        %add3A_1206 = arith.addi %add3A_1203, %add3A_1205 : vector<16xi32>
        %gather3A_1207 = tpu.vector_load_idx %arg8[%add3A_1206] : memref<20480xf32, #tpu.memory_space<vmem>>[vector<16xi32>], vector<16xf32>,
        %max3A_1208 = arith.maximumf %max3A_1198, %gather3A_1207 : vector<16xf32>
        %mul3A_1209 = arith.constant 16 : i32
        %mul3A_1210 = vector.broadcast %mul3A_1209 : i32 to vector<16xi32>
        %mul3A_1211 = arith.muli %iota3A, %mul3A_1210 : vector<16xi32>
        %add3A_1212 = vector.broadcast %mul3A_1172 : i32 to vector<16xi32>
        %add3A_1213 = arith.addi %add3A_1212, %mul3A_1211 : vector<16xi32>
        %add3A_1214 = arith.constant 4 : i32
        %add3A_1215 = vector.broadcast %add3A_1214 : i32 to vector<16xi32>
        %add3A_1216 = arith.addi %add3A_1213, %add3A_1215 : vector<16xi32>
        %gather3A_1217 = tpu.vector_load_idx %arg8[%add3A_1216] : memref<20480xf32, #tpu.memory_space<vmem>>[vector<16xi32>], vector<16xf32>,
        %max3A_1218 = arith.maximumf %max3A_1208, %gather3A_1217 : vector<16xf32>
        %mul3A_1219 = arith.constant 16 : i32
        %mul3A_1220 = vector.broadcast %mul3A_1219 : i32 to vector<16xi32>
        %mul3A_1221 = arith.muli %iota3A, %mul3A_1220 : vector<16xi32>
        %add3A_1222 = vector.broadcast %mul3A_1172 : i32 to vector<16xi32>
        %add3A_1223 = arith.addi %add3A_1222, %mul3A_1221 : vector<16xi32>
        %add3A_1224 = arith.constant 5 : i32
        %add3A_1225 = vector.broadcast %add3A_1224 : i32 to vector<16xi32>
        %add3A_1226 = arith.addi %add3A_1223, %add3A_1225 : vector<16xi32>
        %gather3A_1227 = tpu.vector_load_idx %arg8[%add3A_1226] : memref<20480xf32, #tpu.memory_space<vmem>>[vector<16xi32>], vector<16xf32>,
        %max3A_1228 = arith.maximumf %max3A_1218, %gather3A_1227 : vector<16xf32>
        %mul3A_1229 = arith.constant 16 : i32
        %mul3A_1230 = vector.broadcast %mul3A_1229 : i32 to vector<16xi32>
        %mul3A_1231 = arith.muli %iota3A, %mul3A_1230 : vector<16xi32>
        %add3A_1232 = vector.broadcast %mul3A_1172 : i32 to vector<16xi32>
        %add3A_1233 = arith.addi %add3A_1232, %mul3A_1231 : vector<16xi32>
        %add3A_1234 = arith.constant 6 : i32
        %add3A_1235 = vector.broadcast %add3A_1234 : i32 to vector<16xi32>
        %add3A_1236 = arith.addi %add3A_1233, %add3A_1235 : vector<16xi32>
        %gather3A_1237 = tpu.vector_load_idx %arg8[%add3A_1236] : memref<20480xf32, #tpu.memory_space<vmem>>[vector<16xi32>], vector<16xf32>,
        %max3A_1238 = arith.maximumf %max3A_1228, %gather3A_1237 : vector<16xf32>
        %mul3A_1239 = arith.constant 16 : i32
        %mul3A_1240 = vector.broadcast %mul3A_1239 : i32 to vector<16xi32>
        %mul3A_1241 = arith.muli %iota3A, %mul3A_1240 : vector<16xi32>
        %add3A_1242 = vector.broadcast %mul3A_1172 : i32 to vector<16xi32>
        %add3A_1243 = arith.addi %add3A_1242, %mul3A_1241 : vector<16xi32>
        %add3A_1244 = arith.constant 7 : i32
        %add3A_1245 = vector.broadcast %add3A_1244 : i32 to vector<16xi32>
        %add3A_1246 = arith.addi %add3A_1243, %add3A_1245 : vector<16xi32>
        %gather3A_1247 = tpu.vector_load_idx %arg8[%add3A_1246] : memref<20480xf32, #tpu.memory_space<vmem>>[vector<16xi32>], vector<16xf32>,
        %max3A_1248 = arith.maximumf %max3A_1238, %gather3A_1247 : vector<16xf32>
        %mul3A_1249 = arith.constant 16 : i32
        %mul3A_1250 = vector.broadcast %mul3A_1249 : i32 to vector<16xi32>
        %mul3A_1251 = arith.muli %iota3A, %mul3A_1250 : vector<16xi32>
        %add3A_1252 = vector.broadcast %mul3A_1172 : i32 to vector<16xi32>
        %add3A_1253 = arith.addi %add3A_1252, %mul3A_1251 : vector<16xi32>
        %add3A_1254 = arith.constant 8 : i32
        %add3A_1255 = vector.broadcast %add3A_1254 : i32 to vector<16xi32>
        %add3A_1256 = arith.addi %add3A_1253, %add3A_1255 : vector<16xi32>
        %gather3A_1257 = tpu.vector_load_idx %arg8[%add3A_1256] : memref<20480xf32, #tpu.memory_space<vmem>>[vector<16xi32>], vector<16xf32>,
        %max3A_1258 = arith.maximumf %max3A_1248, %gather3A_1257 : vector<16xf32>
        %mul3A_1259 = arith.constant 16 : i32
        %mul3A_1260 = vector.broadcast %mul3A_1259 : i32 to vector<16xi32>
        %mul3A_1261 = arith.muli %iota3A, %mul3A_1260 : vector<16xi32>
        %add3A_1262 = vector.broadcast %mul3A_1172 : i32 to vector<16xi32>
        %add3A_1263 = arith.addi %add3A_1262, %mul3A_1261 : vector<16xi32>
        %add3A_1264 = arith.constant 9 : i32
        %add3A_1265 = vector.broadcast %add3A_1264 : i32 to vector<16xi32>
        %add3A_1266 = arith.addi %add3A_1263, %add3A_1265 : vector<16xi32>
        %gather3A_1267 = tpu.vector_load_idx %arg8[%add3A_1266] : memref<20480xf32, #tpu.memory_space<vmem>>[vector<16xi32>], vector<16xf32>,
        %max3A_1268 = arith.maximumf %max3A_1258, %gather3A_1267 : vector<16xf32>
        %mul3A_1269 = arith.constant 16 : i32
        %mul3A_1270 = vector.broadcast %mul3A_1269 : i32 to vector<16xi32>
        %mul3A_1271 = arith.muli %iota3A, %mul3A_1270 : vector<16xi32>
        %add3A_1272 = vector.broadcast %mul3A_1172 : i32 to vector<16xi32>
        %add3A_1273 = arith.addi %add3A_1272, %mul3A_1271 : vector<16xi32>
        %add3A_1274 = arith.constant 10 : i32
        %add3A_1275 = vector.broadcast %add3A_1274 : i32 to vector<16xi32>
        %add3A_1276 = arith.addi %add3A_1273, %add3A_1275 : vector<16xi32>
        %gather3A_1277 = tpu.vector_load_idx %arg8[%add3A_1276] : memref<20480xf32, #tpu.memory_space<vmem>>[vector<16xi32>], vector<16xf32>,
        %max3A_1278 = arith.maximumf %max3A_1268, %gather3A_1277 : vector<16xf32>
        %mul3A_1279 = arith.constant 16 : i32
        %mul3A_1280 = vector.broadcast %mul3A_1279 : i32 to vector<16xi32>
        %mul3A_1281 = arith.muli %iota3A, %mul3A_1280 : vector<16xi32>
        %add3A_1282 = vector.broadcast %mul3A_1172 : i32 to vector<16xi32>
        %add3A_1283 = arith.addi %add3A_1282, %mul3A_1281 : vector<16xi32>
        %add3A_1284 = arith.constant 11 : i32
        %add3A_1285 = vector.broadcast %add3A_1284 : i32 to vector<16xi32>
        %add3A_1286 = arith.addi %add3A_1283, %add3A_1285 : vector<16xi32>
        %gather3A_1287 = tpu.vector_load_idx %arg8[%add3A_1286] : memref<20480xf32, #tpu.memory_space<vmem>>[vector<16xi32>], vector<16xf32>,
        %max3A_1288 = arith.maximumf %max3A_1278, %gather3A_1287 : vector<16xf32>
        %mul3A_1289 = arith.constant 16 : i32
        %mul3A_1290 = vector.broadcast %mul3A_1289 : i32 to vector<16xi32>
        %mul3A_1291 = arith.muli %iota3A, %mul3A_1290 : vector<16xi32>
        %add3A_1292 = vector.broadcast %mul3A_1172 : i32 to vector<16xi32>
        %add3A_1293 = arith.addi %add3A_1292, %mul3A_1291 : vector<16xi32>
        %add3A_1294 = arith.constant 12 : i32
        %add3A_1295 = vector.broadcast %add3A_1294 : i32 to vector<16xi32>
        %add3A_1296 = arith.addi %add3A_1293, %add3A_1295 : vector<16xi32>
        %gather3A_1297 = tpu.vector_load_idx %arg8[%add3A_1296] : memref<20480xf32, #tpu.memory_space<vmem>>[vector<16xi32>], vector<16xf32>,
        %max3A_1298 = arith.maximumf %max3A_1288, %gather3A_1297 : vector<16xf32>
        %mul3A_1299 = arith.constant 16 : i32
        %mul3A_1300 = vector.broadcast %mul3A_1299 : i32 to vector<16xi32>
        %mul3A_1301 = arith.muli %iota3A, %mul3A_1300 : vector<16xi32>
        %add3A_1302 = vector.broadcast %mul3A_1172 : i32 to vector<16xi32>
        %add3A_1303 = arith.addi %add3A_1302, %mul3A_1301 : vector<16xi32>
        %add3A_1304 = arith.constant 13 : i32
        %add3A_1305 = vector.broadcast %add3A_1304 : i32 to vector<16xi32>
        %add3A_1306 = arith.addi %add3A_1303, %add3A_1305 : vector<16xi32>
        %gather3A_1307 = tpu.vector_load_idx %arg8[%add3A_1306] : memref<20480xf32, #tpu.memory_space<vmem>>[vector<16xi32>], vector<16xf32>,
        %max3A_1308 = arith.maximumf %max3A_1298, %gather3A_1307 : vector<16xf32>
        %mul3A_1309 = arith.constant 16 : i32
        %mul3A_1310 = vector.broadcast %mul3A_1309 : i32 to vector<16xi32>
        %mul3A_1311 = arith.muli %iota3A, %mul3A_1310 : vector<16xi32>
        %add3A_1312 = vector.broadcast %mul3A_1172 : i32 to vector<16xi32>
        %add3A_1313 = arith.addi %add3A_1312, %mul3A_1311 : vector<16xi32>
        %add3A_1314 = arith.constant 14 : i32
        %add3A_1315 = vector.broadcast %add3A_1314 : i32 to vector<16xi32>
        %add3A_1316 = arith.addi %add3A_1313, %add3A_1315 : vector<16xi32>
        %gather3A_1317 = tpu.vector_load_idx %arg8[%add3A_1316] : memref<20480xf32, #tpu.memory_space<vmem>>[vector<16xi32>], vector<16xf32>,
        %max3A_1318 = arith.maximumf %max3A_1308, %gather3A_1317 : vector<16xf32>
        %mul3A_1319 = arith.constant 16 : i32
        %mul3A_1320 = vector.broadcast %mul3A_1319 : i32 to vector<16xi32>
        %mul3A_1321 = arith.muli %iota3A, %mul3A_1320 : vector<16xi32>
        %add3A_1322 = vector.broadcast %mul3A_1172 : i32 to vector<16xi32>
        %add3A_1323 = arith.addi %add3A_1322, %mul3A_1321 : vector<16xi32>
        %add3A_1324 = arith.constant 15 : i32
        %add3A_1325 = vector.broadcast %add3A_1324 : i32 to vector<16xi32>
        %add3A_1326 = arith.addi %add3A_1323, %add3A_1325 : vector<16xi32>
        %gather3A_1327 = tpu.vector_load_idx %arg8[%add3A_1326] : memref<20480xf32, #tpu.memory_space<vmem>>[vector<16xi32>], vector<16xf32>,
        %max3A_1328 = arith.maximumf %max3A_1318, %gather3A_1327 : vector<16xf32>
        %mul3A_1329 = arith.constant 16 : i32
        %mul3A_1330 = arith.muli %scan3A_1169, %mul3A_1329 : i32
        %swap3A_1331 = arith.index_cast %mul3A_1330 : i32 to index
        %swap3A_1332 = tpu.vector_load %arg9[%swap3A_1331] {strides = array<i32>} : memref<1280xf32, #tpu.memory_space<vmem>>, vector<16xf32>,
        tpu.vector_store %arg9[%swap3A_1331], %max3A_1328 {strides = array<i32>} : memref<1280xf32, #tpu.memory_space<vmem>>, vector<16xf32>,
        %scan3A_1333 = arith.constant 0 : i32
        %scan3A_1334 = arith.constant 1 : i32
        %scan3A_1335 = arith.addi %scan3A_1169, %scan3A_1334 : i32
        %mul3A_1336 = arith.constant 256 : i32
        %mul3A_1337 = arith.muli %scan3A_1335, %mul3A_1336 : i32
        %mul3A_1338 = arith.constant 16 : i32
        %mul3A_1339 = vector.broadcast %mul3A_1338 : i32 to vector<16xi32>
        %mul3A_1340 = arith.muli %iota3A, %mul3A_1339 : vector<16xi32>
        %add3A_1341 = vector.broadcast %mul3A_1337 : i32 to vector<16xi32>
        %add3A_1342 = arith.addi %add3A_1341, %mul3A_1340 : vector<16xi32>
        %gather3A_1343 = tpu.vector_load_idx %arg8[%add3A_1342] : memref<20480xf32, #tpu.memory_space<vmem>>[vector<16xi32>], vector<16xf32>,
        %mul3A_1344 = arith.constant 16 : i32
        %mul3A_1345 = vector.broadcast %mul3A_1344 : i32 to vector<16xi32>
        %mul3A_1346 = arith.muli %iota3A, %mul3A_1345 : vector<16xi32>
        %add3A_1347 = vector.broadcast %mul3A_1337 : i32 to vector<16xi32>
        %add3A_1348 = arith.addi %add3A_1347, %mul3A_1346 : vector<16xi32>
        %add3A_1349 = arith.constant 1 : i32
        %add3A_1350 = vector.broadcast %add3A_1349 : i32 to vector<16xi32>
        %add3A_1351 = arith.addi %add3A_1348, %add3A_1350 : vector<16xi32>
        %gather3A_1352 = tpu.vector_load_idx %arg8[%add3A_1351] : memref<20480xf32, #tpu.memory_space<vmem>>[vector<16xi32>], vector<16xf32>,
        %max3A_1353 = arith.maximumf %gather3A_1343, %gather3A_1352 : vector<16xf32>
        %mul3A_1354 = arith.constant 16 : i32
        %mul3A_1355 = vector.broadcast %mul3A_1354 : i32 to vector<16xi32>
        %mul3A_1356 = arith.muli %iota3A, %mul3A_1355 : vector<16xi32>
        %add3A_1357 = vector.broadcast %mul3A_1337 : i32 to vector<16xi32>
        %add3A_1358 = arith.addi %add3A_1357, %mul3A_1356 : vector<16xi32>
        %add3A_1359 = arith.constant 2 : i32
        %add3A_1360 = vector.broadcast %add3A_1359 : i32 to vector<16xi32>
        %add3A_1361 = arith.addi %add3A_1358, %add3A_1360 : vector<16xi32>
        %gather3A_1362 = tpu.vector_load_idx %arg8[%add3A_1361] : memref<20480xf32, #tpu.memory_space<vmem>>[vector<16xi32>], vector<16xf32>,
        %max3A_1363 = arith.maximumf %max3A_1353, %gather3A_1362 : vector<16xf32>
        %mul3A_1364 = arith.constant 16 : i32
        %mul3A_1365 = vector.broadcast %mul3A_1364 : i32 to vector<16xi32>
        %mul3A_1366 = arith.muli %iota3A, %mul3A_1365 : vector<16xi32>
        %add3A_1367 = vector.broadcast %mul3A_1337 : i32 to vector<16xi32>
        %add3A_1368 = arith.addi %add3A_1367, %mul3A_1366 : vector<16xi32>
        %add3A_1369 = arith.constant 3 : i32
        %add3A_1370 = vector.broadcast %add3A_1369 : i32 to vector<16xi32>
        %add3A_1371 = arith.addi %add3A_1368, %add3A_1370 : vector<16xi32>
        %gather3A_1372 = tpu.vector_load_idx %arg8[%add3A_1371] : memref<20480xf32, #tpu.memory_space<vmem>>[vector<16xi32>], vector<16xf32>,
        %max3A_1373 = arith.maximumf %max3A_1363, %gather3A_1372 : vector<16xf32>
        %mul3A_1374 = arith.constant 16 : i32
        %mul3A_1375 = vector.broadcast %mul3A_1374 : i32 to vector<16xi32>
        %mul3A_1376 = arith.muli %iota3A, %mul3A_1375 : vector<16xi32>
        %add3A_1377 = vector.broadcast %mul3A_1337 : i32 to vector<16xi32>
        %add3A_1378 = arith.addi %add3A_1377, %mul3A_1376 : vector<16xi32>
        %add3A_1379 = arith.constant 4 : i32
        %add3A_1380 = vector.broadcast %add3A_1379 : i32 to vector<16xi32>
        %add3A_1381 = arith.addi %add3A_1378, %add3A_1380 : vector<16xi32>
        %gather3A_1382 = tpu.vector_load_idx %arg8[%add3A_1381] : memref<20480xf32, #tpu.memory_space<vmem>>[vector<16xi32>], vector<16xf32>,
        %max3A_1383 = arith.maximumf %max3A_1373, %gather3A_1382 : vector<16xf32>
        %mul3A_1384 = arith.constant 16 : i32
        %mul3A_1385 = vector.broadcast %mul3A_1384 : i32 to vector<16xi32>
        %mul3A_1386 = arith.muli %iota3A, %mul3A_1385 : vector<16xi32>
        %add3A_1387 = vector.broadcast %mul3A_1337 : i32 to vector<16xi32>
        %add3A_1388 = arith.addi %add3A_1387, %mul3A_1386 : vector<16xi32>
        %add3A_1389 = arith.constant 5 : i32
        %add3A_1390 = vector.broadcast %add3A_1389 : i32 to vector<16xi32>
        %add3A_1391 = arith.addi %add3A_1388, %add3A_1390 : vector<16xi32>
        %gather3A_1392 = tpu.vector_load_idx %arg8[%add3A_1391] : memref<20480xf32, #tpu.memory_space<vmem>>[vector<16xi32>], vector<16xf32>,
        %max3A_1393 = arith.maximumf %max3A_1383, %gather3A_1392 : vector<16xf32>
        %mul3A_1394 = arith.constant 16 : i32
        %mul3A_1395 = vector.broadcast %mul3A_1394 : i32 to vector<16xi32>
        %mul3A_1396 = arith.muli %iota3A, %mul3A_1395 : vector<16xi32>
        %add3A_1397 = vector.broadcast %mul3A_1337 : i32 to vector<16xi32>
        %add3A_1398 = arith.addi %add3A_1397, %mul3A_1396 : vector<16xi32>
        %add3A_1399 = arith.constant 6 : i32
        %add3A_1400 = vector.broadcast %add3A_1399 : i32 to vector<16xi32>
        %add3A_1401 = arith.addi %add3A_1398, %add3A_1400 : vector<16xi32>
        %gather3A_1402 = tpu.vector_load_idx %arg8[%add3A_1401] : memref<20480xf32, #tpu.memory_space<vmem>>[vector<16xi32>], vector<16xf32>,
        %max3A_1403 = arith.maximumf %max3A_1393, %gather3A_1402 : vector<16xf32>
        %mul3A_1404 = arith.constant 16 : i32
        %mul3A_1405 = vector.broadcast %mul3A_1404 : i32 to vector<16xi32>
        %mul3A_1406 = arith.muli %iota3A, %mul3A_1405 : vector<16xi32>
        %add3A_1407 = vector.broadcast %mul3A_1337 : i32 to vector<16xi32>
        %add3A_1408 = arith.addi %add3A_1407, %mul3A_1406 : vector<16xi32>
        %add3A_1409 = arith.constant 7 : i32
        %add3A_1410 = vector.broadcast %add3A_1409 : i32 to vector<16xi32>
        %add3A_1411 = arith.addi %add3A_1408, %add3A_1410 : vector<16xi32>
        %gather3A_1412 = tpu.vector_load_idx %arg8[%add3A_1411] : memref<20480xf32, #tpu.memory_space<vmem>>[vector<16xi32>], vector<16xf32>,
        %max3A_1413 = arith.maximumf %max3A_1403, %gather3A_1412 : vector<16xf32>
        %mul3A_1414 = arith.constant 16 : i32
        %mul3A_1415 = vector.broadcast %mul3A_1414 : i32 to vector<16xi32>
        %mul3A_1416 = arith.muli %iota3A, %mul3A_1415 : vector<16xi32>
        %add3A_1417 = vector.broadcast %mul3A_1337 : i32 to vector<16xi32>
        %add3A_1418 = arith.addi %add3A_1417, %mul3A_1416 : vector<16xi32>
        %add3A_1419 = arith.constant 8 : i32
        %add3A_1420 = vector.broadcast %add3A_1419 : i32 to vector<16xi32>
        %add3A_1421 = arith.addi %add3A_1418, %add3A_1420 : vector<16xi32>
        %gather3A_1422 = tpu.vector_load_idx %arg8[%add3A_1421] : memref<20480xf32, #tpu.memory_space<vmem>>[vector<16xi32>], vector<16xf32>,
        %max3A_1423 = arith.maximumf %max3A_1413, %gather3A_1422 : vector<16xf32>
        %mul3A_1424 = arith.constant 16 : i32
        %mul3A_1425 = vector.broadcast %mul3A_1424 : i32 to vector<16xi32>
        %mul3A_1426 = arith.muli %iota3A, %mul3A_1425 : vector<16xi32>
        %add3A_1427 = vector.broadcast %mul3A_1337 : i32 to vector<16xi32>
        %add3A_1428 = arith.addi %add3A_1427, %mul3A_1426 : vector<16xi32>
        %add3A_1429 = arith.constant 9 : i32
        %add3A_1430 = vector.broadcast %add3A_1429 : i32 to vector<16xi32>
        %add3A_1431 = arith.addi %add3A_1428, %add3A_1430 : vector<16xi32>
        %gather3A_1432 = tpu.vector_load_idx %arg8[%add3A_1431] : memref<20480xf32, #tpu.memory_space<vmem>>[vector<16xi32>], vector<16xf32>,
        %max3A_1433 = arith.maximumf %max3A_1423, %gather3A_1432 : vector<16xf32>
        %mul3A_1434 = arith.constant 16 : i32
        %mul3A_1435 = vector.broadcast %mul3A_1434 : i32 to vector<16xi32>
        %mul3A_1436 = arith.muli %iota3A, %mul3A_1435 : vector<16xi32>
        %add3A_1437 = vector.broadcast %mul3A_1337 : i32 to vector<16xi32>
        %add3A_1438 = arith.addi %add3A_1437, %mul3A_1436 : vector<16xi32>
        %add3A_1439 = arith.constant 10 : i32
        %add3A_1440 = vector.broadcast %add3A_1439 : i32 to vector<16xi32>
        %add3A_1441 = arith.addi %add3A_1438, %add3A_1440 : vector<16xi32>
        %gather3A_1442 = tpu.vector_load_idx %arg8[%add3A_1441] : memref<20480xf32, #tpu.memory_space<vmem>>[vector<16xi32>], vector<16xf32>,
        %max3A_1443 = arith.maximumf %max3A_1433, %gather3A_1442 : vector<16xf32>
        %mul3A_1444 = arith.constant 16 : i32
        %mul3A_1445 = vector.broadcast %mul3A_1444 : i32 to vector<16xi32>
        %mul3A_1446 = arith.muli %iota3A, %mul3A_1445 : vector<16xi32>
        %add3A_1447 = vector.broadcast %mul3A_1337 : i32 to vector<16xi32>
        %add3A_1448 = arith.addi %add3A_1447, %mul3A_1446 : vector<16xi32>
        %add3A_1449 = arith.constant 11 : i32
        %add3A_1450 = vector.broadcast %add3A_1449 : i32 to vector<16xi32>
        %add3A_1451 = arith.addi %add3A_1448, %add3A_1450 : vector<16xi32>
        %gather3A_1452 = tpu.vector_load_idx %arg8[%add3A_1451] : memref<20480xf32, #tpu.memory_space<vmem>>[vector<16xi32>], vector<16xf32>,
        %max3A_1453 = arith.maximumf %max3A_1443, %gather3A_1452 : vector<16xf32>
        %mul3A_1454 = arith.constant 16 : i32
        %mul3A_1455 = vector.broadcast %mul3A_1454 : i32 to vector<16xi32>
        %mul3A_1456 = arith.muli %iota3A, %mul3A_1455 : vector<16xi32>
        %add3A_1457 = vector.broadcast %mul3A_1337 : i32 to vector<16xi32>
        %add3A_1458 = arith.addi %add3A_1457, %mul3A_1456 : vector<16xi32>
        %add3A_1459 = arith.constant 12 : i32
        %add3A_1460 = vector.broadcast %add3A_1459 : i32 to vector<16xi32>
        %add3A_1461 = arith.addi %add3A_1458, %add3A_1460 : vector<16xi32>
        %gather3A_1462 = tpu.vector_load_idx %arg8[%add3A_1461] : memref<20480xf32, #tpu.memory_space<vmem>>[vector<16xi32>], vector<16xf32>,
        %max3A_1463 = arith.maximumf %max3A_1453, %gather3A_1462 : vector<16xf32>
        %mul3A_1464 = arith.constant 16 : i32
        %mul3A_1465 = vector.broadcast %mul3A_1464 : i32 to vector<16xi32>
        %mul3A_1466 = arith.muli %iota3A, %mul3A_1465 : vector<16xi32>
        %add3A_1467 = vector.broadcast %mul3A_1337 : i32 to vector<16xi32>
        %add3A_1468 = arith.addi %add3A_1467, %mul3A_1466 : vector<16xi32>
        %add3A_1469 = arith.constant 13 : i32
        %add3A_1470 = vector.broadcast %add3A_1469 : i32 to vector<16xi32>
        %add3A_1471 = arith.addi %add3A_1468, %add3A_1470 : vector<16xi32>
        %gather3A_1472 = tpu.vector_load_idx %arg8[%add3A_1471] : memref<20480xf32, #tpu.memory_space<vmem>>[vector<16xi32>], vector<16xf32>,
        %max3A_1473 = arith.maximumf %max3A_1463, %gather3A_1472 : vector<16xf32>
        %mul3A_1474 = arith.constant 16 : i32
        %mul3A_1475 = vector.broadcast %mul3A_1474 : i32 to vector<16xi32>
        %mul3A_1476 = arith.muli %iota3A, %mul3A_1475 : vector<16xi32>
        %add3A_1477 = vector.broadcast %mul3A_1337 : i32 to vector<16xi32>
        %add3A_1478 = arith.addi %add3A_1477, %mul3A_1476 : vector<16xi32>
        %add3A_1479 = arith.constant 14 : i32
        %add3A_1480 = vector.broadcast %add3A_1479 : i32 to vector<16xi32>
        %add3A_1481 = arith.addi %add3A_1478, %add3A_1480 : vector<16xi32>
        %gather3A_1482 = tpu.vector_load_idx %arg8[%add3A_1481] : memref<20480xf32, #tpu.memory_space<vmem>>[vector<16xi32>], vector<16xf32>,
        %max3A_1483 = arith.maximumf %max3A_1473, %gather3A_1482 : vector<16xf32>
        %mul3A_1484 = arith.constant 16 : i32
        %mul3A_1485 = vector.broadcast %mul3A_1484 : i32 to vector<16xi32>
        %mul3A_1486 = arith.muli %iota3A, %mul3A_1485 : vector<16xi32>
        %add3A_1487 = vector.broadcast %mul3A_1337 : i32 to vector<16xi32>
        %add3A_1488 = arith.addi %add3A_1487, %mul3A_1486 : vector<16xi32>
        %add3A_1489 = arith.constant 15 : i32
        %add3A_1490 = vector.broadcast %add3A_1489 : i32 to vector<16xi32>
        %add3A_1491 = arith.addi %add3A_1488, %add3A_1490 : vector<16xi32>
        %gather3A_1492 = tpu.vector_load_idx %arg8[%add3A_1491] : memref<20480xf32, #tpu.memory_space<vmem>>[vector<16xi32>], vector<16xf32>,
        %max3A_1493 = arith.maximumf %max3A_1483, %gather3A_1492 : vector<16xf32>
        %mul3A_1494 = arith.constant 16 : i32
        %mul3A_1495 = arith.muli %scan3A_1335, %mul3A_1494 : i32
        %swap3A_1496 = arith.index_cast %mul3A_1495 : i32 to index
        %swap3A_1497 = tpu.vector_load %arg9[%swap3A_1496] {strides = array<i32>} : memref<1280xf32, #tpu.memory_space<vmem>>, vector<16xf32>,
        tpu.vector_store %arg9[%swap3A_1496], %max3A_1493 {strides = array<i32>} : memref<1280xf32, #tpu.memory_space<vmem>>, vector<16xf32>,
        %scan3A_1498 = arith.constant 0 : i32
        %scan3A_1499 = arith.constant 2 : i32
        %scan3A_1500 = arith.addi %scan3A_1169, %scan3A_1499 : i32
        %mul3A_1501 = arith.constant 256 : i32
        %mul3A_1502 = arith.muli %scan3A_1500, %mul3A_1501 : i32
        %mul3A_1503 = arith.constant 16 : i32
        %mul3A_1504 = vector.broadcast %mul3A_1503 : i32 to vector<16xi32>
        %mul3A_1505 = arith.muli %iota3A, %mul3A_1504 : vector<16xi32>
        %add3A_1506 = vector.broadcast %mul3A_1502 : i32 to vector<16xi32>
        %add3A_1507 = arith.addi %add3A_1506, %mul3A_1505 : vector<16xi32>
        %gather3A_1508 = tpu.vector_load_idx %arg8[%add3A_1507] : memref<20480xf32, #tpu.memory_space<vmem>>[vector<16xi32>], vector<16xf32>,
        %mul3A_1509 = arith.constant 16 : i32
        %mul3A_1510 = vector.broadcast %mul3A_1509 : i32 to vector<16xi32>
        %mul3A_1511 = arith.muli %iota3A, %mul3A_1510 : vector<16xi32>
        %add3A_1512 = vector.broadcast %mul3A_1502 : i32 to vector<16xi32>
        %add3A_1513 = arith.addi %add3A_1512, %mul3A_1511 : vector<16xi32>
        %add3A_1514 = arith.constant 1 : i32
        %add3A_1515 = vector.broadcast %add3A_1514 : i32 to vector<16xi32>
        %add3A_1516 = arith.addi %add3A_1513, %add3A_1515 : vector<16xi32>
        %gather3A_1517 = tpu.vector_load_idx %arg8[%add3A_1516] : memref<20480xf32, #tpu.memory_space<vmem>>[vector<16xi32>], vector<16xf32>,
        %max3A_1518 = arith.maximumf %gather3A_1508, %gather3A_1517 : vector<16xf32>
        %mul3A_1519 = arith.constant 16 : i32
        %mul3A_1520 = vector.broadcast %mul3A_1519 : i32 to vector<16xi32>
        %mul3A_1521 = arith.muli %iota3A, %mul3A_1520 : vector<16xi32>
        %add3A_1522 = vector.broadcast %mul3A_1502 : i32 to vector<16xi32>
        %add3A_1523 = arith.addi %add3A_1522, %mul3A_1521 : vector<16xi32>
        %add3A_1524 = arith.constant 2 : i32
        %add3A_1525 = vector.broadcast %add3A_1524 : i32 to vector<16xi32>
        %add3A_1526 = arith.addi %add3A_1523, %add3A_1525 : vector<16xi32>
        %gather3A_1527 = tpu.vector_load_idx %arg8[%add3A_1526] : memref<20480xf32, #tpu.memory_space<vmem>>[vector<16xi32>], vector<16xf32>,
        %max3A_1528 = arith.maximumf %max3A_1518, %gather3A_1527 : vector<16xf32>
        %mul3A_1529 = arith.constant 16 : i32
        %mul3A_1530 = vector.broadcast %mul3A_1529 : i32 to vector<16xi32>
        %mul3A_1531 = arith.muli %iota3A, %mul3A_1530 : vector<16xi32>
        %add3A_1532 = vector.broadcast %mul3A_1502 : i32 to vector<16xi32>
        %add3A_1533 = arith.addi %add3A_1532, %mul3A_1531 : vector<16xi32>
        %add3A_1534 = arith.constant 3 : i32
        %add3A_1535 = vector.broadcast %add3A_1534 : i32 to vector<16xi32>
        %add3A_1536 = arith.addi %add3A_1533, %add3A_1535 : vector<16xi32>
        %gather3A_1537 = tpu.vector_load_idx %arg8[%add3A_1536] : memref<20480xf32, #tpu.memory_space<vmem>>[vector<16xi32>], vector<16xf32>,
        %max3A_1538 = arith.maximumf %max3A_1528, %gather3A_1537 : vector<16xf32>
        %mul3A_1539 = arith.constant 16 : i32
        %mul3A_1540 = vector.broadcast %mul3A_1539 : i32 to vector<16xi32>
        %mul3A_1541 = arith.muli %iota3A, %mul3A_1540 : vector<16xi32>
        %add3A_1542 = vector.broadcast %mul3A_1502 : i32 to vector<16xi32>
        %add3A_1543 = arith.addi %add3A_1542, %mul3A_1541 : vector<16xi32>
        %add3A_1544 = arith.constant 4 : i32
        %add3A_1545 = vector.broadcast %add3A_1544 : i32 to vector<16xi32>
        %add3A_1546 = arith.addi %add3A_1543, %add3A_1545 : vector<16xi32>
        %gather3A_1547 = tpu.vector_load_idx %arg8[%add3A_1546] : memref<20480xf32, #tpu.memory_space<vmem>>[vector<16xi32>], vector<16xf32>,
        %max3A_1548 = arith.maximumf %max3A_1538, %gather3A_1547 : vector<16xf32>
        %mul3A_1549 = arith.constant 16 : i32
        %mul3A_1550 = vector.broadcast %mul3A_1549 : i32 to vector<16xi32>
        %mul3A_1551 = arith.muli %iota3A, %mul3A_1550 : vector<16xi32>
        %add3A_1552 = vector.broadcast %mul3A_1502 : i32 to vector<16xi32>
        %add3A_1553 = arith.addi %add3A_1552, %mul3A_1551 : vector<16xi32>
        %add3A_1554 = arith.constant 5 : i32
        %add3A_1555 = vector.broadcast %add3A_1554 : i32 to vector<16xi32>
        %add3A_1556 = arith.addi %add3A_1553, %add3A_1555 : vector<16xi32>
        %gather3A_1557 = tpu.vector_load_idx %arg8[%add3A_1556] : memref<20480xf32, #tpu.memory_space<vmem>>[vector<16xi32>], vector<16xf32>,
        %max3A_1558 = arith.maximumf %max3A_1548, %gather3A_1557 : vector<16xf32>
        %mul3A_1559 = arith.constant 16 : i32
        %mul3A_1560 = vector.broadcast %mul3A_1559 : i32 to vector<16xi32>
        %mul3A_1561 = arith.muli %iota3A, %mul3A_1560 : vector<16xi32>
        %add3A_1562 = vector.broadcast %mul3A_1502 : i32 to vector<16xi32>
        %add3A_1563 = arith.addi %add3A_1562, %mul3A_1561 : vector<16xi32>
        %add3A_1564 = arith.constant 6 : i32
        %add3A_1565 = vector.broadcast %add3A_1564 : i32 to vector<16xi32>
        %add3A_1566 = arith.addi %add3A_1563, %add3A_1565 : vector<16xi32>
        %gather3A_1567 = tpu.vector_load_idx %arg8[%add3A_1566] : memref<20480xf32, #tpu.memory_space<vmem>>[vector<16xi32>], vector<16xf32>,
        %max3A_1568 = arith.maximumf %max3A_1558, %gather3A_1567 : vector<16xf32>
        %mul3A_1569 = arith.constant 16 : i32
        %mul3A_1570 = vector.broadcast %mul3A_1569 : i32 to vector<16xi32>
        %mul3A_1571 = arith.muli %iota3A, %mul3A_1570 : vector<16xi32>
        %add3A_1572 = vector.broadcast %mul3A_1502 : i32 to vector<16xi32>
        %add3A_1573 = arith.addi %add3A_1572, %mul3A_1571 : vector<16xi32>
        %add3A_1574 = arith.constant 7 : i32
        %add3A_1575 = vector.broadcast %add3A_1574 : i32 to vector<16xi32>
        %add3A_1576 = arith.addi %add3A_1573, %add3A_1575 : vector<16xi32>
        %gather3A_1577 = tpu.vector_load_idx %arg8[%add3A_1576] : memref<20480xf32, #tpu.memory_space<vmem>>[vector<16xi32>], vector<16xf32>,
        %max3A_1578 = arith.maximumf %max3A_1568, %gather3A_1577 : vector<16xf32>
        %mul3A_1579 = arith.constant 16 : i32
        %mul3A_1580 = vector.broadcast %mul3A_1579 : i32 to vector<16xi32>
        %mul3A_1581 = arith.muli %iota3A, %mul3A_1580 : vector<16xi32>
        %add3A_1582 = vector.broadcast %mul3A_1502 : i32 to vector<16xi32>
        %add3A_1583 = arith.addi %add3A_1582, %mul3A_1581 : vector<16xi32>
        %add3A_1584 = arith.constant 8 : i32
        %add3A_1585 = vector.broadcast %add3A_1584 : i32 to vector<16xi32>
        %add3A_1586 = arith.addi %add3A_1583, %add3A_1585 : vector<16xi32>
        %gather3A_1587 = tpu.vector_load_idx %arg8[%add3A_1586] : memref<20480xf32, #tpu.memory_space<vmem>>[vector<16xi32>], vector<16xf32>,
        %max3A_1588 = arith.maximumf %max3A_1578, %gather3A_1587 : vector<16xf32>
        %mul3A_1589 = arith.constant 16 : i32
        %mul3A_1590 = vector.broadcast %mul3A_1589 : i32 to vector<16xi32>
        %mul3A_1591 = arith.muli %iota3A, %mul3A_1590 : vector<16xi32>
        %add3A_1592 = vector.broadcast %mul3A_1502 : i32 to vector<16xi32>
        %add3A_1593 = arith.addi %add3A_1592, %mul3A_1591 : vector<16xi32>
        %add3A_1594 = arith.constant 9 : i32
        %add3A_1595 = vector.broadcast %add3A_1594 : i32 to vector<16xi32>
        %add3A_1596 = arith.addi %add3A_1593, %add3A_1595 : vector<16xi32>
        %gather3A_1597 = tpu.vector_load_idx %arg8[%add3A_1596] : memref<20480xf32, #tpu.memory_space<vmem>>[vector<16xi32>], vector<16xf32>,
        %max3A_1598 = arith.maximumf %max3A_1588, %gather3A_1597 : vector<16xf32>
        %mul3A_1599 = arith.constant 16 : i32
        %mul3A_1600 = vector.broadcast %mul3A_1599 : i32 to vector<16xi32>
        %mul3A_1601 = arith.muli %iota3A, %mul3A_1600 : vector<16xi32>
        %add3A_1602 = vector.broadcast %mul3A_1502 : i32 to vector<16xi32>
        %add3A_1603 = arith.addi %add3A_1602, %mul3A_1601 : vector<16xi32>
        %add3A_1604 = arith.constant 10 : i32
        %add3A_1605 = vector.broadcast %add3A_1604 : i32 to vector<16xi32>
        %add3A_1606 = arith.addi %add3A_1603, %add3A_1605 : vector<16xi32>
        %gather3A_1607 = tpu.vector_load_idx %arg8[%add3A_1606] : memref<20480xf32, #tpu.memory_space<vmem>>[vector<16xi32>], vector<16xf32>,
        %max3A_1608 = arith.maximumf %max3A_1598, %gather3A_1607 : vector<16xf32>
        %mul3A_1609 = arith.constant 16 : i32
        %mul3A_1610 = vector.broadcast %mul3A_1609 : i32 to vector<16xi32>
        %mul3A_1611 = arith.muli %iota3A, %mul3A_1610 : vector<16xi32>
        %add3A_1612 = vector.broadcast %mul3A_1502 : i32 to vector<16xi32>
        %add3A_1613 = arith.addi %add3A_1612, %mul3A_1611 : vector<16xi32>
        %add3A_1614 = arith.constant 11 : i32
        %add3A_1615 = vector.broadcast %add3A_1614 : i32 to vector<16xi32>
        %add3A_1616 = arith.addi %add3A_1613, %add3A_1615 : vector<16xi32>
        %gather3A_1617 = tpu.vector_load_idx %arg8[%add3A_1616] : memref<20480xf32, #tpu.memory_space<vmem>>[vector<16xi32>], vector<16xf32>,
        %max3A_1618 = arith.maximumf %max3A_1608, %gather3A_1617 : vector<16xf32>
        %mul3A_1619 = arith.constant 16 : i32
        %mul3A_1620 = vector.broadcast %mul3A_1619 : i32 to vector<16xi32>
        %mul3A_1621 = arith.muli %iota3A, %mul3A_1620 : vector<16xi32>
        %add3A_1622 = vector.broadcast %mul3A_1502 : i32 to vector<16xi32>
        %add3A_1623 = arith.addi %add3A_1622, %mul3A_1621 : vector<16xi32>
        %add3A_1624 = arith.constant 12 : i32
        %add3A_1625 = vector.broadcast %add3A_1624 : i32 to vector<16xi32>
        %add3A_1626 = arith.addi %add3A_1623, %add3A_1625 : vector<16xi32>
        %gather3A_1627 = tpu.vector_load_idx %arg8[%add3A_1626] : memref<20480xf32, #tpu.memory_space<vmem>>[vector<16xi32>], vector<16xf32>,
        %max3A_1628 = arith.maximumf %max3A_1618, %gather3A_1627 : vector<16xf32>
        %mul3A_1629 = arith.constant 16 : i32
        %mul3A_1630 = vector.broadcast %mul3A_1629 : i32 to vector<16xi32>
        %mul3A_1631 = arith.muli %iota3A, %mul3A_1630 : vector<16xi32>
        %add3A_1632 = vector.broadcast %mul3A_1502 : i32 to vector<16xi32>
        %add3A_1633 = arith.addi %add3A_1632, %mul3A_1631 : vector<16xi32>
        %add3A_1634 = arith.constant 13 : i32
        %add3A_1635 = vector.broadcast %add3A_1634 : i32 to vector<16xi32>
        %add3A_1636 = arith.addi %add3A_1633, %add3A_1635 : vector<16xi32>
        %gather3A_1637 = tpu.vector_load_idx %arg8[%add3A_1636] : memref<20480xf32, #tpu.memory_space<vmem>>[vector<16xi32>], vector<16xf32>,
        %max3A_1638 = arith.maximumf %max3A_1628, %gather3A_1637 : vector<16xf32>
        %mul3A_1639 = arith.constant 16 : i32
        %mul3A_1640 = vector.broadcast %mul3A_1639 : i32 to vector<16xi32>
        %mul3A_1641 = arith.muli %iota3A, %mul3A_1640 : vector<16xi32>
        %add3A_1642 = vector.broadcast %mul3A_1502 : i32 to vector<16xi32>
        %add3A_1643 = arith.addi %add3A_1642, %mul3A_1641 : vector<16xi32>
        %add3A_1644 = arith.constant 14 : i32
        %add3A_1645 = vector.broadcast %add3A_1644 : i32 to vector<16xi32>
        %add3A_1646 = arith.addi %add3A_1643, %add3A_1645 : vector<16xi32>
        %gather3A_1647 = tpu.vector_load_idx %arg8[%add3A_1646] : memref<20480xf32, #tpu.memory_space<vmem>>[vector<16xi32>], vector<16xf32>,
        %max3A_1648 = arith.maximumf %max3A_1638, %gather3A_1647 : vector<16xf32>
        %mul3A_1649 = arith.constant 16 : i32
        %mul3A_1650 = vector.broadcast %mul3A_1649 : i32 to vector<16xi32>
        %mul3A_1651 = arith.muli %iota3A, %mul3A_1650 : vector<16xi32>
        %add3A_1652 = vector.broadcast %mul3A_1502 : i32 to vector<16xi32>
        %add3A_1653 = arith.addi %add3A_1652, %mul3A_1651 : vector<16xi32>
        %add3A_1654 = arith.constant 15 : i32
        %add3A_1655 = vector.broadcast %add3A_1654 : i32 to vector<16xi32>
        %add3A_1656 = arith.addi %add3A_1653, %add3A_1655 : vector<16xi32>
        %gather3A_1657 = tpu.vector_load_idx %arg8[%add3A_1656] : memref<20480xf32, #tpu.memory_space<vmem>>[vector<16xi32>], vector<16xf32>,
        %max3A_1658 = arith.maximumf %max3A_1648, %gather3A_1657 : vector<16xf32>
        %mul3A_1659 = arith.constant 16 : i32
        %mul3A_1660 = arith.muli %scan3A_1500, %mul3A_1659 : i32
        %swap3A_1661 = arith.index_cast %mul3A_1660 : i32 to index
        %swap3A_1662 = tpu.vector_load %arg9[%swap3A_1661] {strides = array<i32>} : memref<1280xf32, #tpu.memory_space<vmem>>, vector<16xf32>,
        tpu.vector_store %arg9[%swap3A_1661], %max3A_1658 {strides = array<i32>} : memref<1280xf32, #tpu.memory_space<vmem>>, vector<16xf32>,
        %scan3A_1663 = arith.constant 0 : i32
        %scan3A_1664 = arith.constant 3 : i32
        %scan3A_1665 = arith.addi %scan3A_1169, %scan3A_1664 : i32
        %mul3A_1666 = arith.constant 256 : i32
        %mul3A_1667 = arith.muli %scan3A_1665, %mul3A_1666 : i32
        %mul3A_1668 = arith.constant 16 : i32
        %mul3A_1669 = vector.broadcast %mul3A_1668 : i32 to vector<16xi32>
        %mul3A_1670 = arith.muli %iota3A, %mul3A_1669 : vector<16xi32>
        %add3A_1671 = vector.broadcast %mul3A_1667 : i32 to vector<16xi32>
        %add3A_1672 = arith.addi %add3A_1671, %mul3A_1670 : vector<16xi32>
        %gather3A_1673 = tpu.vector_load_idx %arg8[%add3A_1672] : memref<20480xf32, #tpu.memory_space<vmem>>[vector<16xi32>], vector<16xf32>,
        %mul3A_1674 = arith.constant 16 : i32
        %mul3A_1675 = vector.broadcast %mul3A_1674 : i32 to vector<16xi32>
        %mul3A_1676 = arith.muli %iota3A, %mul3A_1675 : vector<16xi32>
        %add3A_1677 = vector.broadcast %mul3A_1667 : i32 to vector<16xi32>
        %add3A_1678 = arith.addi %add3A_1677, %mul3A_1676 : vector<16xi32>
        %add3A_1679 = arith.constant 1 : i32
        %add3A_1680 = vector.broadcast %add3A_1679 : i32 to vector<16xi32>
        %add3A_1681 = arith.addi %add3A_1678, %add3A_1680 : vector<16xi32>
        %gather3A_1682 = tpu.vector_load_idx %arg8[%add3A_1681] : memref<20480xf32, #tpu.memory_space<vmem>>[vector<16xi32>], vector<16xf32>,
        %max3A_1683 = arith.maximumf %gather3A_1673, %gather3A_1682 : vector<16xf32>
        %mul3A_1684 = arith.constant 16 : i32
        %mul3A_1685 = vector.broadcast %mul3A_1684 : i32 to vector<16xi32>
        %mul3A_1686 = arith.muli %iota3A, %mul3A_1685 : vector<16xi32>
        %add3A_1687 = vector.broadcast %mul3A_1667 : i32 to vector<16xi32>
        %add3A_1688 = arith.addi %add3A_1687, %mul3A_1686 : vector<16xi32>
        %add3A_1689 = arith.constant 2 : i32
        %add3A_1690 = vector.broadcast %add3A_1689 : i32 to vector<16xi32>
        %add3A_1691 = arith.addi %add3A_1688, %add3A_1690 : vector<16xi32>
        %gather3A_1692 = tpu.vector_load_idx %arg8[%add3A_1691] : memref<20480xf32, #tpu.memory_space<vmem>>[vector<16xi32>], vector<16xf32>,
        %max3A_1693 = arith.maximumf %max3A_1683, %gather3A_1692 : vector<16xf32>
        %mul3A_1694 = arith.constant 16 : i32
        %mul3A_1695 = vector.broadcast %mul3A_1694 : i32 to vector<16xi32>
        %mul3A_1696 = arith.muli %iota3A, %mul3A_1695 : vector<16xi32>
        %add3A_1697 = vector.broadcast %mul3A_1667 : i32 to vector<16xi32>
        %add3A_1698 = arith.addi %add3A_1697, %mul3A_1696 : vector<16xi32>
        %add3A_1699 = arith.constant 3 : i32
        %add3A_1700 = vector.broadcast %add3A_1699 : i32 to vector<16xi32>
        %add3A_1701 = arith.addi %add3A_1698, %add3A_1700 : vector<16xi32>
        %gather3A_1702 = tpu.vector_load_idx %arg8[%add3A_1701] : memref<20480xf32, #tpu.memory_space<vmem>>[vector<16xi32>], vector<16xf32>,
        %max3A_1703 = arith.maximumf %max3A_1693, %gather3A_1702 : vector<16xf32>
        %mul3A_1704 = arith.constant 16 : i32
        %mul3A_1705 = vector.broadcast %mul3A_1704 : i32 to vector<16xi32>
        %mul3A_1706 = arith.muli %iota3A, %mul3A_1705 : vector<16xi32>
        %add3A_1707 = vector.broadcast %mul3A_1667 : i32 to vector<16xi32>
        %add3A_1708 = arith.addi %add3A_1707, %mul3A_1706 : vector<16xi32>
        %add3A_1709 = arith.constant 4 : i32
        %add3A_1710 = vector.broadcast %add3A_1709 : i32 to vector<16xi32>
        %add3A_1711 = arith.addi %add3A_1708, %add3A_1710 : vector<16xi32>
        %gather3A_1712 = tpu.vector_load_idx %arg8[%add3A_1711] : memref<20480xf32, #tpu.memory_space<vmem>>[vector<16xi32>], vector<16xf32>,
        %max3A_1713 = arith.maximumf %max3A_1703, %gather3A_1712 : vector<16xf32>
        %mul3A_1714 = arith.constant 16 : i32
        %mul3A_1715 = vector.broadcast %mul3A_1714 : i32 to vector<16xi32>
        %mul3A_1716 = arith.muli %iota3A, %mul3A_1715 : vector<16xi32>
        %add3A_1717 = vector.broadcast %mul3A_1667 : i32 to vector<16xi32>
        %add3A_1718 = arith.addi %add3A_1717, %mul3A_1716 : vector<16xi32>
        %add3A_1719 = arith.constant 5 : i32
        %add3A_1720 = vector.broadcast %add3A_1719 : i32 to vector<16xi32>
        %add3A_1721 = arith.addi %add3A_1718, %add3A_1720 : vector<16xi32>
        %gather3A_1722 = tpu.vector_load_idx %arg8[%add3A_1721] : memref<20480xf32, #tpu.memory_space<vmem>>[vector<16xi32>], vector<16xf32>,
        %max3A_1723 = arith.maximumf %max3A_1713, %gather3A_1722 : vector<16xf32>
        %mul3A_1724 = arith.constant 16 : i32
        %mul3A_1725 = vector.broadcast %mul3A_1724 : i32 to vector<16xi32>
        %mul3A_1726 = arith.muli %iota3A, %mul3A_1725 : vector<16xi32>
        %add3A_1727 = vector.broadcast %mul3A_1667 : i32 to vector<16xi32>
        %add3A_1728 = arith.addi %add3A_1727, %mul3A_1726 : vector<16xi32>
        %add3A_1729 = arith.constant 6 : i32
        %add3A_1730 = vector.broadcast %add3A_1729 : i32 to vector<16xi32>
        %add3A_1731 = arith.addi %add3A_1728, %add3A_1730 : vector<16xi32>
        %gather3A_1732 = tpu.vector_load_idx %arg8[%add3A_1731] : memref<20480xf32, #tpu.memory_space<vmem>>[vector<16xi32>], vector<16xf32>,
        %max3A_1733 = arith.maximumf %max3A_1723, %gather3A_1732 : vector<16xf32>
        %mul3A_1734 = arith.constant 16 : i32
        %mul3A_1735 = vector.broadcast %mul3A_1734 : i32 to vector<16xi32>
        %mul3A_1736 = arith.muli %iota3A, %mul3A_1735 : vector<16xi32>
        %add3A_1737 = vector.broadcast %mul3A_1667 : i32 to vector<16xi32>
        %add3A_1738 = arith.addi %add3A_1737, %mul3A_1736 : vector<16xi32>
        %add3A_1739 = arith.constant 7 : i32
        %add3A_1740 = vector.broadcast %add3A_1739 : i32 to vector<16xi32>
        %add3A_1741 = arith.addi %add3A_1738, %add3A_1740 : vector<16xi32>
        %gather3A_1742 = tpu.vector_load_idx %arg8[%add3A_1741] : memref<20480xf32, #tpu.memory_space<vmem>>[vector<16xi32>], vector<16xf32>,
        %max3A_1743 = arith.maximumf %max3A_1733, %gather3A_1742 : vector<16xf32>
        %mul3A_1744 = arith.constant 16 : i32
        %mul3A_1745 = vector.broadcast %mul3A_1744 : i32 to vector<16xi32>
        %mul3A_1746 = arith.muli %iota3A, %mul3A_1745 : vector<16xi32>
        %add3A_1747 = vector.broadcast %mul3A_1667 : i32 to vector<16xi32>
        %add3A_1748 = arith.addi %add3A_1747, %mul3A_1746 : vector<16xi32>
        %add3A_1749 = arith.constant 8 : i32
        %add3A_1750 = vector.broadcast %add3A_1749 : i32 to vector<16xi32>
        %add3A_1751 = arith.addi %add3A_1748, %add3A_1750 : vector<16xi32>
        %gather3A_1752 = tpu.vector_load_idx %arg8[%add3A_1751] : memref<20480xf32, #tpu.memory_space<vmem>>[vector<16xi32>], vector<16xf32>,
        %max3A_1753 = arith.maximumf %max3A_1743, %gather3A_1752 : vector<16xf32>
        %mul3A_1754 = arith.constant 16 : i32
        %mul3A_1755 = vector.broadcast %mul3A_1754 : i32 to vector<16xi32>
        %mul3A_1756 = arith.muli %iota3A, %mul3A_1755 : vector<16xi32>
        %add3A_1757 = vector.broadcast %mul3A_1667 : i32 to vector<16xi32>
        %add3A_1758 = arith.addi %add3A_1757, %mul3A_1756 : vector<16xi32>
        %add3A_1759 = arith.constant 9 : i32
        %add3A_1760 = vector.broadcast %add3A_1759 : i32 to vector<16xi32>
        %add3A_1761 = arith.addi %add3A_1758, %add3A_1760 : vector<16xi32>
        %gather3A_1762 = tpu.vector_load_idx %arg8[%add3A_1761] : memref<20480xf32, #tpu.memory_space<vmem>>[vector<16xi32>], vector<16xf32>,
        %max3A_1763 = arith.maximumf %max3A_1753, %gather3A_1762 : vector<16xf32>
        %mul3A_1764 = arith.constant 16 : i32
        %mul3A_1765 = vector.broadcast %mul3A_1764 : i32 to vector<16xi32>
        %mul3A_1766 = arith.muli %iota3A, %mul3A_1765 : vector<16xi32>
        %add3A_1767 = vector.broadcast %mul3A_1667 : i32 to vector<16xi32>
        %add3A_1768 = arith.addi %add3A_1767, %mul3A_1766 : vector<16xi32>
        %add3A_1769 = arith.constant 10 : i32
        %add3A_1770 = vector.broadcast %add3A_1769 : i32 to vector<16xi32>
        %add3A_1771 = arith.addi %add3A_1768, %add3A_1770 : vector<16xi32>
        %gather3A_1772 = tpu.vector_load_idx %arg8[%add3A_1771] : memref<20480xf32, #tpu.memory_space<vmem>>[vector<16xi32>], vector<16xf32>,
        %max3A_1773 = arith.maximumf %max3A_1763, %gather3A_1772 : vector<16xf32>
        %mul3A_1774 = arith.constant 16 : i32
        %mul3A_1775 = vector.broadcast %mul3A_1774 : i32 to vector<16xi32>
        %mul3A_1776 = arith.muli %iota3A, %mul3A_1775 : vector<16xi32>
        %add3A_1777 = vector.broadcast %mul3A_1667 : i32 to vector<16xi32>
        %add3A_1778 = arith.addi %add3A_1777, %mul3A_1776 : vector<16xi32>
        %add3A_1779 = arith.constant 11 : i32
        %add3A_1780 = vector.broadcast %add3A_1779 : i32 to vector<16xi32>
        %add3A_1781 = arith.addi %add3A_1778, %add3A_1780 : vector<16xi32>
        %gather3A_1782 = tpu.vector_load_idx %arg8[%add3A_1781] : memref<20480xf32, #tpu.memory_space<vmem>>[vector<16xi32>], vector<16xf32>,
        %max3A_1783 = arith.maximumf %max3A_1773, %gather3A_1782 : vector<16xf32>
        %mul3A_1784 = arith.constant 16 : i32
        %mul3A_1785 = vector.broadcast %mul3A_1784 : i32 to vector<16xi32>
        %mul3A_1786 = arith.muli %iota3A, %mul3A_1785 : vector<16xi32>
        %add3A_1787 = vector.broadcast %mul3A_1667 : i32 to vector<16xi32>
        %add3A_1788 = arith.addi %add3A_1787, %mul3A_1786 : vector<16xi32>
        %add3A_1789 = arith.constant 12 : i32
        %add3A_1790 = vector.broadcast %add3A_1789 : i32 to vector<16xi32>
        %add3A_1791 = arith.addi %add3A_1788, %add3A_1790 : vector<16xi32>
        %gather3A_1792 = tpu.vector_load_idx %arg8[%add3A_1791] : memref<20480xf32, #tpu.memory_space<vmem>>[vector<16xi32>], vector<16xf32>,
        %max3A_1793 = arith.maximumf %max3A_1783, %gather3A_1792 : vector<16xf32>
        %mul3A_1794 = arith.constant 16 : i32
        %mul3A_1795 = vector.broadcast %mul3A_1794 : i32 to vector<16xi32>
        %mul3A_1796 = arith.muli %iota3A, %mul3A_1795 : vector<16xi32>
        %add3A_1797 = vector.broadcast %mul3A_1667 : i32 to vector<16xi32>
        %add3A_1798 = arith.addi %add3A_1797, %mul3A_1796 : vector<16xi32>
        %add3A_1799 = arith.constant 13 : i32
        %add3A_1800 = vector.broadcast %add3A_1799 : i32 to vector<16xi32>
        %add3A_1801 = arith.addi %add3A_1798, %add3A_1800 : vector<16xi32>
        %gather3A_1802 = tpu.vector_load_idx %arg8[%add3A_1801] : memref<20480xf32, #tpu.memory_space<vmem>>[vector<16xi32>], vector<16xf32>,
        %max3A_1803 = arith.maximumf %max3A_1793, %gather3A_1802 : vector<16xf32>
        %mul3A_1804 = arith.constant 16 : i32
        %mul3A_1805 = vector.broadcast %mul3A_1804 : i32 to vector<16xi32>
        %mul3A_1806 = arith.muli %iota3A, %mul3A_1805 : vector<16xi32>
        %add3A_1807 = vector.broadcast %mul3A_1667 : i32 to vector<16xi32>
        %add3A_1808 = arith.addi %add3A_1807, %mul3A_1806 : vector<16xi32>
        %add3A_1809 = arith.constant 14 : i32
        %add3A_1810 = vector.broadcast %add3A_1809 : i32 to vector<16xi32>
        %add3A_1811 = arith.addi %add3A_1808, %add3A_1810 : vector<16xi32>
        %gather3A_1812 = tpu.vector_load_idx %arg8[%add3A_1811] : memref<20480xf32, #tpu.memory_space<vmem>>[vector<16xi32>], vector<16xf32>,
        %max3A_1813 = arith.maximumf %max3A_1803, %gather3A_1812 : vector<16xf32>
        %mul3A_1814 = arith.constant 16 : i32
        %mul3A_1815 = vector.broadcast %mul3A_1814 : i32 to vector<16xi32>
        %mul3A_1816 = arith.muli %iota3A, %mul3A_1815 : vector<16xi32>
        %add3A_1817 = vector.broadcast %mul3A_1667 : i32 to vector<16xi32>
        %add3A_1818 = arith.addi %add3A_1817, %mul3A_1816 : vector<16xi32>
        %add3A_1819 = arith.constant 15 : i32
        %add3A_1820 = vector.broadcast %add3A_1819 : i32 to vector<16xi32>
        %add3A_1821 = arith.addi %add3A_1818, %add3A_1820 : vector<16xi32>
        %gather3A_1822 = tpu.vector_load_idx %arg8[%add3A_1821] : memref<20480xf32, #tpu.memory_space<vmem>>[vector<16xi32>], vector<16xf32>,
        %max3A_1823 = arith.maximumf %max3A_1813, %gather3A_1822 : vector<16xf32>
        %mul3A_1824 = arith.constant 16 : i32
        %mul3A_1825 = arith.muli %scan3A_1665, %mul3A_1824 : i32
        %swap3A_1826 = arith.index_cast %mul3A_1825 : i32 to index
        %swap3A_1827 = tpu.vector_load %arg9[%swap3A_1826] {strides = array<i32>} : memref<1280xf32, #tpu.memory_space<vmem>>, vector<16xf32>,
        tpu.vector_store %arg9[%swap3A_1826], %max3A_1823 {strides = array<i32>} : memref<1280xf32, #tpu.memory_space<vmem>>, vector<16xf32>,
        %scan3A_1828 = arith.constant 0 : i32
        scf.yield %scan3A_1828 : i32
      }
      %scan3A_244 = arith.constant 80 : i32
      %broadcast_in_dim3A_245 = arith.constant -1.000000e+00 : f32
      %broadcast_in_dim3A_246 = vector.broadcast %broadcast_in_dim3A_245 : f32 to vector<16xf32>
      %mul3A = arith.constant 16 : i32
      %mul3A_247 = vector.broadcast %mul3A : i32 to vector<16xi32>
      %mul3A_248 = arith.muli %iota3A, %mul3A_247 : vector<16xi32>
      %add3A = arith.constant 0 : i32
      %add3A_249 = vector.broadcast %add3A : i32 to vector<16xi32>
      %add3A_250 = arith.addi %add3A_249, %mul3A_248 : vector<16xi32>
      %gather3A = tpu.vector_load_idx %arg9[%add3A_250] : memref<1280xf32, #tpu.memory_space<vmem>>[vector<16xi32>], vector<16xf32>,
      %mul3A_251 = arith.constant 16 : i32
      %mul3A_252 = vector.broadcast %mul3A_251 : i32 to vector<16xi32>
      %mul3A_253 = arith.muli %iota3A, %mul3A_252 : vector<16xi32>
      %add3A_254 = arith.constant 0 : i32
      %add3A_255 = vector.broadcast %add3A_254 : i32 to vector<16xi32>
      %add3A_256 = arith.addi %add3A_255, %mul3A_253 : vector<16xi32>
      %add3A_257 = arith.constant 1 : i32
      %add3A_258 = vector.broadcast %add3A_257 : i32 to vector<16xi32>
      %add3A_259 = arith.addi %add3A_256, %add3A_258 : vector<16xi32>
      %gather3A_260 = tpu.vector_load_idx %arg9[%add3A_259] : memref<1280xf32, #tpu.memory_space<vmem>>[vector<16xi32>], vector<16xf32>,
      %max3A = arith.maximumf %gather3A, %gather3A_260 : vector<16xf32>
      %mul3A_261 = arith.constant 16 : i32
      %mul3A_262 = vector.broadcast %mul3A_261 : i32 to vector<16xi32>
      %mul3A_263 = arith.muli %iota3A, %mul3A_262 : vector<16xi32>
      %add3A_264 = arith.constant 0 : i32
      %add3A_265 = vector.broadcast %add3A_264 : i32 to vector<16xi32>
      %add3A_266 = arith.addi %add3A_265, %mul3A_263 : vector<16xi32>
      %add3A_267 = arith.constant 2 : i32
      %add3A_268 = vector.broadcast %add3A_267 : i32 to vector<16xi32>
      %add3A_269 = arith.addi %add3A_266, %add3A_268 : vector<16xi32>
      %gather3A_270 = tpu.vector_load_idx %arg9[%add3A_269] : memref<1280xf32, #tpu.memory_space<vmem>>[vector<16xi32>], vector<16xf32>,
      %max3A_271 = arith.maximumf %max3A, %gather3A_270 : vector<16xf32>
      %mul3A_272 = arith.constant 16 : i32
      %mul3A_273 = vector.broadcast %mul3A_272 : i32 to vector<16xi32>
      %mul3A_274 = arith.muli %iota3A, %mul3A_273 : vector<16xi32>
      %add3A_275 = arith.constant 0 : i32
      %add3A_276 = vector.broadcast %add3A_275 : i32 to vector<16xi32>
      %add3A_277 = arith.addi %add3A_276, %mul3A_274 : vector<16xi32>
      %add3A_278 = arith.constant 3 : i32
      %add3A_279 = vector.broadcast %add3A_278 : i32 to vector<16xi32>
      %add3A_280 = arith.addi %add3A_277, %add3A_279 : vector<16xi32>
      %gather3A_281 = tpu.vector_load_idx %arg9[%add3A_280] : memref<1280xf32, #tpu.memory_space<vmem>>[vector<16xi32>], vector<16xf32>,
      %max3A_282 = arith.maximumf %max3A_271, %gather3A_281 : vector<16xf32>
      %mul3A_283 = arith.constant 16 : i32
      %mul3A_284 = vector.broadcast %mul3A_283 : i32 to vector<16xi32>
      %mul3A_285 = arith.muli %iota3A, %mul3A_284 : vector<16xi32>
      %add3A_286 = arith.constant 0 : i32
      %add3A_287 = vector.broadcast %add3A_286 : i32 to vector<16xi32>
      %add3A_288 = arith.addi %add3A_287, %mul3A_285 : vector<16xi32>
      %add3A_289 = arith.constant 4 : i32
      %add3A_290 = vector.broadcast %add3A_289 : i32 to vector<16xi32>
      %add3A_291 = arith.addi %add3A_288, %add3A_290 : vector<16xi32>
      %gather3A_292 = tpu.vector_load_idx %arg9[%add3A_291] : memref<1280xf32, #tpu.memory_space<vmem>>[vector<16xi32>], vector<16xf32>,
      %max3A_293 = arith.maximumf %max3A_282, %gather3A_292 : vector<16xf32>
      %mul3A_294 = arith.constant 16 : i32
      %mul3A_295 = vector.broadcast %mul3A_294 : i32 to vector<16xi32>
      %mul3A_296 = arith.muli %iota3A, %mul3A_295 : vector<16xi32>
      %add3A_297 = arith.constant 0 : i32
      %add3A_298 = vector.broadcast %add3A_297 : i32 to vector<16xi32>
      %add3A_299 = arith.addi %add3A_298, %mul3A_296 : vector<16xi32>
      %add3A_300 = arith.constant 5 : i32
      %add3A_301 = vector.broadcast %add3A_300 : i32 to vector<16xi32>
      %add3A_302 = arith.addi %add3A_299, %add3A_301 : vector<16xi32>
      %gather3A_303 = tpu.vector_load_idx %arg9[%add3A_302] : memref<1280xf32, #tpu.memory_space<vmem>>[vector<16xi32>], vector<16xf32>,
      %max3A_304 = arith.maximumf %max3A_293, %gather3A_303 : vector<16xf32>
      %mul3A_305 = arith.constant 16 : i32
      %mul3A_306 = vector.broadcast %mul3A_305 : i32 to vector<16xi32>
      %mul3A_307 = arith.muli %iota3A, %mul3A_306 : vector<16xi32>
      %add3A_308 = arith.constant 0 : i32
      %add3A_309 = vector.broadcast %add3A_308 : i32 to vector<16xi32>
      %add3A_310 = arith.addi %add3A_309, %mul3A_307 : vector<16xi32>
      %add3A_311 = arith.constant 6 : i32
      %add3A_312 = vector.broadcast %add3A_311 : i32 to vector<16xi32>
      %add3A_313 = arith.addi %add3A_310, %add3A_312 : vector<16xi32>
      %gather3A_314 = tpu.vector_load_idx %arg9[%add3A_313] : memref<1280xf32, #tpu.memory_space<vmem>>[vector<16xi32>], vector<16xf32>,
      %max3A_315 = arith.maximumf %max3A_304, %gather3A_314 : vector<16xf32>
      %mul3A_316 = arith.constant 16 : i32
      %mul3A_317 = vector.broadcast %mul3A_316 : i32 to vector<16xi32>
      %mul3A_318 = arith.muli %iota3A, %mul3A_317 : vector<16xi32>
      %add3A_319 = arith.constant 0 : i32
      %add3A_320 = vector.broadcast %add3A_319 : i32 to vector<16xi32>
      %add3A_321 = arith.addi %add3A_320, %mul3A_318 : vector<16xi32>
      %add3A_322 = arith.constant 7 : i32
      %add3A_323 = vector.broadcast %add3A_322 : i32 to vector<16xi32>
      %add3A_324 = arith.addi %add3A_321, %add3A_323 : vector<16xi32>
      %gather3A_325 = tpu.vector_load_idx %arg9[%add3A_324] : memref<1280xf32, #tpu.memory_space<vmem>>[vector<16xi32>], vector<16xf32>,
      %max3A_326 = arith.maximumf %max3A_315, %gather3A_325 : vector<16xf32>
      %mul3A_327 = arith.constant 16 : i32
      %mul3A_328 = vector.broadcast %mul3A_327 : i32 to vector<16xi32>
      %mul3A_329 = arith.muli %iota3A, %mul3A_328 : vector<16xi32>
      %add3A_330 = arith.constant 0 : i32
      %add3A_331 = vector.broadcast %add3A_330 : i32 to vector<16xi32>
      %add3A_332 = arith.addi %add3A_331, %mul3A_329 : vector<16xi32>
      %add3A_333 = arith.constant 8 : i32
      %add3A_334 = vector.broadcast %add3A_333 : i32 to vector<16xi32>
      %add3A_335 = arith.addi %add3A_332, %add3A_334 : vector<16xi32>
      %gather3A_336 = tpu.vector_load_idx %arg9[%add3A_335] : memref<1280xf32, #tpu.memory_space<vmem>>[vector<16xi32>], vector<16xf32>,
      %max3A_337 = arith.maximumf %max3A_326, %gather3A_336 : vector<16xf32>
      %mul3A_338 = arith.constant 16 : i32
      %mul3A_339 = vector.broadcast %mul3A_338 : i32 to vector<16xi32>
      %mul3A_340 = arith.muli %iota3A, %mul3A_339 : vector<16xi32>
      %add3A_341 = arith.constant 0 : i32
      %add3A_342 = vector.broadcast %add3A_341 : i32 to vector<16xi32>
      %add3A_343 = arith.addi %add3A_342, %mul3A_340 : vector<16xi32>
      %add3A_344 = arith.constant 9 : i32
      %add3A_345 = vector.broadcast %add3A_344 : i32 to vector<16xi32>
      %add3A_346 = arith.addi %add3A_343, %add3A_345 : vector<16xi32>
      %gather3A_347 = tpu.vector_load_idx %arg9[%add3A_346] : memref<1280xf32, #tpu.memory_space<vmem>>[vector<16xi32>], vector<16xf32>,
      %max3A_348 = arith.maximumf %max3A_337, %gather3A_347 : vector<16xf32>
      %mul3A_349 = arith.constant 16 : i32
      %mul3A_350 = vector.broadcast %mul3A_349 : i32 to vector<16xi32>
      %mul3A_351 = arith.muli %iota3A, %mul3A_350 : vector<16xi32>
      %add3A_352 = arith.constant 0 : i32
      %add3A_353 = vector.broadcast %add3A_352 : i32 to vector<16xi32>
      %add3A_354 = arith.addi %add3A_353, %mul3A_351 : vector<16xi32>
      %add3A_355 = arith.constant 10 : i32
      %add3A_356 = vector.broadcast %add3A_355 : i32 to vector<16xi32>
      %add3A_357 = arith.addi %add3A_354, %add3A_356 : vector<16xi32>
      %gather3A_358 = tpu.vector_load_idx %arg9[%add3A_357] : memref<1280xf32, #tpu.memory_space<vmem>>[vector<16xi32>], vector<16xf32>,
      %max3A_359 = arith.maximumf %max3A_348, %gather3A_358 : vector<16xf32>
      %mul3A_360 = arith.constant 16 : i32
      %mul3A_361 = vector.broadcast %mul3A_360 : i32 to vector<16xi32>
      %mul3A_362 = arith.muli %iota3A, %mul3A_361 : vector<16xi32>
      %add3A_363 = arith.constant 0 : i32
      %add3A_364 = vector.broadcast %add3A_363 : i32 to vector<16xi32>
      %add3A_365 = arith.addi %add3A_364, %mul3A_362 : vector<16xi32>
      %add3A_366 = arith.constant 11 : i32
      %add3A_367 = vector.broadcast %add3A_366 : i32 to vector<16xi32>
      %add3A_368 = arith.addi %add3A_365, %add3A_367 : vector<16xi32>
      %gather3A_369 = tpu.vector_load_idx %arg9[%add3A_368] : memref<1280xf32, #tpu.memory_space<vmem>>[vector<16xi32>], vector<16xf32>,
      %max3A_370 = arith.maximumf %max3A_359, %gather3A_369 : vector<16xf32>
      %mul3A_371 = arith.constant 16 : i32
      %mul3A_372 = vector.broadcast %mul3A_371 : i32 to vector<16xi32>
      %mul3A_373 = arith.muli %iota3A, %mul3A_372 : vector<16xi32>
      %add3A_374 = arith.constant 0 : i32
      %add3A_375 = vector.broadcast %add3A_374 : i32 to vector<16xi32>
      %add3A_376 = arith.addi %add3A_375, %mul3A_373 : vector<16xi32>
      %add3A_377 = arith.constant 12 : i32
      %add3A_378 = vector.broadcast %add3A_377 : i32 to vector<16xi32>
      %add3A_379 = arith.addi %add3A_376, %add3A_378 : vector<16xi32>
      %gather3A_380 = tpu.vector_load_idx %arg9[%add3A_379] : memref<1280xf32, #tpu.memory_space<vmem>>[vector<16xi32>], vector<16xf32>,
      %max3A_381 = arith.maximumf %max3A_370, %gather3A_380 : vector<16xf32>
      %mul3A_382 = arith.constant 16 : i32
      %mul3A_383 = vector.broadcast %mul3A_382 : i32 to vector<16xi32>
      %mul3A_384 = arith.muli %iota3A, %mul3A_383 : vector<16xi32>
      %add3A_385 = arith.constant 0 : i32
      %add3A_386 = vector.broadcast %add3A_385 : i32 to vector<16xi32>
      %add3A_387 = arith.addi %add3A_386, %mul3A_384 : vector<16xi32>
      %add3A_388 = arith.constant 13 : i32
      %add3A_389 = vector.broadcast %add3A_388 : i32 to vector<16xi32>
      %add3A_390 = arith.addi %add3A_387, %add3A_389 : vector<16xi32>
      %gather3A_391 = tpu.vector_load_idx %arg9[%add3A_390] : memref<1280xf32, #tpu.memory_space<vmem>>[vector<16xi32>], vector<16xf32>,
      %max3A_392 = arith.maximumf %max3A_381, %gather3A_391 : vector<16xf32>
      %mul3A_393 = arith.constant 16 : i32
      %mul3A_394 = vector.broadcast %mul3A_393 : i32 to vector<16xi32>
      %mul3A_395 = arith.muli %iota3A, %mul3A_394 : vector<16xi32>
      %add3A_396 = arith.constant 0 : i32
      %add3A_397 = vector.broadcast %add3A_396 : i32 to vector<16xi32>
      %add3A_398 = arith.addi %add3A_397, %mul3A_395 : vector<16xi32>
      %add3A_399 = arith.constant 14 : i32
      %add3A_400 = vector.broadcast %add3A_399 : i32 to vector<16xi32>
      %add3A_401 = arith.addi %add3A_398, %add3A_400 : vector<16xi32>
      %gather3A_402 = tpu.vector_load_idx %arg9[%add3A_401] : memref<1280xf32, #tpu.memory_space<vmem>>[vector<16xi32>], vector<16xf32>,
      %max3A_403 = arith.maximumf %max3A_392, %gather3A_402 : vector<16xf32>
      %mul3A_404 = arith.constant 16 : i32
      %mul3A_405 = vector.broadcast %mul3A_404 : i32 to vector<16xi32>
      %mul3A_406 = arith.muli %iota3A, %mul3A_405 : vector<16xi32>
      %add3A_407 = arith.constant 0 : i32
      %add3A_408 = vector.broadcast %add3A_407 : i32 to vector<16xi32>
      %add3A_409 = arith.addi %add3A_408, %mul3A_406 : vector<16xi32>
      %add3A_410 = arith.constant 15 : i32
      %add3A_411 = vector.broadcast %add3A_410 : i32 to vector<16xi32>
      %add3A_412 = arith.addi %add3A_409, %add3A_411 : vector<16xi32>
      %gather3A_413 = tpu.vector_load_idx %arg9[%add3A_412] : memref<1280xf32, #tpu.memory_space<vmem>>[vector<16xi32>], vector<16xf32>,
      %max3A_414 = arith.maximumf %max3A_403, %gather3A_413 : vector<16xf32>
      %eq3A_415 = arith.constant 0 : i32
      %eq3A_416 = vector.broadcast %eq3A_415 : i32 to vector<16xi32>
      %eq3A_417 = arith.cmpi eq, %iota3A, %eq3A_416 : vector<16xi32>
      %broadcast_in_dim3A_418 = arith.constant true
      %broadcast_in_dim3A_419 = vector.broadcast %broadcast_in_dim3A_418 : i1 to vector<16xi1>
      %masked_cummax3A = tpu.scan <max>, %max3A_414 masked %broadcast_in_dim3A_419 : vector<16xf32>, vector<16xi1> -> vector<16xf32>
      %reshape3A = vector.shape_cast %broadcast_in_dim3A_7 : vector<16xi32> to vector<16x1xi32>
      %gather3A_420 = vector.shape_cast %reshape3A : vector<16x1xi32> to vector<16xi32>
      %gather3A_421 = tpu.dynamic_gather %masked_cummax3A[%gather3A_420] in [0] : vector<16xf32>, vector<16xi32> -> vector<16xf32>
      %select_n3A = arith.select %eq3A_417, %gather3A_421, %broadcast_in_dim3A_246 : vector<16xi1>, vector<16xf32>
      %mul3A_422 = arith.constant 16 : i32
      %mul3A_423 = vector.broadcast %mul3A_422 : i32 to vector<16xi32>
      %mul3A_424 = arith.muli %iota3A, %mul3A_423 : vector<16xi32>
      %add3A_425 = arith.constant 256 : i32
      %add3A_426 = vector.broadcast %add3A_425 : i32 to vector<16xi32>
      %add3A_427 = arith.addi %add3A_426, %mul3A_424 : vector<16xi32>
      %gather3A_428 = tpu.vector_load_idx %arg9[%add3A_427] : memref<1280xf32, #tpu.memory_space<vmem>>[vector<16xi32>], vector<16xf32>,
      %mul3A_429 = arith.constant 16 : i32
      %mul3A_430 = vector.broadcast %mul3A_429 : i32 to vector<16xi32>
      %mul3A_431 = arith.muli %iota3A, %mul3A_430 : vector<16xi32>
      %add3A_432 = arith.constant 256 : i32
      %add3A_433 = vector.broadcast %add3A_432 : i32 to vector<16xi32>
      %add3A_434 = arith.addi %add3A_433, %mul3A_431 : vector<16xi32>
      %add3A_435 = arith.constant 1 : i32
      %add3A_436 = vector.broadcast %add3A_435 : i32 to vector<16xi32>
      %add3A_437 = arith.addi %add3A_434, %add3A_436 : vector<16xi32>
      %gather3A_438 = tpu.vector_load_idx %arg9[%add3A_437] : memref<1280xf32, #tpu.memory_space<vmem>>[vector<16xi32>], vector<16xf32>,
      %max3A_439 = arith.maximumf %gather3A_428, %gather3A_438 : vector<16xf32>
      %mul3A_440 = arith.constant 16 : i32
      %mul3A_441 = vector.broadcast %mul3A_440 : i32 to vector<16xi32>
      %mul3A_442 = arith.muli %iota3A, %mul3A_441 : vector<16xi32>
      %add3A_443 = arith.constant 256 : i32
      %add3A_444 = vector.broadcast %add3A_443 : i32 to vector<16xi32>
      %add3A_445 = arith.addi %add3A_444, %mul3A_442 : vector<16xi32>
      %add3A_446 = arith.constant 2 : i32
      %add3A_447 = vector.broadcast %add3A_446 : i32 to vector<16xi32>
      %add3A_448 = arith.addi %add3A_445, %add3A_447 : vector<16xi32>
      %gather3A_449 = tpu.vector_load_idx %arg9[%add3A_448] : memref<1280xf32, #tpu.memory_space<vmem>>[vector<16xi32>], vector<16xf32>,
      %max3A_450 = arith.maximumf %max3A_439, %gather3A_449 : vector<16xf32>
      %mul3A_451 = arith.constant 16 : i32
      %mul3A_452 = vector.broadcast %mul3A_451 : i32 to vector<16xi32>
      %mul3A_453 = arith.muli %iota3A, %mul3A_452 : vector<16xi32>
      %add3A_454 = arith.constant 256 : i32
      %add3A_455 = vector.broadcast %add3A_454 : i32 to vector<16xi32>
      %add3A_456 = arith.addi %add3A_455, %mul3A_453 : vector<16xi32>
      %add3A_457 = arith.constant 3 : i32
      %add3A_458 = vector.broadcast %add3A_457 : i32 to vector<16xi32>
      %add3A_459 = arith.addi %add3A_456, %add3A_458 : vector<16xi32>
      %gather3A_460 = tpu.vector_load_idx %arg9[%add3A_459] : memref<1280xf32, #tpu.memory_space<vmem>>[vector<16xi32>], vector<16xf32>,
      %max3A_461 = arith.maximumf %max3A_450, %gather3A_460 : vector<16xf32>
      %mul3A_462 = arith.constant 16 : i32
      %mul3A_463 = vector.broadcast %mul3A_462 : i32 to vector<16xi32>
      %mul3A_464 = arith.muli %iota3A, %mul3A_463 : vector<16xi32>
      %add3A_465 = arith.constant 256 : i32
      %add3A_466 = vector.broadcast %add3A_465 : i32 to vector<16xi32>
      %add3A_467 = arith.addi %add3A_466, %mul3A_464 : vector<16xi32>
      %add3A_468 = arith.constant 4 : i32
      %add3A_469 = vector.broadcast %add3A_468 : i32 to vector<16xi32>
      %add3A_470 = arith.addi %add3A_467, %add3A_469 : vector<16xi32>
      %gather3A_471 = tpu.vector_load_idx %arg9[%add3A_470] : memref<1280xf32, #tpu.memory_space<vmem>>[vector<16xi32>], vector<16xf32>,
      %max3A_472 = arith.maximumf %max3A_461, %gather3A_471 : vector<16xf32>
      %mul3A_473 = arith.constant 16 : i32
      %mul3A_474 = vector.broadcast %mul3A_473 : i32 to vector<16xi32>
      %mul3A_475 = arith.muli %iota3A, %mul3A_474 : vector<16xi32>
      %add3A_476 = arith.constant 256 : i32
      %add3A_477 = vector.broadcast %add3A_476 : i32 to vector<16xi32>
      %add3A_478 = arith.addi %add3A_477, %mul3A_475 : vector<16xi32>
      %add3A_479 = arith.constant 5 : i32
      %add3A_480 = vector.broadcast %add3A_479 : i32 to vector<16xi32>
      %add3A_481 = arith.addi %add3A_478, %add3A_480 : vector<16xi32>
      %gather3A_482 = tpu.vector_load_idx %arg9[%add3A_481] : memref<1280xf32, #tpu.memory_space<vmem>>[vector<16xi32>], vector<16xf32>,
      %max3A_483 = arith.maximumf %max3A_472, %gather3A_482 : vector<16xf32>
      %mul3A_484 = arith.constant 16 : i32
      %mul3A_485 = vector.broadcast %mul3A_484 : i32 to vector<16xi32>
      %mul3A_486 = arith.muli %iota3A, %mul3A_485 : vector<16xi32>
      %add3A_487 = arith.constant 256 : i32
      %add3A_488 = vector.broadcast %add3A_487 : i32 to vector<16xi32>
      %add3A_489 = arith.addi %add3A_488, %mul3A_486 : vector<16xi32>
      %add3A_490 = arith.constant 6 : i32
      %add3A_491 = vector.broadcast %add3A_490 : i32 to vector<16xi32>
      %add3A_492 = arith.addi %add3A_489, %add3A_491 : vector<16xi32>
      %gather3A_493 = tpu.vector_load_idx %arg9[%add3A_492] : memref<1280xf32, #tpu.memory_space<vmem>>[vector<16xi32>], vector<16xf32>,
      %max3A_494 = arith.maximumf %max3A_483, %gather3A_493 : vector<16xf32>
      %mul3A_495 = arith.constant 16 : i32
      %mul3A_496 = vector.broadcast %mul3A_495 : i32 to vector<16xi32>
      %mul3A_497 = arith.muli %iota3A, %mul3A_496 : vector<16xi32>
      %add3A_498 = arith.constant 256 : i32
      %add3A_499 = vector.broadcast %add3A_498 : i32 to vector<16xi32>
      %add3A_500 = arith.addi %add3A_499, %mul3A_497 : vector<16xi32>
      %add3A_501 = arith.constant 7 : i32
      %add3A_502 = vector.broadcast %add3A_501 : i32 to vector<16xi32>
      %add3A_503 = arith.addi %add3A_500, %add3A_502 : vector<16xi32>
      %gather3A_504 = tpu.vector_load_idx %arg9[%add3A_503] : memref<1280xf32, #tpu.memory_space<vmem>>[vector<16xi32>], vector<16xf32>,
      %max3A_505 = arith.maximumf %max3A_494, %gather3A_504 : vector<16xf32>
      %mul3A_506 = arith.constant 16 : i32
      %mul3A_507 = vector.broadcast %mul3A_506 : i32 to vector<16xi32>
      %mul3A_508 = arith.muli %iota3A, %mul3A_507 : vector<16xi32>
      %add3A_509 = arith.constant 256 : i32
      %add3A_510 = vector.broadcast %add3A_509 : i32 to vector<16xi32>
      %add3A_511 = arith.addi %add3A_510, %mul3A_508 : vector<16xi32>
      %add3A_512 = arith.constant 8 : i32
      %add3A_513 = vector.broadcast %add3A_512 : i32 to vector<16xi32>
      %add3A_514 = arith.addi %add3A_511, %add3A_513 : vector<16xi32>
      %gather3A_515 = tpu.vector_load_idx %arg9[%add3A_514] : memref<1280xf32, #tpu.memory_space<vmem>>[vector<16xi32>], vector<16xf32>,
      %max3A_516 = arith.maximumf %max3A_505, %gather3A_515 : vector<16xf32>
      %mul3A_517 = arith.constant 16 : i32
      %mul3A_518 = vector.broadcast %mul3A_517 : i32 to vector<16xi32>
      %mul3A_519 = arith.muli %iota3A, %mul3A_518 : vector<16xi32>
      %add3A_520 = arith.constant 256 : i32
      %add3A_521 = vector.broadcast %add3A_520 : i32 to vector<16xi32>
      %add3A_522 = arith.addi %add3A_521, %mul3A_519 : vector<16xi32>
      %add3A_523 = arith.constant 9 : i32
      %add3A_524 = vector.broadcast %add3A_523 : i32 to vector<16xi32>
      %add3A_525 = arith.addi %add3A_522, %add3A_524 : vector<16xi32>
      %gather3A_526 = tpu.vector_load_idx %arg9[%add3A_525] : memref<1280xf32, #tpu.memory_space<vmem>>[vector<16xi32>], vector<16xf32>,
      %max3A_527 = arith.maximumf %max3A_516, %gather3A_526 : vector<16xf32>
      %mul3A_528 = arith.constant 16 : i32
      %mul3A_529 = vector.broadcast %mul3A_528 : i32 to vector<16xi32>
      %mul3A_530 = arith.muli %iota3A, %mul3A_529 : vector<16xi32>
      %add3A_531 = arith.constant 256 : i32
      %add3A_532 = vector.broadcast %add3A_531 : i32 to vector<16xi32>
      %add3A_533 = arith.addi %add3A_532, %mul3A_530 : vector<16xi32>
      %add3A_534 = arith.constant 10 : i32
      %add3A_535 = vector.broadcast %add3A_534 : i32 to vector<16xi32>
      %add3A_536 = arith.addi %add3A_533, %add3A_535 : vector<16xi32>
      %gather3A_537 = tpu.vector_load_idx %arg9[%add3A_536] : memref<1280xf32, #tpu.memory_space<vmem>>[vector<16xi32>], vector<16xf32>,
      %max3A_538 = arith.maximumf %max3A_527, %gather3A_537 : vector<16xf32>
      %mul3A_539 = arith.constant 16 : i32
      %mul3A_540 = vector.broadcast %mul3A_539 : i32 to vector<16xi32>
      %mul3A_541 = arith.muli %iota3A, %mul3A_540 : vector<16xi32>
      %add3A_542 = arith.constant 256 : i32
      %add3A_543 = vector.broadcast %add3A_542 : i32 to vector<16xi32>
      %add3A_544 = arith.addi %add3A_543, %mul3A_541 : vector<16xi32>
      %add3A_545 = arith.constant 11 : i32
      %add3A_546 = vector.broadcast %add3A_545 : i32 to vector<16xi32>
      %add3A_547 = arith.addi %add3A_544, %add3A_546 : vector<16xi32>
      %gather3A_548 = tpu.vector_load_idx %arg9[%add3A_547] : memref<1280xf32, #tpu.memory_space<vmem>>[vector<16xi32>], vector<16xf32>,
      %max3A_549 = arith.maximumf %max3A_538, %gather3A_548 : vector<16xf32>
      %mul3A_550 = arith.constant 16 : i32
      %mul3A_551 = vector.broadcast %mul3A_550 : i32 to vector<16xi32>
      %mul3A_552 = arith.muli %iota3A, %mul3A_551 : vector<16xi32>
      %add3A_553 = arith.constant 256 : i32
      %add3A_554 = vector.broadcast %add3A_553 : i32 to vector<16xi32>
      %add3A_555 = arith.addi %add3A_554, %mul3A_552 : vector<16xi32>
      %add3A_556 = arith.constant 12 : i32
      %add3A_557 = vector.broadcast %add3A_556 : i32 to vector<16xi32>
      %add3A_558 = arith.addi %add3A_555, %add3A_557 : vector<16xi32>
      %gather3A_559 = tpu.vector_load_idx %arg9[%add3A_558] : memref<1280xf32, #tpu.memory_space<vmem>>[vector<16xi32>], vector<16xf32>,
      %max3A_560 = arith.maximumf %max3A_549, %gather3A_559 : vector<16xf32>
      %mul3A_561 = arith.constant 16 : i32
      %mul3A_562 = vector.broadcast %mul3A_561 : i32 to vector<16xi32>
      %mul3A_563 = arith.muli %iota3A, %mul3A_562 : vector<16xi32>
      %add3A_564 = arith.constant 256 : i32
      %add3A_565 = vector.broadcast %add3A_564 : i32 to vector<16xi32>
      %add3A_566 = arith.addi %add3A_565, %mul3A_563 : vector<16xi32>
      %add3A_567 = arith.constant 13 : i32
      %add3A_568 = vector.broadcast %add3A_567 : i32 to vector<16xi32>
      %add3A_569 = arith.addi %add3A_566, %add3A_568 : vector<16xi32>
      %gather3A_570 = tpu.vector_load_idx %arg9[%add3A_569] : memref<1280xf32, #tpu.memory_space<vmem>>[vector<16xi32>], vector<16xf32>,
      %max3A_571 = arith.maximumf %max3A_560, %gather3A_570 : vector<16xf32>
      %mul3A_572 = arith.constant 16 : i32
      %mul3A_573 = vector.broadcast %mul3A_572 : i32 to vector<16xi32>
      %mul3A_574 = arith.muli %iota3A, %mul3A_573 : vector<16xi32>
      %add3A_575 = arith.constant 256 : i32
      %add3A_576 = vector.broadcast %add3A_575 : i32 to vector<16xi32>
      %add3A_577 = arith.addi %add3A_576, %mul3A_574 : vector<16xi32>
      %add3A_578 = arith.constant 14 : i32
      %add3A_579 = vector.broadcast %add3A_578 : i32 to vector<16xi32>
      %add3A_580 = arith.addi %add3A_577, %add3A_579 : vector<16xi32>
      %gather3A_581 = tpu.vector_load_idx %arg9[%add3A_580] : memref<1280xf32, #tpu.memory_space<vmem>>[vector<16xi32>], vector<16xf32>,
      %max3A_582 = arith.maximumf %max3A_571, %gather3A_581 : vector<16xf32>
      %mul3A_583 = arith.constant 16 : i32
      %mul3A_584 = vector.broadcast %mul3A_583 : i32 to vector<16xi32>
      %mul3A_585 = arith.muli %iota3A, %mul3A_584 : vector<16xi32>
      %add3A_586 = arith.constant 256 : i32
      %add3A_587 = vector.broadcast %add3A_586 : i32 to vector<16xi32>
      %add3A_588 = arith.addi %add3A_587, %mul3A_585 : vector<16xi32>
      %add3A_589 = arith.constant 15 : i32
      %add3A_590 = vector.broadcast %add3A_589 : i32 to vector<16xi32>
      %add3A_591 = arith.addi %add3A_588, %add3A_590 : vector<16xi32>
      %gather3A_592 = tpu.vector_load_idx %arg9[%add3A_591] : memref<1280xf32, #tpu.memory_space<vmem>>[vector<16xi32>], vector<16xf32>,
      %max3A_593 = arith.maximumf %max3A_582, %gather3A_592 : vector<16xf32>
      %eq3A_594 = arith.constant 1 : i32
      %eq3A_595 = vector.broadcast %eq3A_594 : i32 to vector<16xi32>
      %eq3A_596 = arith.cmpi eq, %iota3A, %eq3A_595 : vector<16xi32>
      %broadcast_in_dim3A_597 = arith.constant true
      %broadcast_in_dim3A_598 = vector.broadcast %broadcast_in_dim3A_597 : i1 to vector<16xi1>
      %masked_cummax3A_599 = tpu.scan <max>, %max3A_593 masked %broadcast_in_dim3A_598 : vector<16xf32>, vector<16xi1> -> vector<16xf32>
      %reshape3A_600 = vector.shape_cast %broadcast_in_dim3A_7 : vector<16xi32> to vector<16x1xi32>
      %gather3A_601 = vector.shape_cast %reshape3A_600 : vector<16x1xi32> to vector<16xi32>
      %gather3A_602 = tpu.dynamic_gather %masked_cummax3A_599[%gather3A_601] in [0] : vector<16xf32>, vector<16xi32> -> vector<16xf32>
      %select_n3A_603 = arith.select %eq3A_596, %gather3A_602, %select_n3A : vector<16xi1>, vector<16xf32>
      %mul3A_604 = arith.constant 16 : i32
      %mul3A_605 = vector.broadcast %mul3A_604 : i32 to vector<16xi32>
      %mul3A_606 = arith.muli %iota3A, %mul3A_605 : vector<16xi32>
      %add3A_607 = arith.constant 512 : i32
      %add3A_608 = vector.broadcast %add3A_607 : i32 to vector<16xi32>
      %add3A_609 = arith.addi %add3A_608, %mul3A_606 : vector<16xi32>
      %gather3A_610 = tpu.vector_load_idx %arg9[%add3A_609] : memref<1280xf32, #tpu.memory_space<vmem>>[vector<16xi32>], vector<16xf32>,
      %mul3A_611 = arith.constant 16 : i32
      %mul3A_612 = vector.broadcast %mul3A_611 : i32 to vector<16xi32>
      %mul3A_613 = arith.muli %iota3A, %mul3A_612 : vector<16xi32>
      %add3A_614 = arith.constant 512 : i32
      %add3A_615 = vector.broadcast %add3A_614 : i32 to vector<16xi32>
      %add3A_616 = arith.addi %add3A_615, %mul3A_613 : vector<16xi32>
      %add3A_617 = arith.constant 1 : i32
      %add3A_618 = vector.broadcast %add3A_617 : i32 to vector<16xi32>
      %add3A_619 = arith.addi %add3A_616, %add3A_618 : vector<16xi32>
      %gather3A_620 = tpu.vector_load_idx %arg9[%add3A_619] : memref<1280xf32, #tpu.memory_space<vmem>>[vector<16xi32>], vector<16xf32>,
      %max3A_621 = arith.maximumf %gather3A_610, %gather3A_620 : vector<16xf32>
      %mul3A_622 = arith.constant 16 : i32
      %mul3A_623 = vector.broadcast %mul3A_622 : i32 to vector<16xi32>
      %mul3A_624 = arith.muli %iota3A, %mul3A_623 : vector<16xi32>
      %add3A_625 = arith.constant 512 : i32
      %add3A_626 = vector.broadcast %add3A_625 : i32 to vector<16xi32>
      %add3A_627 = arith.addi %add3A_626, %mul3A_624 : vector<16xi32>
      %add3A_628 = arith.constant 2 : i32
      %add3A_629 = vector.broadcast %add3A_628 : i32 to vector<16xi32>
      %add3A_630 = arith.addi %add3A_627, %add3A_629 : vector<16xi32>
      %gather3A_631 = tpu.vector_load_idx %arg9[%add3A_630] : memref<1280xf32, #tpu.memory_space<vmem>>[vector<16xi32>], vector<16xf32>,
      %max3A_632 = arith.maximumf %max3A_621, %gather3A_631 : vector<16xf32>
      %mul3A_633 = arith.constant 16 : i32
      %mul3A_634 = vector.broadcast %mul3A_633 : i32 to vector<16xi32>
      %mul3A_635 = arith.muli %iota3A, %mul3A_634 : vector<16xi32>
      %add3A_636 = arith.constant 512 : i32
      %add3A_637 = vector.broadcast %add3A_636 : i32 to vector<16xi32>
      %add3A_638 = arith.addi %add3A_637, %mul3A_635 : vector<16xi32>
      %add3A_639 = arith.constant 3 : i32
      %add3A_640 = vector.broadcast %add3A_639 : i32 to vector<16xi32>
      %add3A_641 = arith.addi %add3A_638, %add3A_640 : vector<16xi32>
      %gather3A_642 = tpu.vector_load_idx %arg9[%add3A_641] : memref<1280xf32, #tpu.memory_space<vmem>>[vector<16xi32>], vector<16xf32>,
      %max3A_643 = arith.maximumf %max3A_632, %gather3A_642 : vector<16xf32>
      %mul3A_644 = arith.constant 16 : i32
      %mul3A_645 = vector.broadcast %mul3A_644 : i32 to vector<16xi32>
      %mul3A_646 = arith.muli %iota3A, %mul3A_645 : vector<16xi32>
      %add3A_647 = arith.constant 512 : i32
      %add3A_648 = vector.broadcast %add3A_647 : i32 to vector<16xi32>
      %add3A_649 = arith.addi %add3A_648, %mul3A_646 : vector<16xi32>
      %add3A_650 = arith.constant 4 : i32
      %add3A_651 = vector.broadcast %add3A_650 : i32 to vector<16xi32>
      %add3A_652 = arith.addi %add3A_649, %add3A_651 : vector<16xi32>
      %gather3A_653 = tpu.vector_load_idx %arg9[%add3A_652] : memref<1280xf32, #tpu.memory_space<vmem>>[vector<16xi32>], vector<16xf32>,
      %max3A_654 = arith.maximumf %max3A_643, %gather3A_653 : vector<16xf32>
      %mul3A_655 = arith.constant 16 : i32
      %mul3A_656 = vector.broadcast %mul3A_655 : i32 to vector<16xi32>
      %mul3A_657 = arith.muli %iota3A, %mul3A_656 : vector<16xi32>
      %add3A_658 = arith.constant 512 : i32
      %add3A_659 = vector.broadcast %add3A_658 : i32 to vector<16xi32>
      %add3A_660 = arith.addi %add3A_659, %mul3A_657 : vector<16xi32>
      %add3A_661 = arith.constant 5 : i32
      %add3A_662 = vector.broadcast %add3A_661 : i32 to vector<16xi32>
      %add3A_663 = arith.addi %add3A_660, %add3A_662 : vector<16xi32>
      %gather3A_664 = tpu.vector_load_idx %arg9[%add3A_663] : memref<1280xf32, #tpu.memory_space<vmem>>[vector<16xi32>], vector<16xf32>,
      %max3A_665 = arith.maximumf %max3A_654, %gather3A_664 : vector<16xf32>
      %mul3A_666 = arith.constant 16 : i32
      %mul3A_667 = vector.broadcast %mul3A_666 : i32 to vector<16xi32>
      %mul3A_668 = arith.muli %iota3A, %mul3A_667 : vector<16xi32>
      %add3A_669 = arith.constant 512 : i32
      %add3A_670 = vector.broadcast %add3A_669 : i32 to vector<16xi32>
      %add3A_671 = arith.addi %add3A_670, %mul3A_668 : vector<16xi32>
      %add3A_672 = arith.constant 6 : i32
      %add3A_673 = vector.broadcast %add3A_672 : i32 to vector<16xi32>
      %add3A_674 = arith.addi %add3A_671, %add3A_673 : vector<16xi32>
      %gather3A_675 = tpu.vector_load_idx %arg9[%add3A_674] : memref<1280xf32, #tpu.memory_space<vmem>>[vector<16xi32>], vector<16xf32>,
      %max3A_676 = arith.maximumf %max3A_665, %gather3A_675 : vector<16xf32>
      %mul3A_677 = arith.constant 16 : i32
      %mul3A_678 = vector.broadcast %mul3A_677 : i32 to vector<16xi32>
      %mul3A_679 = arith.muli %iota3A, %mul3A_678 : vector<16xi32>
      %add3A_680 = arith.constant 512 : i32
      %add3A_681 = vector.broadcast %add3A_680 : i32 to vector<16xi32>
      %add3A_682 = arith.addi %add3A_681, %mul3A_679 : vector<16xi32>
      %add3A_683 = arith.constant 7 : i32
      %add3A_684 = vector.broadcast %add3A_683 : i32 to vector<16xi32>
      %add3A_685 = arith.addi %add3A_682, %add3A_684 : vector<16xi32>
      %gather3A_686 = tpu.vector_load_idx %arg9[%add3A_685] : memref<1280xf32, #tpu.memory_space<vmem>>[vector<16xi32>], vector<16xf32>,
      %max3A_687 = arith.maximumf %max3A_676, %gather3A_686 : vector<16xf32>
      %mul3A_688 = arith.constant 16 : i32
      %mul3A_689 = vector.broadcast %mul3A_688 : i32 to vector<16xi32>
      %mul3A_690 = arith.muli %iota3A, %mul3A_689 : vector<16xi32>
      %add3A_691 = arith.constant 512 : i32
      %add3A_692 = vector.broadcast %add3A_691 : i32 to vector<16xi32>
      %add3A_693 = arith.addi %add3A_692, %mul3A_690 : vector<16xi32>
      %add3A_694 = arith.constant 8 : i32
      %add3A_695 = vector.broadcast %add3A_694 : i32 to vector<16xi32>
      %add3A_696 = arith.addi %add3A_693, %add3A_695 : vector<16xi32>
      %gather3A_697 = tpu.vector_load_idx %arg9[%add3A_696] : memref<1280xf32, #tpu.memory_space<vmem>>[vector<16xi32>], vector<16xf32>,
      %max3A_698 = arith.maximumf %max3A_687, %gather3A_697 : vector<16xf32>
      %mul3A_699 = arith.constant 16 : i32
      %mul3A_700 = vector.broadcast %mul3A_699 : i32 to vector<16xi32>
      %mul3A_701 = arith.muli %iota3A, %mul3A_700 : vector<16xi32>
      %add3A_702 = arith.constant 512 : i32
      %add3A_703 = vector.broadcast %add3A_702 : i32 to vector<16xi32>
      %add3A_704 = arith.addi %add3A_703, %mul3A_701 : vector<16xi32>
      %add3A_705 = arith.constant 9 : i32
      %add3A_706 = vector.broadcast %add3A_705 : i32 to vector<16xi32>
      %add3A_707 = arith.addi %add3A_704, %add3A_706 : vector<16xi32>
      %gather3A_708 = tpu.vector_load_idx %arg9[%add3A_707] : memref<1280xf32, #tpu.memory_space<vmem>>[vector<16xi32>], vector<16xf32>,
      %max3A_709 = arith.maximumf %max3A_698, %gather3A_708 : vector<16xf32>
      %mul3A_710 = arith.constant 16 : i32
      %mul3A_711 = vector.broadcast %mul3A_710 : i32 to vector<16xi32>
      %mul3A_712 = arith.muli %iota3A, %mul3A_711 : vector<16xi32>
      %add3A_713 = arith.constant 512 : i32
      %add3A_714 = vector.broadcast %add3A_713 : i32 to vector<16xi32>
      %add3A_715 = arith.addi %add3A_714, %mul3A_712 : vector<16xi32>
      %add3A_716 = arith.constant 10 : i32
      %add3A_717 = vector.broadcast %add3A_716 : i32 to vector<16xi32>
      %add3A_718 = arith.addi %add3A_715, %add3A_717 : vector<16xi32>
      %gather3A_719 = tpu.vector_load_idx %arg9[%add3A_718] : memref<1280xf32, #tpu.memory_space<vmem>>[vector<16xi32>], vector<16xf32>,
      %max3A_720 = arith.maximumf %max3A_709, %gather3A_719 : vector<16xf32>
      %mul3A_721 = arith.constant 16 : i32
      %mul3A_722 = vector.broadcast %mul3A_721 : i32 to vector<16xi32>
      %mul3A_723 = arith.muli %iota3A, %mul3A_722 : vector<16xi32>
      %add3A_724 = arith.constant 512 : i32
      %add3A_725 = vector.broadcast %add3A_724 : i32 to vector<16xi32>
      %add3A_726 = arith.addi %add3A_725, %mul3A_723 : vector<16xi32>
      %add3A_727 = arith.constant 11 : i32
      %add3A_728 = vector.broadcast %add3A_727 : i32 to vector<16xi32>
      %add3A_729 = arith.addi %add3A_726, %add3A_728 : vector<16xi32>
      %gather3A_730 = tpu.vector_load_idx %arg9[%add3A_729] : memref<1280xf32, #tpu.memory_space<vmem>>[vector<16xi32>], vector<16xf32>,
      %max3A_731 = arith.maximumf %max3A_720, %gather3A_730 : vector<16xf32>
      %mul3A_732 = arith.constant 16 : i32
      %mul3A_733 = vector.broadcast %mul3A_732 : i32 to vector<16xi32>
      %mul3A_734 = arith.muli %iota3A, %mul3A_733 : vector<16xi32>
      %add3A_735 = arith.constant 512 : i32
      %add3A_736 = vector.broadcast %add3A_735 : i32 to vector<16xi32>
      %add3A_737 = arith.addi %add3A_736, %mul3A_734 : vector<16xi32>
      %add3A_738 = arith.constant 12 : i32
      %add3A_739 = vector.broadcast %add3A_738 : i32 to vector<16xi32>
      %add3A_740 = arith.addi %add3A_737, %add3A_739 : vector<16xi32>
      %gather3A_741 = tpu.vector_load_idx %arg9[%add3A_740] : memref<1280xf32, #tpu.memory_space<vmem>>[vector<16xi32>], vector<16xf32>,
      %max3A_742 = arith.maximumf %max3A_731, %gather3A_741 : vector<16xf32>
      %mul3A_743 = arith.constant 16 : i32
      %mul3A_744 = vector.broadcast %mul3A_743 : i32 to vector<16xi32>
      %mul3A_745 = arith.muli %iota3A, %mul3A_744 : vector<16xi32>
      %add3A_746 = arith.constant 512 : i32
      %add3A_747 = vector.broadcast %add3A_746 : i32 to vector<16xi32>
      %add3A_748 = arith.addi %add3A_747, %mul3A_745 : vector<16xi32>
      %add3A_749 = arith.constant 13 : i32
      %add3A_750 = vector.broadcast %add3A_749 : i32 to vector<16xi32>
      %add3A_751 = arith.addi %add3A_748, %add3A_750 : vector<16xi32>
      %gather3A_752 = tpu.vector_load_idx %arg9[%add3A_751] : memref<1280xf32, #tpu.memory_space<vmem>>[vector<16xi32>], vector<16xf32>,
      %max3A_753 = arith.maximumf %max3A_742, %gather3A_752 : vector<16xf32>
      %mul3A_754 = arith.constant 16 : i32
      %mul3A_755 = vector.broadcast %mul3A_754 : i32 to vector<16xi32>
      %mul3A_756 = arith.muli %iota3A, %mul3A_755 : vector<16xi32>
      %add3A_757 = arith.constant 512 : i32
      %add3A_758 = vector.broadcast %add3A_757 : i32 to vector<16xi32>
      %add3A_759 = arith.addi %add3A_758, %mul3A_756 : vector<16xi32>
      %add3A_760 = arith.constant 14 : i32
      %add3A_761 = vector.broadcast %add3A_760 : i32 to vector<16xi32>
      %add3A_762 = arith.addi %add3A_759, %add3A_761 : vector<16xi32>
      %gather3A_763 = tpu.vector_load_idx %arg9[%add3A_762] : memref<1280xf32, #tpu.memory_space<vmem>>[vector<16xi32>], vector<16xf32>,
      %max3A_764 = arith.maximumf %max3A_753, %gather3A_763 : vector<16xf32>
      %mul3A_765 = arith.constant 16 : i32
      %mul3A_766 = vector.broadcast %mul3A_765 : i32 to vector<16xi32>
      %mul3A_767 = arith.muli %iota3A, %mul3A_766 : vector<16xi32>
      %add3A_768 = arith.constant 512 : i32
      %add3A_769 = vector.broadcast %add3A_768 : i32 to vector<16xi32>
      %add3A_770 = arith.addi %add3A_769, %mul3A_767 : vector<16xi32>
      %add3A_771 = arith.constant 15 : i32
      %add3A_772 = vector.broadcast %add3A_771 : i32 to vector<16xi32>
      %add3A_773 = arith.addi %add3A_770, %add3A_772 : vector<16xi32>
      %gather3A_774 = tpu.vector_load_idx %arg9[%add3A_773] : memref<1280xf32, #tpu.memory_space<vmem>>[vector<16xi32>], vector<16xf32>,
      %max3A_775 = arith.maximumf %max3A_764, %gather3A_774 : vector<16xf32>
      %eq3A_776 = arith.constant 2 : i32
      %eq3A_777 = vector.broadcast %eq3A_776 : i32 to vector<16xi32>
      %eq3A_778 = arith.cmpi eq, %iota3A, %eq3A_777 : vector<16xi32>
      %broadcast_in_dim3A_779 = arith.constant true
      %broadcast_in_dim3A_780 = vector.broadcast %broadcast_in_dim3A_779 : i1 to vector<16xi1>
      %masked_cummax3A_781 = tpu.scan <max>, %max3A_775 masked %broadcast_in_dim3A_780 : vector<16xf32>, vector<16xi1> -> vector<16xf32>
      %reshape3A_782 = vector.shape_cast %broadcast_in_dim3A_7 : vector<16xi32> to vector<16x1xi32>
      %gather3A_783 = vector.shape_cast %reshape3A_782 : vector<16x1xi32> to vector<16xi32>
      %gather3A_784 = tpu.dynamic_gather %masked_cummax3A_781[%gather3A_783] in [0] : vector<16xf32>, vector<16xi32> -> vector<16xf32>
      %select_n3A_785 = arith.select %eq3A_778, %gather3A_784, %select_n3A_603 : vector<16xi1>, vector<16xf32>
      %mul3A_786 = arith.constant 16 : i32
      %mul3A_787 = vector.broadcast %mul3A_786 : i32 to vector<16xi32>
      %mul3A_788 = arith.muli %iota3A, %mul3A_787 : vector<16xi32>
      %add3A_789 = arith.constant 768 : i32
      %add3A_790 = vector.broadcast %add3A_789 : i32 to vector<16xi32>
      %add3A_791 = arith.addi %add3A_790, %mul3A_788 : vector<16xi32>
      %gather3A_792 = tpu.vector_load_idx %arg9[%add3A_791] : memref<1280xf32, #tpu.memory_space<vmem>>[vector<16xi32>], vector<16xf32>,
      %mul3A_793 = arith.constant 16 : i32
      %mul3A_794 = vector.broadcast %mul3A_793 : i32 to vector<16xi32>
      %mul3A_795 = arith.muli %iota3A, %mul3A_794 : vector<16xi32>
      %add3A_796 = arith.constant 768 : i32
      %add3A_797 = vector.broadcast %add3A_796 : i32 to vector<16xi32>
      %add3A_798 = arith.addi %add3A_797, %mul3A_795 : vector<16xi32>
      %add3A_799 = arith.constant 1 : i32
      %add3A_800 = vector.broadcast %add3A_799 : i32 to vector<16xi32>
      %add3A_801 = arith.addi %add3A_798, %add3A_800 : vector<16xi32>
      %gather3A_802 = tpu.vector_load_idx %arg9[%add3A_801] : memref<1280xf32, #tpu.memory_space<vmem>>[vector<16xi32>], vector<16xf32>,
      %max3A_803 = arith.maximumf %gather3A_792, %gather3A_802 : vector<16xf32>
      %mul3A_804 = arith.constant 16 : i32
      %mul3A_805 = vector.broadcast %mul3A_804 : i32 to vector<16xi32>
      %mul3A_806 = arith.muli %iota3A, %mul3A_805 : vector<16xi32>
      %add3A_807 = arith.constant 768 : i32
      %add3A_808 = vector.broadcast %add3A_807 : i32 to vector<16xi32>
      %add3A_809 = arith.addi %add3A_808, %mul3A_806 : vector<16xi32>
      %add3A_810 = arith.constant 2 : i32
      %add3A_811 = vector.broadcast %add3A_810 : i32 to vector<16xi32>
      %add3A_812 = arith.addi %add3A_809, %add3A_811 : vector<16xi32>
      %gather3A_813 = tpu.vector_load_idx %arg9[%add3A_812] : memref<1280xf32, #tpu.memory_space<vmem>>[vector<16xi32>], vector<16xf32>,
      %max3A_814 = arith.maximumf %max3A_803, %gather3A_813 : vector<16xf32>
      %mul3A_815 = arith.constant 16 : i32
      %mul3A_816 = vector.broadcast %mul3A_815 : i32 to vector<16xi32>
      %mul3A_817 = arith.muli %iota3A, %mul3A_816 : vector<16xi32>
      %add3A_818 = arith.constant 768 : i32
      %add3A_819 = vector.broadcast %add3A_818 : i32 to vector<16xi32>
      %add3A_820 = arith.addi %add3A_819, %mul3A_817 : vector<16xi32>
      %add3A_821 = arith.constant 3 : i32
      %add3A_822 = vector.broadcast %add3A_821 : i32 to vector<16xi32>
      %add3A_823 = arith.addi %add3A_820, %add3A_822 : vector<16xi32>
      %gather3A_824 = tpu.vector_load_idx %arg9[%add3A_823] : memref<1280xf32, #tpu.memory_space<vmem>>[vector<16xi32>], vector<16xf32>,
      %max3A_825 = arith.maximumf %max3A_814, %gather3A_824 : vector<16xf32>
      %mul3A_826 = arith.constant 16 : i32
      %mul3A_827 = vector.broadcast %mul3A_826 : i32 to vector<16xi32>
      %mul3A_828 = arith.muli %iota3A, %mul3A_827 : vector<16xi32>
      %add3A_829 = arith.constant 768 : i32
      %add3A_830 = vector.broadcast %add3A_829 : i32 to vector<16xi32>
      %add3A_831 = arith.addi %add3A_830, %mul3A_828 : vector<16xi32>
      %add3A_832 = arith.constant 4 : i32
      %add3A_833 = vector.broadcast %add3A_832 : i32 to vector<16xi32>
      %add3A_834 = arith.addi %add3A_831, %add3A_833 : vector<16xi32>
      %gather3A_835 = tpu.vector_load_idx %arg9[%add3A_834] : memref<1280xf32, #tpu.memory_space<vmem>>[vector<16xi32>], vector<16xf32>,
      %max3A_836 = arith.maximumf %max3A_825, %gather3A_835 : vector<16xf32>
      %mul3A_837 = arith.constant 16 : i32
      %mul3A_838 = vector.broadcast %mul3A_837 : i32 to vector<16xi32>
      %mul3A_839 = arith.muli %iota3A, %mul3A_838 : vector<16xi32>
      %add3A_840 = arith.constant 768 : i32
      %add3A_841 = vector.broadcast %add3A_840 : i32 to vector<16xi32>
      %add3A_842 = arith.addi %add3A_841, %mul3A_839 : vector<16xi32>
      %add3A_843 = arith.constant 5 : i32
      %add3A_844 = vector.broadcast %add3A_843 : i32 to vector<16xi32>
      %add3A_845 = arith.addi %add3A_842, %add3A_844 : vector<16xi32>
      %gather3A_846 = tpu.vector_load_idx %arg9[%add3A_845] : memref<1280xf32, #tpu.memory_space<vmem>>[vector<16xi32>], vector<16xf32>,
      %max3A_847 = arith.maximumf %max3A_836, %gather3A_846 : vector<16xf32>
      %mul3A_848 = arith.constant 16 : i32
      %mul3A_849 = vector.broadcast %mul3A_848 : i32 to vector<16xi32>
      %mul3A_850 = arith.muli %iota3A, %mul3A_849 : vector<16xi32>
      %add3A_851 = arith.constant 768 : i32
      %add3A_852 = vector.broadcast %add3A_851 : i32 to vector<16xi32>
      %add3A_853 = arith.addi %add3A_852, %mul3A_850 : vector<16xi32>
      %add3A_854 = arith.constant 6 : i32
      %add3A_855 = vector.broadcast %add3A_854 : i32 to vector<16xi32>
      %add3A_856 = arith.addi %add3A_853, %add3A_855 : vector<16xi32>
      %gather3A_857 = tpu.vector_load_idx %arg9[%add3A_856] : memref<1280xf32, #tpu.memory_space<vmem>>[vector<16xi32>], vector<16xf32>,
      %max3A_858 = arith.maximumf %max3A_847, %gather3A_857 : vector<16xf32>
      %mul3A_859 = arith.constant 16 : i32
      %mul3A_860 = vector.broadcast %mul3A_859 : i32 to vector<16xi32>
      %mul3A_861 = arith.muli %iota3A, %mul3A_860 : vector<16xi32>
      %add3A_862 = arith.constant 768 : i32
      %add3A_863 = vector.broadcast %add3A_862 : i32 to vector<16xi32>
      %add3A_864 = arith.addi %add3A_863, %mul3A_861 : vector<16xi32>
      %add3A_865 = arith.constant 7 : i32
      %add3A_866 = vector.broadcast %add3A_865 : i32 to vector<16xi32>
      %add3A_867 = arith.addi %add3A_864, %add3A_866 : vector<16xi32>
      %gather3A_868 = tpu.vector_load_idx %arg9[%add3A_867] : memref<1280xf32, #tpu.memory_space<vmem>>[vector<16xi32>], vector<16xf32>,
      %max3A_869 = arith.maximumf %max3A_858, %gather3A_868 : vector<16xf32>
      %mul3A_870 = arith.constant 16 : i32
      %mul3A_871 = vector.broadcast %mul3A_870 : i32 to vector<16xi32>
      %mul3A_872 = arith.muli %iota3A, %mul3A_871 : vector<16xi32>
      %add3A_873 = arith.constant 768 : i32
      %add3A_874 = vector.broadcast %add3A_873 : i32 to vector<16xi32>
      %add3A_875 = arith.addi %add3A_874, %mul3A_872 : vector<16xi32>
      %add3A_876 = arith.constant 8 : i32
      %add3A_877 = vector.broadcast %add3A_876 : i32 to vector<16xi32>
      %add3A_878 = arith.addi %add3A_875, %add3A_877 : vector<16xi32>
      %gather3A_879 = tpu.vector_load_idx %arg9[%add3A_878] : memref<1280xf32, #tpu.memory_space<vmem>>[vector<16xi32>], vector<16xf32>,
      %max3A_880 = arith.maximumf %max3A_869, %gather3A_879 : vector<16xf32>
      %mul3A_881 = arith.constant 16 : i32
      %mul3A_882 = vector.broadcast %mul3A_881 : i32 to vector<16xi32>
      %mul3A_883 = arith.muli %iota3A, %mul3A_882 : vector<16xi32>
      %add3A_884 = arith.constant 768 : i32
      %add3A_885 = vector.broadcast %add3A_884 : i32 to vector<16xi32>
      %add3A_886 = arith.addi %add3A_885, %mul3A_883 : vector<16xi32>
      %add3A_887 = arith.constant 9 : i32
      %add3A_888 = vector.broadcast %add3A_887 : i32 to vector<16xi32>
      %add3A_889 = arith.addi %add3A_886, %add3A_888 : vector<16xi32>
      %gather3A_890 = tpu.vector_load_idx %arg9[%add3A_889] : memref<1280xf32, #tpu.memory_space<vmem>>[vector<16xi32>], vector<16xf32>,
      %max3A_891 = arith.maximumf %max3A_880, %gather3A_890 : vector<16xf32>
      %mul3A_892 = arith.constant 16 : i32
      %mul3A_893 = vector.broadcast %mul3A_892 : i32 to vector<16xi32>
      %mul3A_894 = arith.muli %iota3A, %mul3A_893 : vector<16xi32>
      %add3A_895 = arith.constant 768 : i32
      %add3A_896 = vector.broadcast %add3A_895 : i32 to vector<16xi32>
      %add3A_897 = arith.addi %add3A_896, %mul3A_894 : vector<16xi32>
      %add3A_898 = arith.constant 10 : i32
      %add3A_899 = vector.broadcast %add3A_898 : i32 to vector<16xi32>
      %add3A_900 = arith.addi %add3A_897, %add3A_899 : vector<16xi32>
      %gather3A_901 = tpu.vector_load_idx %arg9[%add3A_900] : memref<1280xf32, #tpu.memory_space<vmem>>[vector<16xi32>], vector<16xf32>,
      %max3A_902 = arith.maximumf %max3A_891, %gather3A_901 : vector<16xf32>
      %mul3A_903 = arith.constant 16 : i32
      %mul3A_904 = vector.broadcast %mul3A_903 : i32 to vector<16xi32>
      %mul3A_905 = arith.muli %iota3A, %mul3A_904 : vector<16xi32>
      %add3A_906 = arith.constant 768 : i32
      %add3A_907 = vector.broadcast %add3A_906 : i32 to vector<16xi32>
      %add3A_908 = arith.addi %add3A_907, %mul3A_905 : vector<16xi32>
      %add3A_909 = arith.constant 11 : i32
      %add3A_910 = vector.broadcast %add3A_909 : i32 to vector<16xi32>
      %add3A_911 = arith.addi %add3A_908, %add3A_910 : vector<16xi32>
      %gather3A_912 = tpu.vector_load_idx %arg9[%add3A_911] : memref<1280xf32, #tpu.memory_space<vmem>>[vector<16xi32>], vector<16xf32>,
      %max3A_913 = arith.maximumf %max3A_902, %gather3A_912 : vector<16xf32>
      %mul3A_914 = arith.constant 16 : i32
      %mul3A_915 = vector.broadcast %mul3A_914 : i32 to vector<16xi32>
      %mul3A_916 = arith.muli %iota3A, %mul3A_915 : vector<16xi32>
      %add3A_917 = arith.constant 768 : i32
      %add3A_918 = vector.broadcast %add3A_917 : i32 to vector<16xi32>
      %add3A_919 = arith.addi %add3A_918, %mul3A_916 : vector<16xi32>
      %add3A_920 = arith.constant 12 : i32
      %add3A_921 = vector.broadcast %add3A_920 : i32 to vector<16xi32>
      %add3A_922 = arith.addi %add3A_919, %add3A_921 : vector<16xi32>
      %gather3A_923 = tpu.vector_load_idx %arg9[%add3A_922] : memref<1280xf32, #tpu.memory_space<vmem>>[vector<16xi32>], vector<16xf32>,
      %max3A_924 = arith.maximumf %max3A_913, %gather3A_923 : vector<16xf32>
      %mul3A_925 = arith.constant 16 : i32
      %mul3A_926 = vector.broadcast %mul3A_925 : i32 to vector<16xi32>
      %mul3A_927 = arith.muli %iota3A, %mul3A_926 : vector<16xi32>
      %add3A_928 = arith.constant 768 : i32
      %add3A_929 = vector.broadcast %add3A_928 : i32 to vector<16xi32>
      %add3A_930 = arith.addi %add3A_929, %mul3A_927 : vector<16xi32>
      %add3A_931 = arith.constant 13 : i32
      %add3A_932 = vector.broadcast %add3A_931 : i32 to vector<16xi32>
      %add3A_933 = arith.addi %add3A_930, %add3A_932 : vector<16xi32>
      %gather3A_934 = tpu.vector_load_idx %arg9[%add3A_933] : memref<1280xf32, #tpu.memory_space<vmem>>[vector<16xi32>], vector<16xf32>,
      %max3A_935 = arith.maximumf %max3A_924, %gather3A_934 : vector<16xf32>
      %mul3A_936 = arith.constant 16 : i32
      %mul3A_937 = vector.broadcast %mul3A_936 : i32 to vector<16xi32>
      %mul3A_938 = arith.muli %iota3A, %mul3A_937 : vector<16xi32>
      %add3A_939 = arith.constant 768 : i32
      %add3A_940 = vector.broadcast %add3A_939 : i32 to vector<16xi32>
      %add3A_941 = arith.addi %add3A_940, %mul3A_938 : vector<16xi32>
      %add3A_942 = arith.constant 14 : i32
      %add3A_943 = vector.broadcast %add3A_942 : i32 to vector<16xi32>
      %add3A_944 = arith.addi %add3A_941, %add3A_943 : vector<16xi32>
      %gather3A_945 = tpu.vector_load_idx %arg9[%add3A_944] : memref<1280xf32, #tpu.memory_space<vmem>>[vector<16xi32>], vector<16xf32>,
      %max3A_946 = arith.maximumf %max3A_935, %gather3A_945 : vector<16xf32>
      %mul3A_947 = arith.constant 16 : i32
      %mul3A_948 = vector.broadcast %mul3A_947 : i32 to vector<16xi32>
      %mul3A_949 = arith.muli %iota3A, %mul3A_948 : vector<16xi32>
      %add3A_950 = arith.constant 768 : i32
      %add3A_951 = vector.broadcast %add3A_950 : i32 to vector<16xi32>
      %add3A_952 = arith.addi %add3A_951, %mul3A_949 : vector<16xi32>
      %add3A_953 = arith.constant 15 : i32
      %add3A_954 = vector.broadcast %add3A_953 : i32 to vector<16xi32>
      %add3A_955 = arith.addi %add3A_952, %add3A_954 : vector<16xi32>
      %gather3A_956 = tpu.vector_load_idx %arg9[%add3A_955] : memref<1280xf32, #tpu.memory_space<vmem>>[vector<16xi32>], vector<16xf32>,
      %max3A_957 = arith.maximumf %max3A_946, %gather3A_956 : vector<16xf32>
      %eq3A_958 = arith.constant 3 : i32
      %eq3A_959 = vector.broadcast %eq3A_958 : i32 to vector<16xi32>
      %eq3A_960 = arith.cmpi eq, %iota3A, %eq3A_959 : vector<16xi32>
      %broadcast_in_dim3A_961 = arith.constant true
      %broadcast_in_dim3A_962 = vector.broadcast %broadcast_in_dim3A_961 : i1 to vector<16xi1>
      %masked_cummax3A_963 = tpu.scan <max>, %max3A_957 masked %broadcast_in_dim3A_962 : vector<16xf32>, vector<16xi1> -> vector<16xf32>
      %reshape3A_964 = vector.shape_cast %broadcast_in_dim3A_7 : vector<16xi32> to vector<16x1xi32>
      %gather3A_965 = vector.shape_cast %reshape3A_964 : vector<16x1xi32> to vector<16xi32>
      %gather3A_966 = tpu.dynamic_gather %masked_cummax3A_963[%gather3A_965] in [0] : vector<16xf32>, vector<16xi32> -> vector<16xf32>
      %select_n3A_967 = arith.select %eq3A_960, %gather3A_966, %select_n3A_785 : vector<16xi1>, vector<16xf32>
      %mul3A_968 = arith.constant 16 : i32
      %mul3A_969 = vector.broadcast %mul3A_968 : i32 to vector<16xi32>
      %mul3A_970 = arith.muli %iota3A, %mul3A_969 : vector<16xi32>
      %add3A_971 = arith.constant 1024 : i32
      %add3A_972 = vector.broadcast %add3A_971 : i32 to vector<16xi32>
      %add3A_973 = arith.addi %add3A_972, %mul3A_970 : vector<16xi32>
      %gather3A_974 = tpu.vector_load_idx %arg9[%add3A_973] : memref<1280xf32, #tpu.memory_space<vmem>>[vector<16xi32>], vector<16xf32>,
      %mul3A_975 = arith.constant 16 : i32
      %mul3A_976 = vector.broadcast %mul3A_975 : i32 to vector<16xi32>
      %mul3A_977 = arith.muli %iota3A, %mul3A_976 : vector<16xi32>
      %add3A_978 = arith.constant 1024 : i32
      %add3A_979 = vector.broadcast %add3A_978 : i32 to vector<16xi32>
      %add3A_980 = arith.addi %add3A_979, %mul3A_977 : vector<16xi32>
      %add3A_981 = arith.constant 1 : i32
      %add3A_982 = vector.broadcast %add3A_981 : i32 to vector<16xi32>
      %add3A_983 = arith.addi %add3A_980, %add3A_982 : vector<16xi32>
      %gather3A_984 = tpu.vector_load_idx %arg9[%add3A_983] : memref<1280xf32, #tpu.memory_space<vmem>>[vector<16xi32>], vector<16xf32>,
      %max3A_985 = arith.maximumf %gather3A_974, %gather3A_984 : vector<16xf32>
      %mul3A_986 = arith.constant 16 : i32
      %mul3A_987 = vector.broadcast %mul3A_986 : i32 to vector<16xi32>
      %mul3A_988 = arith.muli %iota3A, %mul3A_987 : vector<16xi32>
      %add3A_989 = arith.constant 1024 : i32
      %add3A_990 = vector.broadcast %add3A_989 : i32 to vector<16xi32>
      %add3A_991 = arith.addi %add3A_990, %mul3A_988 : vector<16xi32>
      %add3A_992 = arith.constant 2 : i32
      %add3A_993 = vector.broadcast %add3A_992 : i32 to vector<16xi32>
      %add3A_994 = arith.addi %add3A_991, %add3A_993 : vector<16xi32>
      %gather3A_995 = tpu.vector_load_idx %arg9[%add3A_994] : memref<1280xf32, #tpu.memory_space<vmem>>[vector<16xi32>], vector<16xf32>,
      %max3A_996 = arith.maximumf %max3A_985, %gather3A_995 : vector<16xf32>
      %mul3A_997 = arith.constant 16 : i32
      %mul3A_998 = vector.broadcast %mul3A_997 : i32 to vector<16xi32>
      %mul3A_999 = arith.muli %iota3A, %mul3A_998 : vector<16xi32>
      %add3A_1000 = arith.constant 1024 : i32
      %add3A_1001 = vector.broadcast %add3A_1000 : i32 to vector<16xi32>
      %add3A_1002 = arith.addi %add3A_1001, %mul3A_999 : vector<16xi32>
      %add3A_1003 = arith.constant 3 : i32
      %add3A_1004 = vector.broadcast %add3A_1003 : i32 to vector<16xi32>
      %add3A_1005 = arith.addi %add3A_1002, %add3A_1004 : vector<16xi32>
      %gather3A_1006 = tpu.vector_load_idx %arg9[%add3A_1005] : memref<1280xf32, #tpu.memory_space<vmem>>[vector<16xi32>], vector<16xf32>,
      %max3A_1007 = arith.maximumf %max3A_996, %gather3A_1006 : vector<16xf32>
      %mul3A_1008 = arith.constant 16 : i32
      %mul3A_1009 = vector.broadcast %mul3A_1008 : i32 to vector<16xi32>
      %mul3A_1010 = arith.muli %iota3A, %mul3A_1009 : vector<16xi32>
      %add3A_1011 = arith.constant 1024 : i32
      %add3A_1012 = vector.broadcast %add3A_1011 : i32 to vector<16xi32>
      %add3A_1013 = arith.addi %add3A_1012, %mul3A_1010 : vector<16xi32>
      %add3A_1014 = arith.constant 4 : i32
      %add3A_1015 = vector.broadcast %add3A_1014 : i32 to vector<16xi32>
      %add3A_1016 = arith.addi %add3A_1013, %add3A_1015 : vector<16xi32>
      %gather3A_1017 = tpu.vector_load_idx %arg9[%add3A_1016] : memref<1280xf32, #tpu.memory_space<vmem>>[vector<16xi32>], vector<16xf32>,
      %max3A_1018 = arith.maximumf %max3A_1007, %gather3A_1017 : vector<16xf32>
      %mul3A_1019 = arith.constant 16 : i32
      %mul3A_1020 = vector.broadcast %mul3A_1019 : i32 to vector<16xi32>
      %mul3A_1021 = arith.muli %iota3A, %mul3A_1020 : vector<16xi32>
      %add3A_1022 = arith.constant 1024 : i32
      %add3A_1023 = vector.broadcast %add3A_1022 : i32 to vector<16xi32>
      %add3A_1024 = arith.addi %add3A_1023, %mul3A_1021 : vector<16xi32>
      %add3A_1025 = arith.constant 5 : i32
      %add3A_1026 = vector.broadcast %add3A_1025 : i32 to vector<16xi32>
      %add3A_1027 = arith.addi %add3A_1024, %add3A_1026 : vector<16xi32>
      %gather3A_1028 = tpu.vector_load_idx %arg9[%add3A_1027] : memref<1280xf32, #tpu.memory_space<vmem>>[vector<16xi32>], vector<16xf32>,
      %max3A_1029 = arith.maximumf %max3A_1018, %gather3A_1028 : vector<16xf32>
      %mul3A_1030 = arith.constant 16 : i32
      %mul3A_1031 = vector.broadcast %mul3A_1030 : i32 to vector<16xi32>
      %mul3A_1032 = arith.muli %iota3A, %mul3A_1031 : vector<16xi32>
      %add3A_1033 = arith.constant 1024 : i32
      %add3A_1034 = vector.broadcast %add3A_1033 : i32 to vector<16xi32>
      %add3A_1035 = arith.addi %add3A_1034, %mul3A_1032 : vector<16xi32>
      %add3A_1036 = arith.constant 6 : i32
      %add3A_1037 = vector.broadcast %add3A_1036 : i32 to vector<16xi32>
      %add3A_1038 = arith.addi %add3A_1035, %add3A_1037 : vector<16xi32>
      %gather3A_1039 = tpu.vector_load_idx %arg9[%add3A_1038] : memref<1280xf32, #tpu.memory_space<vmem>>[vector<16xi32>], vector<16xf32>,
      %max3A_1040 = arith.maximumf %max3A_1029, %gather3A_1039 : vector<16xf32>
      %mul3A_1041 = arith.constant 16 : i32
      %mul3A_1042 = vector.broadcast %mul3A_1041 : i32 to vector<16xi32>
      %mul3A_1043 = arith.muli %iota3A, %mul3A_1042 : vector<16xi32>
      %add3A_1044 = arith.constant 1024 : i32
      %add3A_1045 = vector.broadcast %add3A_1044 : i32 to vector<16xi32>
      %add3A_1046 = arith.addi %add3A_1045, %mul3A_1043 : vector<16xi32>
      %add3A_1047 = arith.constant 7 : i32
      %add3A_1048 = vector.broadcast %add3A_1047 : i32 to vector<16xi32>
      %add3A_1049 = arith.addi %add3A_1046, %add3A_1048 : vector<16xi32>
      %gather3A_1050 = tpu.vector_load_idx %arg9[%add3A_1049] : memref<1280xf32, #tpu.memory_space<vmem>>[vector<16xi32>], vector<16xf32>,
      %max3A_1051 = arith.maximumf %max3A_1040, %gather3A_1050 : vector<16xf32>
      %mul3A_1052 = arith.constant 16 : i32
      %mul3A_1053 = vector.broadcast %mul3A_1052 : i32 to vector<16xi32>
      %mul3A_1054 = arith.muli %iota3A, %mul3A_1053 : vector<16xi32>
      %add3A_1055 = arith.constant 1024 : i32
      %add3A_1056 = vector.broadcast %add3A_1055 : i32 to vector<16xi32>
      %add3A_1057 = arith.addi %add3A_1056, %mul3A_1054 : vector<16xi32>
      %add3A_1058 = arith.constant 8 : i32
      %add3A_1059 = vector.broadcast %add3A_1058 : i32 to vector<16xi32>
      %add3A_1060 = arith.addi %add3A_1057, %add3A_1059 : vector<16xi32>
      %gather3A_1061 = tpu.vector_load_idx %arg9[%add3A_1060] : memref<1280xf32, #tpu.memory_space<vmem>>[vector<16xi32>], vector<16xf32>,
      %max3A_1062 = arith.maximumf %max3A_1051, %gather3A_1061 : vector<16xf32>
      %mul3A_1063 = arith.constant 16 : i32
      %mul3A_1064 = vector.broadcast %mul3A_1063 : i32 to vector<16xi32>
      %mul3A_1065 = arith.muli %iota3A, %mul3A_1064 : vector<16xi32>
      %add3A_1066 = arith.constant 1024 : i32
      %add3A_1067 = vector.broadcast %add3A_1066 : i32 to vector<16xi32>
      %add3A_1068 = arith.addi %add3A_1067, %mul3A_1065 : vector<16xi32>
      %add3A_1069 = arith.constant 9 : i32
      %add3A_1070 = vector.broadcast %add3A_1069 : i32 to vector<16xi32>
      %add3A_1071 = arith.addi %add3A_1068, %add3A_1070 : vector<16xi32>
      %gather3A_1072 = tpu.vector_load_idx %arg9[%add3A_1071] : memref<1280xf32, #tpu.memory_space<vmem>>[vector<16xi32>], vector<16xf32>,
      %max3A_1073 = arith.maximumf %max3A_1062, %gather3A_1072 : vector<16xf32>
      %mul3A_1074 = arith.constant 16 : i32
      %mul3A_1075 = vector.broadcast %mul3A_1074 : i32 to vector<16xi32>
      %mul3A_1076 = arith.muli %iota3A, %mul3A_1075 : vector<16xi32>
      %add3A_1077 = arith.constant 1024 : i32
      %add3A_1078 = vector.broadcast %add3A_1077 : i32 to vector<16xi32>
      %add3A_1079 = arith.addi %add3A_1078, %mul3A_1076 : vector<16xi32>
      %add3A_1080 = arith.constant 10 : i32
      %add3A_1081 = vector.broadcast %add3A_1080 : i32 to vector<16xi32>
      %add3A_1082 = arith.addi %add3A_1079, %add3A_1081 : vector<16xi32>
      %gather3A_1083 = tpu.vector_load_idx %arg9[%add3A_1082] : memref<1280xf32, #tpu.memory_space<vmem>>[vector<16xi32>], vector<16xf32>,
      %max3A_1084 = arith.maximumf %max3A_1073, %gather3A_1083 : vector<16xf32>
      %mul3A_1085 = arith.constant 16 : i32
      %mul3A_1086 = vector.broadcast %mul3A_1085 : i32 to vector<16xi32>
      %mul3A_1087 = arith.muli %iota3A, %mul3A_1086 : vector<16xi32>
      %add3A_1088 = arith.constant 1024 : i32
      %add3A_1089 = vector.broadcast %add3A_1088 : i32 to vector<16xi32>
      %add3A_1090 = arith.addi %add3A_1089, %mul3A_1087 : vector<16xi32>
      %add3A_1091 = arith.constant 11 : i32
      %add3A_1092 = vector.broadcast %add3A_1091 : i32 to vector<16xi32>
      %add3A_1093 = arith.addi %add3A_1090, %add3A_1092 : vector<16xi32>
      %gather3A_1094 = tpu.vector_load_idx %arg9[%add3A_1093] : memref<1280xf32, #tpu.memory_space<vmem>>[vector<16xi32>], vector<16xf32>,
      %max3A_1095 = arith.maximumf %max3A_1084, %gather3A_1094 : vector<16xf32>
      %mul3A_1096 = arith.constant 16 : i32
      %mul3A_1097 = vector.broadcast %mul3A_1096 : i32 to vector<16xi32>
      %mul3A_1098 = arith.muli %iota3A, %mul3A_1097 : vector<16xi32>
      %add3A_1099 = arith.constant 1024 : i32
      %add3A_1100 = vector.broadcast %add3A_1099 : i32 to vector<16xi32>
      %add3A_1101 = arith.addi %add3A_1100, %mul3A_1098 : vector<16xi32>
      %add3A_1102 = arith.constant 12 : i32
      %add3A_1103 = vector.broadcast %add3A_1102 : i32 to vector<16xi32>
      %add3A_1104 = arith.addi %add3A_1101, %add3A_1103 : vector<16xi32>
      %gather3A_1105 = tpu.vector_load_idx %arg9[%add3A_1104] : memref<1280xf32, #tpu.memory_space<vmem>>[vector<16xi32>], vector<16xf32>,
      %max3A_1106 = arith.maximumf %max3A_1095, %gather3A_1105 : vector<16xf32>
      %mul3A_1107 = arith.constant 16 : i32
      %mul3A_1108 = vector.broadcast %mul3A_1107 : i32 to vector<16xi32>
      %mul3A_1109 = arith.muli %iota3A, %mul3A_1108 : vector<16xi32>
      %add3A_1110 = arith.constant 1024 : i32
      %add3A_1111 = vector.broadcast %add3A_1110 : i32 to vector<16xi32>
      %add3A_1112 = arith.addi %add3A_1111, %mul3A_1109 : vector<16xi32>
      %add3A_1113 = arith.constant 13 : i32
      %add3A_1114 = vector.broadcast %add3A_1113 : i32 to vector<16xi32>
      %add3A_1115 = arith.addi %add3A_1112, %add3A_1114 : vector<16xi32>
      %gather3A_1116 = tpu.vector_load_idx %arg9[%add3A_1115] : memref<1280xf32, #tpu.memory_space<vmem>>[vector<16xi32>], vector<16xf32>,
      %max3A_1117 = arith.maximumf %max3A_1106, %gather3A_1116 : vector<16xf32>
      %mul3A_1118 = arith.constant 16 : i32
      %mul3A_1119 = vector.broadcast %mul3A_1118 : i32 to vector<16xi32>
      %mul3A_1120 = arith.muli %iota3A, %mul3A_1119 : vector<16xi32>
      %add3A_1121 = arith.constant 1024 : i32
      %add3A_1122 = vector.broadcast %add3A_1121 : i32 to vector<16xi32>
      %add3A_1123 = arith.addi %add3A_1122, %mul3A_1120 : vector<16xi32>
      %add3A_1124 = arith.constant 14 : i32
      %add3A_1125 = vector.broadcast %add3A_1124 : i32 to vector<16xi32>
      %add3A_1126 = arith.addi %add3A_1123, %add3A_1125 : vector<16xi32>
      %gather3A_1127 = tpu.vector_load_idx %arg9[%add3A_1126] : memref<1280xf32, #tpu.memory_space<vmem>>[vector<16xi32>], vector<16xf32>,
      %max3A_1128 = arith.maximumf %max3A_1117, %gather3A_1127 : vector<16xf32>
      %mul3A_1129 = arith.constant 16 : i32
      %mul3A_1130 = vector.broadcast %mul3A_1129 : i32 to vector<16xi32>
      %mul3A_1131 = arith.muli %iota3A, %mul3A_1130 : vector<16xi32>
      %add3A_1132 = arith.constant 1024 : i32
      %add3A_1133 = vector.broadcast %add3A_1132 : i32 to vector<16xi32>
      %add3A_1134 = arith.addi %add3A_1133, %mul3A_1131 : vector<16xi32>
      %add3A_1135 = arith.constant 15 : i32
      %add3A_1136 = vector.broadcast %add3A_1135 : i32 to vector<16xi32>
      %add3A_1137 = arith.addi %add3A_1134, %add3A_1136 : vector<16xi32>
      %gather3A_1138 = tpu.vector_load_idx %arg9[%add3A_1137] : memref<1280xf32, #tpu.memory_space<vmem>>[vector<16xi32>], vector<16xf32>,
      %max3A_1139 = arith.maximumf %max3A_1128, %gather3A_1138 : vector<16xf32>
      %eq3A_1140 = arith.constant 4 : i32
      %eq3A_1141 = vector.broadcast %eq3A_1140 : i32 to vector<16xi32>
      %eq3A_1142 = arith.cmpi eq, %iota3A, %eq3A_1141 : vector<16xi32>
      %broadcast_in_dim3A_1143 = arith.constant true
      %broadcast_in_dim3A_1144 = vector.broadcast %broadcast_in_dim3A_1143 : i1 to vector<16xi1>
      %masked_cummax3A_1145 = tpu.scan <max>, %max3A_1139 masked %broadcast_in_dim3A_1144 : vector<16xf32>, vector<16xi1> -> vector<16xf32>
      %reshape3A_1146 = vector.shape_cast %broadcast_in_dim3A_7 : vector<16xi32> to vector<16x1xi32>
      %gather3A_1147 = vector.shape_cast %reshape3A_1146 : vector<16x1xi32> to vector<16xi32>
      %gather3A_1148 = tpu.dynamic_gather %masked_cummax3A_1145[%gather3A_1147] in [0] : vector<16xf32>, vector<16xi32> -> vector<16xf32>
      %select_n3A_1149 = arith.select %eq3A_1142, %gather3A_1148, %select_n3A_967 : vector<16xi1>, vector<16xf32>
      %broadcast_in_dim3A_1150 = arith.constant true
      %broadcast_in_dim3A_1151 = vector.broadcast %broadcast_in_dim3A_1150 : i1 to vector<16xi1>
      %masked_cummax3A_1152 = tpu.scan <max>, %select_n3A_1149 masked %broadcast_in_dim3A_1151 : vector<16xf32>, vector<16xi1> -> vector<16xf32>
      %reshape3A_1153 = vector.shape_cast %broadcast_in_dim3A_7 : vector<16xi32> to vector<16x1xi32>
      %gather3A_1154 = vector.shape_cast %reshape3A_1153 : vector<16x1xi32> to vector<16xi32>
      %gather3A_1155 = tpu.dynamic_gather %masked_cummax3A_1152[%gather3A_1154] in [0] : vector<16xf32>, vector<16xi32> -> vector<16xf32>
      tpu.wait_dma2 semaphore(%arg19 : memref<!tpu.dma_semaphore, #tpu.memory_space<semaphore_mem>>) src(%arg2 : memref<80000xf32, #tpu.memory_space<hbm>>) dst(%arg7 : memref<80000xf32, #tpu.memory_space<vmem>>)
      %ge3A = arith.constant 5.000000e-02 : f32
      %ge3A_1156 = vector.broadcast %ge3A : f32 to vector<16xf32>
      %ge3A_1157 = arith.cmpf oge, %gather3A_1155, %ge3A_1156 : vector<16xf32>
      %reduce_or3A = arith.constant 1.000000e+00 : f32
      %reduce_or3A_1158 = arith.constant 0.000000e+00 : f32
      %reduce_or3A_1159 = vector.broadcast %reduce_or3A : f32 to vector<16xf32>
      %reduce_or3A_1160 = vector.broadcast %reduce_or3A_1158 : f32 to vector<16xf32>
      %reduce_or3A_1161 = arith.select %ge3A_1157, %reduce_or3A_1159, %reduce_or3A_1160 : vector<16xi1>, vector<16xf32>
      %reduce_or3A_1162 = arith.constant true
      %reduce_or3A_1163 = vector.broadcast %reduce_or3A_1162 : i1 to vector<16xi1>
      %reduce_or3A_1164 = tpu.scan <max>, %reduce_or3A_1161 masked %reduce_or3A_1163 : vector<16xf32>, vector<16xi1> -> vector<16xf32>
      %reduce_or3A_1165 = vector.extract %reduce_or3A_1164[15] : f32 from vector<16xf32>
      %reduce_or3A_1166 = arith.constant 0.000000e+00 : f32
      %reduce_or3A_1167 = arith.cmpf ogt, %reduce_or3A_1165, %reduce_or3A_1166 : f32
      %while3A = arith.constant 0 : i32
      %while3A_1168:9 = scf.while (%while3A_1169 = %while3A, %while3A_1170 = %reduce_or3A_1167, %while3A_1171 = %gather3A_1155, %while3A_1172 = %select_n3A_1149, %while3A_1173 = %max3A_414, %while3A_1174 = %max3A_593, %while3A_1175 = %max3A_775, %while3A_1176 = %max3A_957, %while3A_1177 = %max3A_1139) : (i32, i1, vector<16xf32>, vector<16xf32>, vector<16xf32>, vector<16xf32>, vector<16xf32>, vector<16xf32>, vector<16xf32>) -> (i32, i1, vector<16xf32>, vector<16xf32>, vector<16xf32>, vector<16xf32>, vector<16xf32>, vector<16xf32>, vector<16xf32>) {
        %lt3A = arith.constant 100 : i32
        %lt3A_1178 = arith.cmpi slt, %while3A_1169, %lt3A : i32
        %and3A_1179 = arith.andi %lt3A_1178, %while3A_1170 : i1
        scf.condition(%and3A_1179) %while3A_1169, %while3A_1170, %while3A_1171, %while3A_1172, %while3A_1173, %while3A_1174, %while3A_1175, %while3A_1176, %while3A_1177 : i32, i1, vector<16xf32>, vector<16xf32>, vector<16xf32>, vector<16xf32>, vector<16xf32>, vector<16xf32>, vector<16xf32>
      } do {
      ^bb0(%while3A_1169: i32, %while3A_1170: i1, %while3A_1171: vector<16xf32>, %while3A_1172: vector<16xf32>, %while3A_1173: vector<16xf32>, %while3A_1174: vector<16xf32>, %while3A_1175: vector<16xf32>, %while3A_1176: vector<16xf32>, %while3A_1177: vector<16xf32>):
        %eq3A_1178 = arith.cmpf oeq, %while3A_1172, %while3A_1171 : vector<16xf32>
        %all_reduce_ffs3A = tpu.all_reduce %eq3A_1178 {dim = 0 : i64, kind = #tpu.reduction_kind<find_first_set>} : vector<16xi1> -> vector<16xi32>
        %eq3A_1179 = arith.constant 3 : i32
        %eq3A_1180 = vector.broadcast %eq3A_1179 : i32 to vector<16xi32>
        %eq3A_1181 = arith.cmpi eq, %all_reduce_ffs3A, %eq3A_1180 : vector<16xi32>
        %select_n3A_1182 = arith.select %eq3A_1181, %while3A_1176, %while3A_1177 : vector<16xi1>, vector<16xf32>
        %eq3A_1183 = arith.constant 2 : i32
        %eq3A_1184 = vector.broadcast %eq3A_1183 : i32 to vector<16xi32>
        %eq3A_1185 = arith.cmpi eq, %all_reduce_ffs3A, %eq3A_1184 : vector<16xi32>
        %select_n3A_1186 = arith.select %eq3A_1185, %while3A_1175, %select_n3A_1182 : vector<16xi1>, vector<16xf32>
        %eq3A_1187 = arith.constant 1 : i32
        %eq3A_1188 = vector.broadcast %eq3A_1187 : i32 to vector<16xi32>
        %eq3A_1189 = arith.cmpi eq, %all_reduce_ffs3A, %eq3A_1188 : vector<16xi32>
        %select_n3A_1190 = arith.select %eq3A_1189, %while3A_1174, %select_n3A_1186 : vector<16xi1>, vector<16xf32>
        %eq3A_1191 = arith.constant 0 : i32
        %eq3A_1192 = vector.broadcast %eq3A_1191 : i32 to vector<16xi32>
        %eq3A_1193 = arith.cmpi eq, %all_reduce_ffs3A, %eq3A_1192 : vector<16xi32>
        %select_n3A_1194 = arith.select %eq3A_1193, %while3A_1173, %select_n3A_1190 : vector<16xi1>, vector<16xf32>
        %eq3A_1195 = arith.cmpf oeq, %select_n3A_1194, %while3A_1171 : vector<16xf32>
        %all_reduce_ffs3A_1196 = tpu.all_reduce %eq3A_1195 {dim = 0 : i64, kind = #tpu.reduction_kind<find_first_set>} : vector<16xi1> -> vector<16xi32>
        %mul3A_1197 = arith.constant 16 : i32
        %mul3A_1198 = vector.broadcast %mul3A_1197 : i32 to vector<16xi32>
        %mul3A_1199 = arith.muli %all_reduce_ffs3A, %mul3A_1198 : vector<16xi32>
        %add3A_1200 = arith.addi %mul3A_1199, %all_reduce_ffs3A_1196 : vector<16xi32>
        %mul3A_1201 = arith.constant 16 : i32
        %mul3A_1202 = vector.broadcast %mul3A_1201 : i32 to vector<16xi32>
        %mul3A_1203 = arith.muli %add3A_1200, %mul3A_1202 : vector<16xi32>
        %add3A_1204 = arith.addi %mul3A_1203, %iota3A : vector<16xi32>
        %gather3A_1205 = tpu.vector_load_idx %arg9[%add3A_1204] : memref<1280xf32, #tpu.memory_space<vmem>>[vector<16xi32>], vector<16xf32>,
        %eq3A_1206 = arith.cmpf oeq, %gather3A_1205, %while3A_1171 : vector<16xf32>
        %all_reduce_ffs3A_1207 = tpu.all_reduce %eq3A_1206 {dim = 0 : i64, kind = #tpu.reduction_kind<find_first_set>} : vector<16xi1> -> vector<16xi32>
        %mul3A_1208 = arith.constant 16 : i32
        %mul3A_1209 = vector.broadcast %mul3A_1208 : i32 to vector<16xi32>
        %mul3A_1210 = arith.muli %add3A_1200, %mul3A_1209 : vector<16xi32>
        %add3A_1211 = arith.addi %mul3A_1210, %all_reduce_ffs3A_1207 : vector<16xi32>
        %mul3A_1212 = arith.constant 16 : i32
        %mul3A_1213 = vector.broadcast %mul3A_1212 : i32 to vector<16xi32>
        %mul3A_1214 = arith.muli %add3A_1211, %mul3A_1213 : vector<16xi32>
        %add3A_1215 = arith.addi %mul3A_1214, %iota3A : vector<16xi32>
        %gather3A_1216 = tpu.vector_load_idx %arg8[%add3A_1215] : memref<20480xf32, #tpu.memory_space<vmem>>[vector<16xi32>], vector<16xf32>,
        %eq3A_1217 = arith.cmpf oeq, %gather3A_1216, %while3A_1171 : vector<16xf32>
        %all_reduce_ffs3A_1218 = tpu.all_reduce %eq3A_1217 {dim = 0 : i64, kind = #tpu.reduction_kind<find_first_set>} : vector<16xi1> -> vector<16xi32>
        %mul3A_1219 = arith.constant 16 : i32
        %mul3A_1220 = vector.broadcast %mul3A_1219 : i32 to vector<16xi32>
        %mul3A_1221 = arith.muli %add3A_1211, %mul3A_1220 : vector<16xi32>
        %add3A_1222 = arith.addi %mul3A_1221, %all_reduce_ffs3A_1218 : vector<16xi32>
        %eq3A_1223 = arith.cmpi eq, %iota3A, %all_reduce_ffs3A_1218 : vector<16xi32>
        %jit3A = arith.constant -1.000000e+00 : f32
        %broadcast_in_dim3A_1224 = vector.broadcast %jit3A : f32 to vector<16xf32>
        %select_n3A_1225 = arith.select %eq3A_1223, %broadcast_in_dim3A_1224, %gather3A_1216 : vector<16xi1>, vector<16xf32>
        %broadcast_in_dim3A_1226 = arith.constant -1.000000e+00 : f32
        %broadcast_in_dim3A_1227 = vector.broadcast %broadcast_in_dim3A_1226 : f32 to vector<16xf32>
        tpu.vector_store_idx %arg8[%add3A_1222], %broadcast_in_dim3A_1227 masked %eq3A_6 : memref<20480xf32, #tpu.memory_space<vmem>>[vector<16xi32>], vector<16xf32>, vector<16xi1>
        %broadcast_in_dim3A_1228 = arith.constant true
        %broadcast_in_dim3A_1229 = vector.broadcast %broadcast_in_dim3A_1228 : i1 to vector<16xi1>
        %masked_cummax3A_1230 = tpu.scan <max>, %select_n3A_1225 masked %broadcast_in_dim3A_1229 : vector<16xf32>, vector<16xi1> -> vector<16xf32>
        %reshape3A_1231 = vector.shape_cast %broadcast_in_dim3A_7 : vector<16xi32> to vector<16x1xi32>
        %gather3A_1232 = vector.shape_cast %reshape3A_1231 : vector<16x1xi32> to vector<16xi32>
        %gather3A_1233 = tpu.dynamic_gather %masked_cummax3A_1230[%gather3A_1232] in [0] : vector<16xf32>, vector<16xi32> -> vector<16xf32>
        tpu.vector_store_idx %arg9[%add3A_1211], %gather3A_1233 masked %eq3A_6 : memref<1280xf32, #tpu.memory_space<vmem>>[vector<16xi32>], vector<16xf32>, vector<16xi1>
        %eq3A_1234 = arith.cmpi eq, %iota3A, %all_reduce_ffs3A_1207 : vector<16xi32>
        %select_n3A_1235 = arith.select %eq3A_1234, %gather3A_1233, %gather3A_1205 : vector<16xi1>, vector<16xf32>
        %broadcast_in_dim3A_1236 = arith.constant true
        %broadcast_in_dim3A_1237 = vector.broadcast %broadcast_in_dim3A_1236 : i1 to vector<16xi1>
        %masked_cummax3A_1238 = tpu.scan <max>, %select_n3A_1235 masked %broadcast_in_dim3A_1237 : vector<16xf32>, vector<16xi1> -> vector<16xf32>
        %reshape3A_1239 = vector.shape_cast %broadcast_in_dim3A_7 : vector<16xi32> to vector<16x1xi32>
        %gather3A_1240 = vector.shape_cast %reshape3A_1239 : vector<16x1xi32> to vector<16xi32>
        %gather3A_1241 = tpu.dynamic_gather %masked_cummax3A_1238[%gather3A_1240] in [0] : vector<16xf32>, vector<16xi32> -> vector<16xf32>
        %eq3A_1242 = arith.cmpi eq, %iota3A, %all_reduce_ffs3A_1196 : vector<16xi32>
        %select_n3A_1243 = arith.select %eq3A_1242, %gather3A_1241, %select_n3A_1194 : vector<16xi1>, vector<16xf32>
        %eq3A_1244 = arith.constant 0 : i32
        %eq3A_1245 = vector.broadcast %eq3A_1244 : i32 to vector<16xi32>
        %eq3A_1246 = arith.cmpi eq, %all_reduce_ffs3A, %eq3A_1245 : vector<16xi32>
        %select_n3A_1247 = arith.select %eq3A_1246, %select_n3A_1243, %while3A_1173 : vector<16xi1>, vector<16xf32>
        %eq3A_1248 = arith.constant 1 : i32
        %eq3A_1249 = vector.broadcast %eq3A_1248 : i32 to vector<16xi32>
        %eq3A_1250 = arith.cmpi eq, %all_reduce_ffs3A, %eq3A_1249 : vector<16xi32>
        %select_n3A_1251 = arith.select %eq3A_1250, %select_n3A_1243, %while3A_1174 : vector<16xi1>, vector<16xf32>
        %eq3A_1252 = arith.constant 2 : i32
        %eq3A_1253 = vector.broadcast %eq3A_1252 : i32 to vector<16xi32>
        %eq3A_1254 = arith.cmpi eq, %all_reduce_ffs3A, %eq3A_1253 : vector<16xi32>
        %select_n3A_1255 = arith.select %eq3A_1254, %select_n3A_1243, %while3A_1175 : vector<16xi1>, vector<16xf32>
        %eq3A_1256 = arith.constant 3 : i32
        %eq3A_1257 = vector.broadcast %eq3A_1256 : i32 to vector<16xi32>
        %eq3A_1258 = arith.cmpi eq, %all_reduce_ffs3A, %eq3A_1257 : vector<16xi32>
        %select_n3A_1259 = arith.select %eq3A_1258, %select_n3A_1243, %while3A_1176 : vector<16xi1>, vector<16xf32>
        %eq3A_1260 = arith.constant 4 : i32
        %eq3A_1261 = vector.broadcast %eq3A_1260 : i32 to vector<16xi32>
        %eq3A_1262 = arith.cmpi eq, %all_reduce_ffs3A, %eq3A_1261 : vector<16xi32>
        %select_n3A_1263 = arith.select %eq3A_1262, %select_n3A_1243, %while3A_1177 : vector<16xi1>, vector<16xf32>
        %broadcast_in_dim3A_1264 = arith.constant true
        %broadcast_in_dim3A_1265 = vector.broadcast %broadcast_in_dim3A_1264 : i1 to vector<16xi1>
        %masked_cummax3A_1266 = tpu.scan <max>, %select_n3A_1243 masked %broadcast_in_dim3A_1265 : vector<16xf32>, vector<16xi1> -> vector<16xf32>
        %reshape3A_1267 = vector.shape_cast %broadcast_in_dim3A_7 : vector<16xi32> to vector<16x1xi32>
        %gather3A_1268 = vector.shape_cast %reshape3A_1267 : vector<16x1xi32> to vector<16xi32>
        %gather3A_1269 = tpu.dynamic_gather %masked_cummax3A_1266[%gather3A_1268] in [0] : vector<16xf32>, vector<16xi32> -> vector<16xf32>
        %eq3A_1270 = arith.cmpi eq, %iota3A, %all_reduce_ffs3A : vector<16xi32>
        %select_n3A_1271 = arith.select %eq3A_1270, %gather3A_1269, %while3A_1172 : vector<16xi1>, vector<16xf32>
        %broadcast_in_dim3A_1272 = arith.constant true
        %broadcast_in_dim3A_1273 = vector.broadcast %broadcast_in_dim3A_1272 : i1 to vector<16xi1>
        %masked_cummax3A_1274 = tpu.scan <max>, %select_n3A_1271 masked %broadcast_in_dim3A_1273 : vector<16xf32>, vector<16xi1> -> vector<16xf32>
        %reshape3A_1275 = vector.shape_cast %broadcast_in_dim3A_7 : vector<16xi32> to vector<16x1xi32>
        %gather3A_1276 = vector.shape_cast %reshape3A_1275 : vector<16x1xi32> to vector<16xi32>
        %gather3A_1277 = tpu.dynamic_gather %masked_cummax3A_1274[%gather3A_1276] in [0] : vector<16xf32>, vector<16xi32> -> vector<16xf32>
        %mul3A_1278 = arith.constant 4 : i32
        %mul3A_1279 = vector.broadcast %mul3A_1278 : i32 to vector<16xi32>
        %mul3A_1280 = arith.muli %add3A_1222, %mul3A_1279 : vector<16xi32>
        %gather3A_1281 = tpu.vector_load_idx %arg7[%mul3A_1280] : memref<80000xf32, #tpu.memory_space<vmem>>[vector<16xi32>], vector<16xf32>,
        %add3A_1282 = arith.constant 1 : i32
        %add3A_1283 = vector.broadcast %add3A_1282 : i32 to vector<16xi32>
        %add3A_1284 = arith.addi %mul3A_1280, %add3A_1283 : vector<16xi32>
        %gather3A_1285 = tpu.vector_load_idx %arg7[%add3A_1284] : memref<80000xf32, #tpu.memory_space<vmem>>[vector<16xi32>], vector<16xf32>,
        %add3A_1286 = arith.constant 2 : i32
        %add3A_1287 = vector.broadcast %add3A_1286 : i32 to vector<16xi32>
        %add3A_1288 = arith.addi %mul3A_1280, %add3A_1287 : vector<16xi32>
        %gather3A_1289 = tpu.vector_load_idx %arg7[%add3A_1288] : memref<80000xf32, #tpu.memory_space<vmem>>[vector<16xi32>], vector<16xf32>,
        %add3A_1290 = arith.constant 3 : i32
        %add3A_1291 = vector.broadcast %add3A_1290 : i32 to vector<16xi32>
        %add3A_1292 = arith.addi %mul3A_1280, %add3A_1291 : vector<16xi32>
        %gather3A_1293 = tpu.vector_load_idx %arg7[%add3A_1292] : memref<80000xf32, #tpu.memory_space<vmem>>[vector<16xi32>], vector<16xf32>,
        %sub3A = arith.subf %gather3A_1289, %gather3A_1281 : vector<16xf32>
        %sub3A_1294 = arith.subf %gather3A_1293, %gather3A_1285 : vector<16xf32>
        %mul3A_1295 = arith.mulf %sub3A, %sub3A_1294 : vector<16xf32>
        %broadcast_in_dim3A_1296 = arith.constant false
        %broadcast_in_dim3A_1297 = vector.broadcast %broadcast_in_dim3A_1296 : i1 to vector<16xi1>
        %get3A = arith.constant 0 : index
        %get3A_1298 = tpu.vector_load %arg11[%get3A] {strides = array<i32>} : memref<112xf32, #tpu.memory_space<vmem>>, vector<16xf32>,
        %get3A_1299 = arith.constant 0 : index
        %get3A_1300 = tpu.vector_load %arg12[%get3A_1299] {strides = array<i32>} : memref<112xf32, #tpu.memory_space<vmem>>, vector<16xf32>,
        %get3A_1301 = arith.constant 0 : index
        %get3A_1302 = tpu.vector_load %arg13[%get3A_1301] {strides = array<i32>} : memref<112xf32, #tpu.memory_space<vmem>>, vector<16xf32>,
        %get3A_1303 = arith.constant 0 : index
        %get3A_1304 = tpu.vector_load %arg14[%get3A_1303] {strides = array<i32>} : memref<112xf32, #tpu.memory_space<vmem>>, vector<16xf32>,
        %get3A_1305 = arith.constant 0 : index
        %get3A_1306 = tpu.vector_load %arg15[%get3A_1305] {strides = array<i32>} : memref<112xf32, #tpu.memory_space<vmem>>, vector<16xf32>,
        %max3A_1307 = arith.maximumf %get3A_1298, %gather3A_1281 : vector<16xf32>
        %max3A_1308 = arith.maximumf %get3A_1300, %gather3A_1285 : vector<16xf32>
        %min3A = arith.minimumf %get3A_1302, %gather3A_1289 : vector<16xf32>
        %min3A_1309 = arith.minimumf %get3A_1304, %gather3A_1293 : vector<16xf32>
        %sub3A_1310 = arith.subf %min3A, %max3A_1307 : vector<16xf32>
        %max3A_1311 = arith.constant 0.000000e+00 : f32
        %max3A_1312 = vector.broadcast %max3A_1311 : f32 to vector<16xf32>
        %max3A_1313 = arith.maximumf %sub3A_1310, %max3A_1312 : vector<16xf32>
        %sub3A_1314 = arith.subf %min3A_1309, %max3A_1308 : vector<16xf32>
        %max3A_1315 = arith.constant 0.000000e+00 : f32
        %max3A_1316 = vector.broadcast %max3A_1315 : f32 to vector<16xf32>
        %max3A_1317 = arith.maximumf %sub3A_1314, %max3A_1316 : vector<16xf32>
        %mul3A_1318 = arith.mulf %max3A_1313, %max3A_1317 : vector<16xf32>
        %add3A_1319 = arith.addf %get3A_1306, %mul3A_1295 : vector<16xf32>
        %sub3A_1320 = arith.subf %add3A_1319, %mul3A_1318 : vector<16xf32>
        %add3A_1321 = arith.constant 9.99999993E-9 : f32
        %add3A_1322 = vector.broadcast %add3A_1321 : f32 to vector<16xf32>
        %add3A_1323 = arith.addf %sub3A_1320, %add3A_1322 : vector<16xf32>
        %div3A = arith.divf %mul3A_1318, %add3A_1323 : vector<16xf32>
        %ge3A_1324 = arith.constant 5.000000e-01 : f32
        %ge3A_1325 = vector.broadcast %ge3A_1324 : f32 to vector<16xf32>
        %ge3A_1326 = arith.cmpf oge, %div3A, %ge3A_1325 : vector<16xf32>
        %or3A = arith.ori %broadcast_in_dim3A_1297, %ge3A_1326 : vector<16xi1>
        %get3A_1327 = arith.constant 16 : index
        %get3A_1328 = tpu.vector_load %arg11[%get3A_1327] {strides = array<i32>} : memref<112xf32, #tpu.memory_space<vmem>>, vector<16xf32>,
        %get3A_1329 = arith.constant 16 : index
        %get3A_1330 = tpu.vector_load %arg12[%get3A_1329] {strides = array<i32>} : memref<112xf32, #tpu.memory_space<vmem>>, vector<16xf32>,
        %get3A_1331 = arith.constant 16 : index
        %get3A_1332 = tpu.vector_load %arg13[%get3A_1331] {strides = array<i32>} : memref<112xf32, #tpu.memory_space<vmem>>, vector<16xf32>,
        %get3A_1333 = arith.constant 16 : index
        %get3A_1334 = tpu.vector_load %arg14[%get3A_1333] {strides = array<i32>} : memref<112xf32, #tpu.memory_space<vmem>>, vector<16xf32>,
        %get3A_1335 = arith.constant 16 : index
        %get3A_1336 = tpu.vector_load %arg15[%get3A_1335] {strides = array<i32>} : memref<112xf32, #tpu.memory_space<vmem>>, vector<16xf32>,
        %max3A_1337 = arith.maximumf %get3A_1328, %gather3A_1281 : vector<16xf32>
        %max3A_1338 = arith.maximumf %get3A_1330, %gather3A_1285 : vector<16xf32>
        %min3A_1339 = arith.minimumf %get3A_1332, %gather3A_1289 : vector<16xf32>
        %min3A_1340 = arith.minimumf %get3A_1334, %gather3A_1293 : vector<16xf32>
        %sub3A_1341 = arith.subf %min3A_1339, %max3A_1337 : vector<16xf32>
        %max3A_1342 = arith.constant 0.000000e+00 : f32
        %max3A_1343 = vector.broadcast %max3A_1342 : f32 to vector<16xf32>
        %max3A_1344 = arith.maximumf %sub3A_1341, %max3A_1343 : vector<16xf32>
        %sub3A_1345 = arith.subf %min3A_1340, %max3A_1338 : vector<16xf32>
        %max3A_1346 = arith.constant 0.000000e+00 : f32
        %max3A_1347 = vector.broadcast %max3A_1346 : f32 to vector<16xf32>
        %max3A_1348 = arith.maximumf %sub3A_1345, %max3A_1347 : vector<16xf32>
        %mul3A_1349 = arith.mulf %max3A_1344, %max3A_1348 : vector<16xf32>
        %add3A_1350 = arith.addf %get3A_1336, %mul3A_1295 : vector<16xf32>
        %sub3A_1351 = arith.subf %add3A_1350, %mul3A_1349 : vector<16xf32>
        %add3A_1352 = arith.constant 9.99999993E-9 : f32
        %add3A_1353 = vector.broadcast %add3A_1352 : f32 to vector<16xf32>
        %add3A_1354 = arith.addf %sub3A_1351, %add3A_1353 : vector<16xf32>
        %div3A_1355 = arith.divf %mul3A_1349, %add3A_1354 : vector<16xf32>
        %ge3A_1356 = arith.constant 5.000000e-01 : f32
        %ge3A_1357 = vector.broadcast %ge3A_1356 : f32 to vector<16xf32>
        %ge3A_1358 = arith.cmpf oge, %div3A_1355, %ge3A_1357 : vector<16xf32>
        %or3A_1359 = arith.ori %or3A, %ge3A_1358 : vector<16xi1>
        %get3A_1360 = arith.constant 32 : index
        %get3A_1361 = tpu.vector_load %arg11[%get3A_1360] {strides = array<i32>} : memref<112xf32, #tpu.memory_space<vmem>>, vector<16xf32>,
        %get3A_1362 = arith.constant 32 : index
        %get3A_1363 = tpu.vector_load %arg12[%get3A_1362] {strides = array<i32>} : memref<112xf32, #tpu.memory_space<vmem>>, vector<16xf32>,
        %get3A_1364 = arith.constant 32 : index
        %get3A_1365 = tpu.vector_load %arg13[%get3A_1364] {strides = array<i32>} : memref<112xf32, #tpu.memory_space<vmem>>, vector<16xf32>,
        %get3A_1366 = arith.constant 32 : index
        %get3A_1367 = tpu.vector_load %arg14[%get3A_1366] {strides = array<i32>} : memref<112xf32, #tpu.memory_space<vmem>>, vector<16xf32>,
        %get3A_1368 = arith.constant 32 : index
        %get3A_1369 = tpu.vector_load %arg15[%get3A_1368] {strides = array<i32>} : memref<112xf32, #tpu.memory_space<vmem>>, vector<16xf32>,
        %max3A_1370 = arith.maximumf %get3A_1361, %gather3A_1281 : vector<16xf32>
        %max3A_1371 = arith.maximumf %get3A_1363, %gather3A_1285 : vector<16xf32>
        %min3A_1372 = arith.minimumf %get3A_1365, %gather3A_1289 : vector<16xf32>
        %min3A_1373 = arith.minimumf %get3A_1367, %gather3A_1293 : vector<16xf32>
        %sub3A_1374 = arith.subf %min3A_1372, %max3A_1370 : vector<16xf32>
        %max3A_1375 = arith.constant 0.000000e+00 : f32
        %max3A_1376 = vector.broadcast %max3A_1375 : f32 to vector<16xf32>
        %max3A_1377 = arith.maximumf %sub3A_1374, %max3A_1376 : vector<16xf32>
        %sub3A_1378 = arith.subf %min3A_1373, %max3A_1371 : vector<16xf32>
        %max3A_1379 = arith.constant 0.000000e+00 : f32
        %max3A_1380 = vector.broadcast %max3A_1379 : f32 to vector<16xf32>
        %max3A_1381 = arith.maximumf %sub3A_1378, %max3A_1380 : vector<16xf32>
        %mul3A_1382 = arith.mulf %max3A_1377, %max3A_1381 : vector<16xf32>
        %add3A_1383 = arith.addf %get3A_1369, %mul3A_1295 : vector<16xf32>
        %sub3A_1384 = arith.subf %add3A_1383, %mul3A_1382 : vector<16xf32>
        %add3A_1385 = arith.constant 9.99999993E-9 : f32
        %add3A_1386 = vector.broadcast %add3A_1385 : f32 to vector<16xf32>
        %add3A_1387 = arith.addf %sub3A_1384, %add3A_1386 : vector<16xf32>
        %div3A_1388 = arith.divf %mul3A_1382, %add3A_1387 : vector<16xf32>
        %ge3A_1389 = arith.constant 5.000000e-01 : f32
        %ge3A_1390 = vector.broadcast %ge3A_1389 : f32 to vector<16xf32>
        %ge3A_1391 = arith.cmpf oge, %div3A_1388, %ge3A_1390 : vector<16xf32>
        %or3A_1392 = arith.ori %or3A_1359, %ge3A_1391 : vector<16xi1>
        %get3A_1393 = arith.constant 48 : index
        %get3A_1394 = tpu.vector_load %arg11[%get3A_1393] {strides = array<i32>} : memref<112xf32, #tpu.memory_space<vmem>>, vector<16xf32>,
        %get3A_1395 = arith.constant 48 : index
        %get3A_1396 = tpu.vector_load %arg12[%get3A_1395] {strides = array<i32>} : memref<112xf32, #tpu.memory_space<vmem>>, vector<16xf32>,
        %get3A_1397 = arith.constant 48 : index
        %get3A_1398 = tpu.vector_load %arg13[%get3A_1397] {strides = array<i32>} : memref<112xf32, #tpu.memory_space<vmem>>, vector<16xf32>,
        %get3A_1399 = arith.constant 48 : index
        %get3A_1400 = tpu.vector_load %arg14[%get3A_1399] {strides = array<i32>} : memref<112xf32, #tpu.memory_space<vmem>>, vector<16xf32>,
        %get3A_1401 = arith.constant 48 : index
        %get3A_1402 = tpu.vector_load %arg15[%get3A_1401] {strides = array<i32>} : memref<112xf32, #tpu.memory_space<vmem>>, vector<16xf32>,
        %max3A_1403 = arith.maximumf %get3A_1394, %gather3A_1281 : vector<16xf32>
        %max3A_1404 = arith.maximumf %get3A_1396, %gather3A_1285 : vector<16xf32>
        %min3A_1405 = arith.minimumf %get3A_1398, %gather3A_1289 : vector<16xf32>
        %min3A_1406 = arith.minimumf %get3A_1400, %gather3A_1293 : vector<16xf32>
        %sub3A_1407 = arith.subf %min3A_1405, %max3A_1403 : vector<16xf32>
        %max3A_1408 = arith.constant 0.000000e+00 : f32
        %max3A_1409 = vector.broadcast %max3A_1408 : f32 to vector<16xf32>
        %max3A_1410 = arith.maximumf %sub3A_1407, %max3A_1409 : vector<16xf32>
        %sub3A_1411 = arith.subf %min3A_1406, %max3A_1404 : vector<16xf32>
        %max3A_1412 = arith.constant 0.000000e+00 : f32
        %max3A_1413 = vector.broadcast %max3A_1412 : f32 to vector<16xf32>
        %max3A_1414 = arith.maximumf %sub3A_1411, %max3A_1413 : vector<16xf32>
        %mul3A_1415 = arith.mulf %max3A_1410, %max3A_1414 : vector<16xf32>
        %add3A_1416 = arith.addf %get3A_1402, %mul3A_1295 : vector<16xf32>
        %sub3A_1417 = arith.subf %add3A_1416, %mul3A_1415 : vector<16xf32>
        %add3A_1418 = arith.constant 9.99999993E-9 : f32
        %add3A_1419 = vector.broadcast %add3A_1418 : f32 to vector<16xf32>
        %add3A_1420 = arith.addf %sub3A_1417, %add3A_1419 : vector<16xf32>
        %div3A_1421 = arith.divf %mul3A_1415, %add3A_1420 : vector<16xf32>
        %ge3A_1422 = arith.constant 5.000000e-01 : f32
        %ge3A_1423 = vector.broadcast %ge3A_1422 : f32 to vector<16xf32>
        %ge3A_1424 = arith.cmpf oge, %div3A_1421, %ge3A_1423 : vector<16xf32>
        %or3A_1425 = arith.ori %or3A_1392, %ge3A_1424 : vector<16xi1>
        %get3A_1426 = arith.constant 64 : index
        %get3A_1427 = tpu.vector_load %arg11[%get3A_1426] {strides = array<i32>} : memref<112xf32, #tpu.memory_space<vmem>>, vector<16xf32>,
        %get3A_1428 = arith.constant 64 : index
        %get3A_1429 = tpu.vector_load %arg12[%get3A_1428] {strides = array<i32>} : memref<112xf32, #tpu.memory_space<vmem>>, vector<16xf32>,
        %get3A_1430 = arith.constant 64 : index
        %get3A_1431 = tpu.vector_load %arg13[%get3A_1430] {strides = array<i32>} : memref<112xf32, #tpu.memory_space<vmem>>, vector<16xf32>,
        %get3A_1432 = arith.constant 64 : index
        %get3A_1433 = tpu.vector_load %arg14[%get3A_1432] {strides = array<i32>} : memref<112xf32, #tpu.memory_space<vmem>>, vector<16xf32>,
        %get3A_1434 = arith.constant 64 : index
        %get3A_1435 = tpu.vector_load %arg15[%get3A_1434] {strides = array<i32>} : memref<112xf32, #tpu.memory_space<vmem>>, vector<16xf32>,
        %max3A_1436 = arith.maximumf %get3A_1427, %gather3A_1281 : vector<16xf32>
        %max3A_1437 = arith.maximumf %get3A_1429, %gather3A_1285 : vector<16xf32>
        %min3A_1438 = arith.minimumf %get3A_1431, %gather3A_1289 : vector<16xf32>
        %min3A_1439 = arith.minimumf %get3A_1433, %gather3A_1293 : vector<16xf32>
        %sub3A_1440 = arith.subf %min3A_1438, %max3A_1436 : vector<16xf32>
        %max3A_1441 = arith.constant 0.000000e+00 : f32
        %max3A_1442 = vector.broadcast %max3A_1441 : f32 to vector<16xf32>
        %max3A_1443 = arith.maximumf %sub3A_1440, %max3A_1442 : vector<16xf32>
        %sub3A_1444 = arith.subf %min3A_1439, %max3A_1437 : vector<16xf32>
        %max3A_1445 = arith.constant 0.000000e+00 : f32
        %max3A_1446 = vector.broadcast %max3A_1445 : f32 to vector<16xf32>
        %max3A_1447 = arith.maximumf %sub3A_1444, %max3A_1446 : vector<16xf32>
        %mul3A_1448 = arith.mulf %max3A_1443, %max3A_1447 : vector<16xf32>
        %add3A_1449 = arith.addf %get3A_1435, %mul3A_1295 : vector<16xf32>
        %sub3A_1450 = arith.subf %add3A_1449, %mul3A_1448 : vector<16xf32>
        %add3A_1451 = arith.constant 9.99999993E-9 : f32
        %add3A_1452 = vector.broadcast %add3A_1451 : f32 to vector<16xf32>
        %add3A_1453 = arith.addf %sub3A_1450, %add3A_1452 : vector<16xf32>
        %div3A_1454 = arith.divf %mul3A_1448, %add3A_1453 : vector<16xf32>
        %ge3A_1455 = arith.constant 5.000000e-01 : f32
        %ge3A_1456 = vector.broadcast %ge3A_1455 : f32 to vector<16xf32>
        %ge3A_1457 = arith.cmpf oge, %div3A_1454, %ge3A_1456 : vector<16xf32>
        %or3A_1458 = arith.ori %or3A_1425, %ge3A_1457 : vector<16xi1>
        %get3A_1459 = arith.constant 80 : index
        %get3A_1460 = tpu.vector_load %arg11[%get3A_1459] {strides = array<i32>} : memref<112xf32, #tpu.memory_space<vmem>>, vector<16xf32>,
        %get3A_1461 = arith.constant 80 : index
        %get3A_1462 = tpu.vector_load %arg12[%get3A_1461] {strides = array<i32>} : memref<112xf32, #tpu.memory_space<vmem>>, vector<16xf32>,
        %get3A_1463 = arith.constant 80 : index
        %get3A_1464 = tpu.vector_load %arg13[%get3A_1463] {strides = array<i32>} : memref<112xf32, #tpu.memory_space<vmem>>, vector<16xf32>,
        %get3A_1465 = arith.constant 80 : index
        %get3A_1466 = tpu.vector_load %arg14[%get3A_1465] {strides = array<i32>} : memref<112xf32, #tpu.memory_space<vmem>>, vector<16xf32>,
        %get3A_1467 = arith.constant 80 : index
        %get3A_1468 = tpu.vector_load %arg15[%get3A_1467] {strides = array<i32>} : memref<112xf32, #tpu.memory_space<vmem>>, vector<16xf32>,
        %max3A_1469 = arith.maximumf %get3A_1460, %gather3A_1281 : vector<16xf32>
        %max3A_1470 = arith.maximumf %get3A_1462, %gather3A_1285 : vector<16xf32>
        %min3A_1471 = arith.minimumf %get3A_1464, %gather3A_1289 : vector<16xf32>
        %min3A_1472 = arith.minimumf %get3A_1466, %gather3A_1293 : vector<16xf32>
        %sub3A_1473 = arith.subf %min3A_1471, %max3A_1469 : vector<16xf32>
        %max3A_1474 = arith.constant 0.000000e+00 : f32
        %max3A_1475 = vector.broadcast %max3A_1474 : f32 to vector<16xf32>
        %max3A_1476 = arith.maximumf %sub3A_1473, %max3A_1475 : vector<16xf32>
        %sub3A_1477 = arith.subf %min3A_1472, %max3A_1470 : vector<16xf32>
        %max3A_1478 = arith.constant 0.000000e+00 : f32
        %max3A_1479 = vector.broadcast %max3A_1478 : f32 to vector<16xf32>
        %max3A_1480 = arith.maximumf %sub3A_1477, %max3A_1479 : vector<16xf32>
        %mul3A_1481 = arith.mulf %max3A_1476, %max3A_1480 : vector<16xf32>
        %add3A_1482 = arith.addf %get3A_1468, %mul3A_1295 : vector<16xf32>
        %sub3A_1483 = arith.subf %add3A_1482, %mul3A_1481 : vector<16xf32>
        %add3A_1484 = arith.constant 9.99999993E-9 : f32
        %add3A_1485 = vector.broadcast %add3A_1484 : f32 to vector<16xf32>
        %add3A_1486 = arith.addf %sub3A_1483, %add3A_1485 : vector<16xf32>
        %div3A_1487 = arith.divf %mul3A_1481, %add3A_1486 : vector<16xf32>
        %ge3A_1488 = arith.constant 5.000000e-01 : f32
        %ge3A_1489 = vector.broadcast %ge3A_1488 : f32 to vector<16xf32>
        %ge3A_1490 = arith.cmpf oge, %div3A_1487, %ge3A_1489 : vector<16xf32>
        %or3A_1491 = arith.ori %or3A_1458, %ge3A_1490 : vector<16xi1>
        %get3A_1492 = arith.constant 96 : index
        %get3A_1493 = tpu.vector_load %arg11[%get3A_1492] {strides = array<i32>} : memref<112xf32, #tpu.memory_space<vmem>>, vector<16xf32>,
        %get3A_1494 = arith.constant 96 : index
        %get3A_1495 = tpu.vector_load %arg12[%get3A_1494] {strides = array<i32>} : memref<112xf32, #tpu.memory_space<vmem>>, vector<16xf32>,
        %get3A_1496 = arith.constant 96 : index
        %get3A_1497 = tpu.vector_load %arg13[%get3A_1496] {strides = array<i32>} : memref<112xf32, #tpu.memory_space<vmem>>, vector<16xf32>,
        %get3A_1498 = arith.constant 96 : index
        %get3A_1499 = tpu.vector_load %arg14[%get3A_1498] {strides = array<i32>} : memref<112xf32, #tpu.memory_space<vmem>>, vector<16xf32>,
        %get3A_1500 = arith.constant 96 : index
        %get3A_1501 = tpu.vector_load %arg15[%get3A_1500] {strides = array<i32>} : memref<112xf32, #tpu.memory_space<vmem>>, vector<16xf32>,
        %max3A_1502 = arith.maximumf %get3A_1493, %gather3A_1281 : vector<16xf32>
        %max3A_1503 = arith.maximumf %get3A_1495, %gather3A_1285 : vector<16xf32>
        %min3A_1504 = arith.minimumf %get3A_1497, %gather3A_1289 : vector<16xf32>
        %min3A_1505 = arith.minimumf %get3A_1499, %gather3A_1293 : vector<16xf32>
        %sub3A_1506 = arith.subf %min3A_1504, %max3A_1502 : vector<16xf32>
        %max3A_1507 = arith.constant 0.000000e+00 : f32
        %max3A_1508 = vector.broadcast %max3A_1507 : f32 to vector<16xf32>
        %max3A_1509 = arith.maximumf %sub3A_1506, %max3A_1508 : vector<16xf32>
        %sub3A_1510 = arith.subf %min3A_1505, %max3A_1503 : vector<16xf32>
        %max3A_1511 = arith.constant 0.000000e+00 : f32
        %max3A_1512 = vector.broadcast %max3A_1511 : f32 to vector<16xf32>
        %max3A_1513 = arith.maximumf %sub3A_1510, %max3A_1512 : vector<16xf32>
        %mul3A_1514 = arith.mulf %max3A_1509, %max3A_1513 : vector<16xf32>
        %add3A_1515 = arith.addf %get3A_1501, %mul3A_1295 : vector<16xf32>
        %sub3A_1516 = arith.subf %add3A_1515, %mul3A_1514 : vector<16xf32>
        %add3A_1517 = arith.constant 9.99999993E-9 : f32
        %add3A_1518 = vector.broadcast %add3A_1517 : f32 to vector<16xf32>
        %add3A_1519 = arith.addf %sub3A_1516, %add3A_1518 : vector<16xf32>
        %div3A_1520 = arith.divf %mul3A_1514, %add3A_1519 : vector<16xf32>
        %ge3A_1521 = arith.constant 5.000000e-01 : f32
        %ge3A_1522 = vector.broadcast %ge3A_1521 : f32 to vector<16xf32>
        %ge3A_1523 = arith.cmpf oge, %div3A_1520, %ge3A_1522 : vector<16xf32>
        %or3A_1524 = arith.ori %or3A_1491, %ge3A_1523 : vector<16xi1>
        %reduce_or3A_1525 = arith.constant 1.000000e+00 : f32
        %reduce_or3A_1526 = arith.constant 0.000000e+00 : f32
        %reduce_or3A_1527 = vector.broadcast %reduce_or3A_1525 : f32 to vector<16xf32>
        %reduce_or3A_1528 = vector.broadcast %reduce_or3A_1526 : f32 to vector<16xf32>
        %reduce_or3A_1529 = arith.select %or3A_1524, %reduce_or3A_1527, %reduce_or3A_1528 : vector<16xi1>, vector<16xf32>
        %reduce_or3A_1530 = arith.constant true
        %reduce_or3A_1531 = vector.broadcast %reduce_or3A_1530 : i1 to vector<16xi1>
        %reduce_or3A_1532 = tpu.scan <max>, %reduce_or3A_1529 masked %reduce_or3A_1531 : vector<16xf32>, vector<16xi1> -> vector<16xf32>
        %reduce_or3A_1533 = vector.extract %reduce_or3A_1532[15] : f32 from vector<16xf32>
        %reduce_or3A_1534 = arith.constant 0.000000e+00 : f32
        %reduce_or3A_1535 = arith.cmpf ogt, %reduce_or3A_1533, %reduce_or3A_1534 : f32
        %not3A = arith.constant true
        %not3A_1536 = arith.xori %reduce_or3A_1535, %not3A : i1
        %convert_element_type3A_1537 = arith.extui %not3A_1536 : i1 to i32
        %cond3A_1538 = arith.constant 0 : i32
        %cond3A_1539 = arith.cmpi ne, %convert_element_type3A_1537, %cond3A_1538 : i32
        scf.if %cond3A_1539 {
          %broadcast_in_dim3A_1556 = vector.broadcast %while3A_1169 : i32 to vector<16xi32>
          tpu.vector_store_idx %arg11[%broadcast_in_dim3A_1556], %gather3A_1281 masked %eq3A_6 : memref<112xf32, #tpu.memory_space<vmem>>[vector<16xi32>], vector<16xf32>, vector<16xi1>
          tpu.vector_store_idx %arg12[%broadcast_in_dim3A_1556], %gather3A_1285 masked %eq3A_6 : memref<112xf32, #tpu.memory_space<vmem>>[vector<16xi32>], vector<16xf32>, vector<16xi1>
          tpu.vector_store_idx %arg13[%broadcast_in_dim3A_1556], %gather3A_1289 masked %eq3A_6 : memref<112xf32, #tpu.memory_space<vmem>>[vector<16xi32>], vector<16xf32>, vector<16xi1>
          tpu.vector_store_idx %arg14[%broadcast_in_dim3A_1556], %gather3A_1293 masked %eq3A_6 : memref<112xf32, #tpu.memory_space<vmem>>[vector<16xi32>], vector<16xf32>, vector<16xi1>
          tpu.vector_store_idx %arg15[%broadcast_in_dim3A_1556], %mul3A_1295 masked %eq3A_6 : memref<112xf32, #tpu.memory_space<vmem>>[vector<16xi32>], vector<16xf32>, vector<16xi1>
          %mul3A_1557 = arith.constant 4 : i32
          %mul3A_1558 = vector.broadcast %mul3A_1557 : i32 to vector<16xi32>
          %mul3A_1559 = arith.muli %broadcast_in_dim3A_1556, %mul3A_1558 : vector<16xi32>
          tpu.vector_store_idx %arg16[%mul3A_1559], %gather3A_1281 masked %eq3A_6 : memref<448xf32, #tpu.memory_space<vmem>>[vector<16xi32>], vector<16xf32>, vector<16xi1>
          %add3A_1560 = arith.constant 1 : i32
          %add3A_1561 = vector.broadcast %add3A_1560 : i32 to vector<16xi32>
          %add3A_1562 = arith.addi %mul3A_1559, %add3A_1561 : vector<16xi32>
          tpu.vector_store_idx %arg16[%add3A_1562], %gather3A_1285 masked %eq3A_6 : memref<448xf32, #tpu.memory_space<vmem>>[vector<16xi32>], vector<16xf32>, vector<16xi1>
          %add3A_1563 = arith.constant 2 : i32
          %add3A_1564 = vector.broadcast %add3A_1563 : i32 to vector<16xi32>
          %add3A_1565 = arith.addi %mul3A_1559, %add3A_1564 : vector<16xi32>
          tpu.vector_store_idx %arg16[%add3A_1565], %gather3A_1289 masked %eq3A_6 : memref<448xf32, #tpu.memory_space<vmem>>[vector<16xi32>], vector<16xf32>, vector<16xi1>
          %add3A_1566 = arith.constant 3 : i32
          %add3A_1567 = vector.broadcast %add3A_1566 : i32 to vector<16xi32>
          %add3A_1568 = arith.addi %mul3A_1559, %add3A_1567 : vector<16xi32>
          tpu.vector_store_idx %arg16[%add3A_1568], %gather3A_1293 masked %eq3A_6 : memref<448xf32, #tpu.memory_space<vmem>>[vector<16xi32>], vector<16xf32>, vector<16xi1>
          tpu.vector_store_idx %arg17[%broadcast_in_dim3A_1556], %while3A_1171 masked %eq3A_6 : memref<112xf32, #tpu.memory_space<vmem>>[vector<16xi32>], vector<16xf32>, vector<16xi1>
          tpu.vector_store_idx %arg18[%broadcast_in_dim3A_1556], %add3A_1222 masked %eq3A_6 : memref<112xi32, #tpu.memory_space<vmem>>[vector<16xi32>], vector<16xi32>, vector<16xi1>
        } else {
        }
        %convert_element_type3A_1540 = arith.extui %not3A_1536 : i1 to i32
        %add3A_1541 = arith.addi %while3A_1169, %convert_element_type3A_1540 : i32
        %ge3A_1542 = arith.constant 5.000000e-02 : f32
        %ge3A_1543 = vector.broadcast %ge3A_1542 : f32 to vector<16xf32>
        %ge3A_1544 = arith.cmpf oge, %gather3A_1277, %ge3A_1543 : vector<16xf32>
        %reduce_or3A_1545 = arith.constant 1.000000e+00 : f32
        %reduce_or3A_1546 = arith.constant 0.000000e+00 : f32
        %reduce_or3A_1547 = vector.broadcast %reduce_or3A_1545 : f32 to vector<16xf32>
        %reduce_or3A_1548 = vector.broadcast %reduce_or3A_1546 : f32 to vector<16xf32>
        %reduce_or3A_1549 = arith.select %ge3A_1544, %reduce_or3A_1547, %reduce_or3A_1548 : vector<16xi1>, vector<16xf32>
        %reduce_or3A_1550 = arith.constant true
        %reduce_or3A_1551 = vector.broadcast %reduce_or3A_1550 : i1 to vector<16xi1>
        %reduce_or3A_1552 = tpu.scan <max>, %reduce_or3A_1549 masked %reduce_or3A_1551 : vector<16xf32>, vector<16xi1> -> vector<16xf32>
        %reduce_or3A_1553 = vector.extract %reduce_or3A_1552[15] : f32 from vector<16xf32>
        %reduce_or3A_1554 = arith.constant 0.000000e+00 : f32
        %reduce_or3A_1555 = arith.cmpf ogt, %reduce_or3A_1553, %reduce_or3A_1554 : f32
        scf.yield %add3A_1541, %reduce_or3A_1555, %gather3A_1277, %select_n3A_1271, %select_n3A_1247, %select_n3A_1251, %select_n3A_1255, %select_n3A_1259, %select_n3A_1263 : i32, i1, vector<16xf32>, vector<16xf32>, vector<16xf32>, vector<16xf32>, vector<16xf32>, vector<16xf32>, vector<16xf32>
      }
      tpu.enqueue_dma source(%arg16 : memref<448xf32, #tpu.memory_space<vmem>>) target(%arg4 : memref<448xf32, #tpu.memory_space<hbm>>) target_semaphore(%arg19 : memref<!tpu.dma_semaphore, #tpu.memory_space<semaphore_mem>>)
      tpu.wait_dma2 semaphore(%arg19 : memref<!tpu.dma_semaphore, #tpu.memory_space<semaphore_mem>>) src(%arg16 : memref<448xf32, #tpu.memory_space<vmem>>) dst(%arg4 : memref<448xf32, #tpu.memory_space<hbm>>)
      tpu.enqueue_dma source(%arg17 : memref<112xf32, #tpu.memory_space<vmem>>) target(%arg5 : memref<112xf32, #tpu.memory_space<hbm>>) target_semaphore(%arg19 : memref<!tpu.dma_semaphore, #tpu.memory_space<semaphore_mem>>)
      tpu.enqueue_dma source(%arg18 : memref<112xi32, #tpu.memory_space<vmem>>) target(%arg6 : memref<112xi32, #tpu.memory_space<hbm>>) target_semaphore(%arg19 : memref<!tpu.dma_semaphore, #tpu.memory_space<semaphore_mem>>)
      tpu.wait_dma2 semaphore(%arg19 : memref<!tpu.dma_semaphore, #tpu.memory_space<semaphore_mem>>) src(%arg17 : memref<112xf32, #tpu.memory_space<vmem>>) dst(%arg5 : memref<112xf32, #tpu.memory_space<hbm>>)
      tpu.wait_dma2 semaphore(%arg19 : memref<!tpu.dma_semaphore, #tpu.memory_space<semaphore_mem>>) src(%arg18 : memref<112xi32, #tpu.memory_space<vmem>>) dst(%arg6 : memref<112xi32, #tpu.memory_space<hbm>>)
    } else {
    }
    return
  }
}

</mosaic_0001>

<sc_bundles>
// kernel: kernel.3.cloned.1.call-start
scs
__scs_entry_jumppad:
0x0: {  	(pc) =	sbr.rel $0x88, $3  }
0x1: {  	(tag) =	ssettag $0x0;
	lr =	simm.s32 $0x1  }
0x2: {  	[smem:$0x3F9F] =	sst lr;
	_ =	strace $0xD0000000  }
0x3: {  	_ = 	snop  }
0x4: {  	_ = 	snop  }
0x5: {  	_ = 	snop  }
0x6: {  	_ = 	snop  }
0x7: {  	_ = 	snop  }
__scs_overlays_trampoline_lowered:
0x8: {  	[smem:$0x3FAE] =	sst s0  }
0x9: {  	[smem:$0x3FAF] =	sst s1  }
0xa: {  	[smem:$0x3FB0] =	sst s2  }
0xb: {  	[smem:$0x3FB1] =	sst s3  }
0xc: {  	[smem:$0x3FB2] =	sst s4  }
0xd: {  	[smem:$0x3FB3] =	sst s5  }
0xe: {  	[smem:$0x3FB4] =	sst s6  }
0xf: {  	[smem:$0x3FB5] =	sst s7  }
0x10: {  	[smem:$0x3FB6] =	sst s8  }
0x11: {  	[smem:$0x3FB7] =	sst s9;
	s0 =	simm.s32 @!p0 $0x0  }
0x12: {  	s1 =	sld [smem:$0x3F9D];
	s0 =	simm.s32 @p0 $0x1  }
0x13: {  	[smem:$0x3FB8] =	sst s0;
	s0 =	simm.s32 @!p1 $0x0  }
0x14: {  	s2 =	sld [smem:$0x3F9C];
	s0 =	simm.s32 @p1 $0x1  }
0x15: {  	[smem:$0x3FB9] =	sst s0;
	s0 =	simm.s32 @!p2 $0x0  }
0x16: {  	s3 =	sld [smem:$0x3FDB];
	s0 =	simm.s32 @p2 $0x1  }
0x17: {  	s4 =	simm.s32 $0x1BF5;
	[smem:$0x3FBB] =	sst s0  }
0x18: {  	s0 =	sld [smem:$0x3F9E];
	_ =	swait.ge [sflag:s4], $0x0  }
0x19: {  	s7 =	sld [smem:$0x3F9F]  }
0x1a: {  	s8 =	sadd.s32 $0xFFFFE003, lr  }
0x1b: {  	s9 =	sadd.s32 $0xFFFFFEF7, lr;
	s5 =	simm.s32 $0xFFFFFFFF;
	p2 =	slt.u32 s8, $0xFFFFF086  }
0x1c: {  	p1 =	slt.u32 s9, $0xF7A;
	s5 =	simm.s32 @!p2 $0x0  }
0x1d: {  	s5 =	simm.s32 @p1 $0x1;
	p0 =	seq.s32 s7, s2  }
0x1e: {  	s7 =	smul.u32 @!p0 $0xF7A, s2;
	p2 =	seq.s32 @!p0 s5, $0x0  }
0x1f: {  	s9 =	smul.u32 $0xF7A, s1;
	s8 =	simm.s32 @!p0 $0x1BF5;
	p2 =	por !p2, p0  }
0x20: {  	[sflag:s8] =	ssyncset.s32 @!p0 $0xFFFFF086;
	s6 =	sadd.s32 @!p0 s3, s7;
	s7 =	simm.s32 @!p0 $0x108  }
0x21: {  	s3 =	sadd.s32 s3, s9;
	s6 =	sadd.s32 @!p0 $0x88, s6;
	s7 =	simm.s32 @p2 $0x1082  }
0x22: {  	[simem:s7], [sflag:s8] =	dma.local @!p0 [hbm:s6], $0xF7A  }
0x23: {  	s9 =	sor.u32 $0xD0000000, s2;
	s6 =	simm.s32 $0x108;
	_ =	swait.ge @!p0 [sflag:s8], $0x0  }
0x24: {  	s3 =	sadd.s32 $0x88, s3;
	s6 =	simm.s32 @!p1 $0x1082;
	[sflag:s4] =	ssyncset.s32 $0xFFFFF086  }
0x25: {  	[simem:s6], [sflag:s4] =	dma.local [hbm:s3], $0xF7A  }
0x26: {  	[smem:$0x3F9F] =	sst s1;
	(tag) =	ssettag s2;
	_ =	strace s9  }
0x27: {  	s1 =	sld [smem:$0x3FAF]  }
0x28: {  	s2 =	sld [smem:$0x3FB0]  }
0x29: {  	s4 =	sld [smem:$0x3FB2]  }
0x2a: {  	p0 =	seq.s32 s5, $0x0;
	s5 =	sld [smem:$0x3FB3]  }
0x2b: {  	s6 =	sld [smem:$0x3FB4]  }
0x2c: {  	s7 =	sld [smem:$0x3FB5]  }
0x2d: {  	s3 =	simm.s32 $0x108;
	s8 =	sld [smem:$0x3FB6]  }
0x2e: {  	s3 =	simm.s32 @!p0 $0x1082;
	s9 =	sld [smem:$0x3FB7]  }
0x2f: {  	lr =	sadd.s32 s0, s3;
	s0 =	sld [smem:$0x3FAE]  }
0x30: {  	s3 =	sld [smem:$0x3FB1]  }
0x31: {  	[smem:$0x3FBA] =	sst s10  }
0x32: {  	s10 =	sld [smem:$0x3FB8];
	_ =	sdelay $0x3  }
0x33: {  	p0 =	seq.s32 s10, $0x1;
	s10 =	sld [smem:$0x3FBA];
	_ =	sdelay $0x3  }
0x34: {  	[smem:$0x3FBA] =	sst s10  }
0x35: {  	s10 =	sld [smem:$0x3FB9];
	_ =	sdelay $0x3  }
0x36: {  	p1 =	seq.s32 s10, $0x1;
	s10 =	sld [smem:$0x3FBA];
	_ =	sdelay $0x3  }
0x37: {  	[smem:$0x3FBA] =	sst s10  }
0x38: {  	s10 =	sld [smem:$0x3FBB]  }
0x39: {  	_ = 	snop;
	(pc) =	sbr.ind lr, $3  }
0x3a: {  	_ = 	snop  }
0x3b: {  	_ = 	snop  }
0x3c: {  	p2 =	seq.s32 s10, $0x1;
	s10 =	sld [smem:$0x3FBA]  }
0x3d: {  	_ =	shalt  }
0x3e: {  	_ =	shalt  }
0x3f: {  	_ =	shalt  }
0x40: {  	_ =	shalt  }
0x41: {  	_ =	shalt  }
0x42: {  	_ =	shalt  }
0x43: {  	_ =	shalt  }
0x44: {  	_ =	shalt  }
0x45: {  	_ =	shalt  }
0x46: {  	_ =	shalt  }
0x47: {  	_ =	shalt  }
0x48: {  	_ =	shalt  }
0x49: {  	_ =	shalt  }
0x4a: {  	_ =	shalt  }
0x4b: {  	_ =	shalt  }
0x4c: {  	_ =	shalt  }
0x4d: {  	_ =	shalt  }
0x4e: {  	_ =	shalt  }
0x4f: {  	_ =	shalt  }
0x50: {  	_ =	shalt  }
0x51: {  	_ =	shalt  }
0x52: {  	_ =	shalt  }
0x53: {  	_ =	shalt  }
0x54: {  	_ =	shalt  }
0x55: {  	_ =	shalt  }
0x56: {  	_ =	shalt  }
0x57: {  	_ =	shalt  }
0x58: {  	_ =	shalt  }
0x59: {  	_ =	shalt  }
0x5a: {  	_ =	shalt  }
0x5b: {  	_ =	shalt  }
0x5c: {  	_ =	shalt  }
0x5d: {  	_ =	shalt  }
0x5e: {  	_ =	shalt  }
0x5f: {  	_ =	shalt  }
0x60: {  	_ =	shalt  }
0x61: {  	_ =	shalt  }
0x62: {  	_ =	shalt  }
0x63: {  	_ =	shalt  }
0x64: {  	_ =	shalt  }
0x65: {  	_ =	shalt  }
0x66: {  	_ =	shalt  }
0x67: {  	_ =	shalt  }
0x68: {  	_ =	shalt  }
0x69: {  	_ =	shalt  }
0x6a: {  	_ =	shalt  }
0x6b: {  	_ =	shalt  }
0x6c: {  	_ =	shalt  }
0x6d: {  	_ =	shalt  }
0x6e: {  	_ =	shalt  }
0x6f: {  	_ =	shalt  }
0x70: {  	_ =	shalt  }
0x71: {  	_ =	shalt  }
0x72: {  	_ =	shalt  }
0x73: {  	_ =	shalt  }
0x74: {  	_ =	shalt  }
0x75: {  	_ =	shalt  }
0x76: {  	_ =	shalt  }
0x77: {  	_ =	shalt  }
0x78: {  	_ =	shalt  }
0x79: {  	_ =	shalt  }
0x7a: {  	_ =	shalt  }
0x7b: {  	_ =	shalt  }
0x7c: {  	_ =	shalt  }
0x7d: {  	_ =	shalt  }
0x7e: {  	_ =	shalt  }
0x7f: {  	_ =	shalt  }
0x80: {  	_ =	shalt  }
0x81: {  	_ =	shalt  }
0x82: {  	_ =	shalt  }
0x83: {  	_ =	shalt  }
0x84: {  	_ =	shalt  }
0x85: {  	_ =	shalt  }
0x86: {  	_ =	shalt  }
0x87: {  	_ =	shalt  }
.Lfunc_end0:
.L_simem_size_0:
called_computation_lowered:
.L_overlay_start_0:
0x88: {  	s2 =	sld [smem:$0x3FD9]  }
0x89: {  	s3 =	sld [smem:$0x3FFE];
	_ =	sdelay $0x1  }
0x8a: {  	s1 =	srdreg.scid  }
0x8b: {  	s0 =	sand.u32 $0x1, s1  }
0x8c: {  	s14 =	sshll.u32 s0, $0xA;
	s2 =	sadd.s32 s3, s2  }
0x8d: {  	s2 =	sadd.s32 s2, s14  }
0x8e: {  	[smem:$0x3FC6] =	sst s2  }
0x8f: {  	_ = 	snop  }
0x90: {  	s2 =	sld [smem:$0x3FD0];
	_ =	sdelay $0x2  }
0x91: {  	s4 =	simm.s32 $0xA;
	s5 =	simm.s32 $0x10;
	s15 =	sld [smem:$0x3FC8]  }
0x92: {  	[smem:s5], [sflag:s4] =	dma.local [hbm:s2], $0x1  }
0x93: {  	_ =	swait.eq [sflag:s4], $0x1  }
0x94: {  	s16 =	sld [smem:$0x10];
	[sflag:s4] =	ssyncset.done $0x0  }
0x95: {  	s17 =	sld [smem:$0x11];
	[sflag:s4] =	ssyncadd.s32 $0xFFFFFFFF  }
0x96: {  	s18 =	sld [smem:$0x12];
	(tm) =	ssettm $0x1  }
0x97: {  	s6 =	sld [smem:$0x3FFB];
	_ =	sdelay $0x3  }
0x98: {  	_ =	strace s6  }
0x99: {  	s6 =	sld [smem:$0x3FFC];
	_ =	sdelay $0x3  }
0x9a: {  	_ =	strace s6  }
0x9b: {  	s6 =	sld [smem:$0x3FFD];
	_ =	sdelay $0x3  }
0x9c: {  	_ =	strace s6  }
0x9d: {  	_ =	strace $0x8FFFFFFF  }
0x9e: {  	s19 =	sld [smem:$0x3FDB];
	_ =	sdelay $0x1  }
0x9f: {  	s7 =	simm.s32 $_scs_section_size  }
0xa0: {  	s8 =	simm.s32 $_size__tile_overlayer_lowered;
	s9 =	simm.s32 $_tile_overlayer_lowered  }
0xa1: {  	s22 =	simm.s32 $0x1BFF;
	s21 =	sshll.u32 s9, $0x1;
	s6 =	sadd.s32 s7, s19  }
0xa2: {  	s10 =	simm.s32 $0x0;
	s20 =	sshll.u32 s8, $0x1;
	s8 =	sadd.s32 s21, s6  }
0xa3: {  	[timem:s10], [sflag:s22] =	dma.local [hbm:s8], s20  }
0xa4: {  	_ =	swait.ge [sflag:s22], s20  }
0xa5: {  	s7 =	ssub.s32 $0x0, s20;
	[sflag:s22] =	ssyncset.done $0x0  }
0xa6: {  	[sflag:s22] =	ssyncadd.s32 s7;
	_ =	sdelay $0x1  }
0xa7: {  	s23 =	simm.s32 $0x1B8B  }
0xa8: {  	_ =	swait.ge [sflag:s23], $0x1  }
0xa9: {  	[sflag:s23] =	ssyncset.done $0x0  }
0xaa: {  	s25 =	simm.s32 $0x1B8E;
	s24 =	sld [smem:$0x3FFE];
	[sflag:s23] =	ssyncadd.s32 $0xFFFFFFFF  }
0xab: {  	s26 =	simm.s32 $execute0_lowered;
	[smem:$0x3FD2] =	sst s25  }
0xac: {  	s8 =	sshll.u32 s26, $0x1;
	_ =	strace $0x80000046;
	[dreg:$0x1] =	wrdreg $0xFFFFFFFF  }
0xad: {  	s28 =	simm.s32 $_size_execute0_lowered;
	s6 =	sadd.s32 s6, s8;
	[dreg:$0x0] =	wrdreg $0x0  }
0xae: {  	s8 =	sshll.u32 s28, $0x1;
	[dreg:$0x2] =	wrdreg s6  }
0xaf: {  	[dreg:$0x3] =	wrdreg s8  }
0xb0: {  	[dreg:$0x4] =	wrdreg $0xC0  }
0xb1: {  	_ =	task [dreg:s10], $0x5FFFF  }
0xb2: {  	[dreg:$0x1] =	wrdreg $0xFFFFFFFF  }
0xb3: {  	[dreg:$0x0] =	wrdreg $0x60  }
0xb4: {  	[dreg:$0x2] =	wrdreg s24  }
0xb5: {  	[dreg:$0x3] =	wrdreg s15  }
0xb6: {  	[dreg:$0x4] =	wrdreg s16  }
0xb7: {  	[dreg:$0x5] =	wrdreg s17  }
0xb8: {  	[dreg:$0x6] =	wrdreg s18  }
0xb9: {  	[dreg:$0x7] =	wrdreg $0x9  }
0xba: {  	_ =	task.clear_ibuf [dreg:s10], $0x8FFFF;
	_ =	strace $0x90000046  }
0xbb: {  	s29 =	simm.s32 $0x9;
	_ =	strace $0x80000048  }
0xbc: {  	_ =	swait.ge [sflag:s29], $0x1  }
0xbd: {  	[sflag:s29] =	ssyncadd.s32 $0xFFFFFFFF  }
0xbe: {  	_ =	strace $0x90000048  }
0xbf: {  	_ =	sfence  }
0xc0: {  	s30 =	sld [smem:$0x0];
	_ =	sdelay $0x2  }
0xc1: {  	s31 =	sshll.u32 s1, $0xD;
	s1 =	sshrl.u32 s1, $0x2  }
0xc2: {  	s3 =	sand.u32 $0x4000, s31;
	s1 =	sadd.s32 s1, s30  }
0xc3: {  	s0 =	sor.u32 s3, s0;
	s1 =	sshll.u32 s1, $0x11  }
0xc4: {  	s0 =	sor.u32 s1, s0  }
0xc5: {  	s0 =	sadd.s32 $0x8F2B, s0  }
0xc6: {  	[sflag:s0] =	ssyncadd.remote.s32 $0x1  }
0xc7: {  	_ =	sfence.sel $0xFFFF  }
0xc8: {  	[dreg:$0x0] =	wrdreg $0xFFFFFFFF;
	(pc) =	sbr.abs _section_cstart, $3  }
0xc9: {  	[dreg:$0x1] =	wrdreg $0xFFFFFFFF  }
0xca: {  	_ =	task.clear_ibuf [dreg:s10], $0x2FFFF;
	_ =	strace $0x9FFFFFFF  }
0xcb: {  	(tm) =	ssettm $0x7FFFFFFF  }
tec
execute0_lowered:
.L_overlay_start_1:
0x0: {  	(tag) =	ssettag $0x1  }
0x1: {  	s1 =	srdreg.scid  }
0x2: {  	s7 =	sand.u32 $0x1, s1;
	s1 =	stileid.u32  }
0x3: {  	s8 =	sor.u32 s1, s7  }
0x4: {  	s6 =	rddreg [dreg:$0x0];
	p0 =	sne.s32 s8, $0x0  }
.Ltmp0:
0x5: {  	s0 =	rddreg [dreg:$0x1];
	(pc) =	sbr.rel @!p0 .LBB2_1-.Ltmp0, $4  }
0x6: {  	s2 =	rddreg [dreg:$0x2]  }
0x7: {  	s4 =	rddreg [dreg:$0x3]  }
0x8: {  	s5 =	rddreg [dreg:$0x4]  }
0x9: {  	s3 =	rddreg [dreg:$0x5];
	_ =	strace $0x80000047  }
.LBB2_7:
0xa: {  	_ =	sfence.sel $0x180000  }
0xb: {  	[bflag:$0x0] =	sbarrier.arrive $0xFFFF  }
0xc: {  	p0 =	sne.s32 s1, $0x0;
	_ =	strace $0x90000047  }
0xd: {  	s0 =	sadd.s32 @!p0 $0x100000, s3;
	[bflag:$0x2] =	sbarrier.arrive $0xFFFF  }
0xe: {  	[sflag:s0] =	ssyncadd.tile.s32 @!p0 $0x1;
	_ =	shalt  }
.LBB2_1:
0xf: {  	v0 =	vlaneseq.u32  }
0x10: {  	v1 =	vmul.u32 $0x10, v0  }
0x11: {  	v2 =	vand.u32 $0x7, v0  }
0x12: {  	v23 =	vmul.u32 $0x10, v2;
	v2 =	vor.u32 $0x100, v1  }
0x13: {  	[tilespmem:$0x1FDA0] =	vst v2;
	v2 =	vor.u32 $0x101, v1  }
0x14: {  	[tilespmem:$0x1FDB0] =	vst v2;
	v2 =	vor.u32 $0x102, v1  }
0x15: {  	[tilespmem:$0x1FDC0] =	vst v2;
	v2 =	vor.u32 $0x103, v1  }
0x16: {  	[tilespmem:$0x1FDD0] =	vst v2;
	v2 =	vor.u32 $0x104, v1  }
0x17: {  	[tilespmem:$0x1FDE0] =	vst v2;
	v2 =	vor.u32 $0x105, v1  }
0x18: {  	[tilespmem:$0x1FDF0] =	vst v2;
	v2 =	vor.u32 $0x106, v1  }
0x19: {  	[tilespmem:$0x1FE00] =	vst v2;
	v2 =	vor.u32 $0x107, v1  }
0x1a: {  	[tilespmem:$0x1FE10] =	vst v2;
	v2 =	vor.u32 $0x108, v1  }
0x1b: {  	[tilespmem:$0x1FE20] =	vst v2;
	v2 =	vor.u32 $0x109, v1  }
0x1c: {  	[tilespmem:$0x1FE30] =	vst v2;
	v2 =	vor.u32 $0x10A, v1  }
0x1d: {  	[tilespmem:$0x1FE40] =	vst v2;
	v2 =	vor.u32 $0x10B, v1  }
0x1e: {  	[tilespmem:$0x1FE50] =	vst v2;
	v2 =	vor.u32 $0x10C, v1  }
0x1f: {  	[tilespmem:$0x1FE60] =	vst v2;
	v2 =	vor.u32 $0x10D, v1  }
0x20: {  	[tilespmem:$0x1FE70] =	vst v2;
	v2 =	vor.u32 $0x10E, v1  }
0x21: {  	[tilespmem:$0x1FE80] =	vst v2;
	v2 =	vor.u32 $0x10F, v1  }
0x22: {  	[tilespmem:$0x1FE90] =	vst v2;
	v2 =	vor.u32 $0x200, v1  }
0x23: {  	[tilespmem:$0x1FEA0] =	vst v2;
	v2 =	vor.u32 $0x201, v1  }
0x24: {  	[tilespmem:$0x1FEB0] =	vst v2;
	v2 =	vor.u32 $0x202, v1  }
0x25: {  	[tilespmem:$0x1FEC0] =	vst v2;
	v2 =	vor.u32 $0x203, v1  }
0x26: {  	[tilespmem:$0x1FED0] =	vst v2;
	v2 =	vor.u32 $0x204, v1  }
0x27: {  	[tilespmem:$0x1FEE0] =	vst v2;
	v2 =	vor.u32 $0x205, v1  }
0x28: {  	[tilespmem:$0x1FEF0] =	vst v2;
	v2 =	vor.u32 $0x206, v1  }
0x29: {  	[tilespmem:$0x1FF00] =	vst v2;
	v2 =	vor.u32 $0x207, v1  }
0x2a: {  	[tilespmem:$0x1FF10] =	vst v2;
	v2 =	vor.u32 $0x208, v1  }
0x2b: {  	[tilespmem:$0x1FF20] =	vst v2;
	v2 =	vor.u32 $0x209, v1  }
0x2c: {  	v54 =	vimm.f32 $-1.000000000e+00;
	v3 =	vimm.f32 $0.0e+00;
	[tilespmem:$0x1FF30] =	vst v2;
	v2 =	vor.u32 $0x20A, v1  }
0x2d: {  	v24 =	vimm.s32 $0xF;
	vm0 =	vmmov $0x1;
	[tilespmem:$0x1FF40] =	vst v2;
	v2 =	vor.u32 $0x20B, v1  }
0x2e: {  	vm1 =	vcmask $0x314;
	vm2 =	vcmask $0x714;
	[tilespmem:$0x1FF50] =	vst v2;
	v2 =	vor.u32 $0x20C, v1  }
0x2f: {  	vm3 =	vcmask $0xB14;
	vm4 =	vcmask $0xF14;
	[tilespmem:$0x1FF60] =	vst v2;
	v2 =	vor.u32 $0x20D, v1  }
0x30: {  	v6 =	vor.u32 $0x1, v1;
	v7 =	vor.u32 $0x2, v1;
	[tilespmem:$0x1FF70] =	vst v2;
	v2 =	vor.u32 $0x20E, v1  }
0x31: {  	v8 =	vor.u32 $0x3, v1;
	v9 =	vor.u32 $0x4, v1;
	[tilespmem:$0x1FF80] =	vst v2;
	v2 =	vor.u32 $0x20F, v1  }
0x32: {  	v10 =	vor.u32 $0x5, v1;
	v11 =	vor.u32 $0x6, v1;
	[tilespmem:$0x1FF90] =	vst v2;
	v2 =	vor.u32 $0x300, v1  }
0x33: {  	v12 =	vor.u32 $0x7, v1;
	v13 =	vor.u32 $0x8, v1;
	[tilespmem:$0x1FFA0] =	vst v2;
	v2 =	vor.u32 $0x301, v1  }
.Ltmp1:
0x34: {  	s7 =	ssub.s32 $0x2, s7;
	v14 =	vor.u32 $0x9, v1;
	v15 =	vor.u32 $0xA, v1;
	[tilespmem:$0x1FFB0] =	vst v2;
	v2 =	vor.u32 $0x302, v1;
	(pc) =	sbr.rel .LBB2_2-.Ltmp1, $4  }
0x35: {  	s6 =	sadd.s32 $0x800, s6;
	s9 =	simm.s32 $0x13880;
	s10 =	simm.s32 $0x2;
	v16 =	vor.u32 $0xB, v1;
	v17 =	vor.u32 $0xC, v1;
	[tilespmem:$0x1FFC0] =	vst v2;
	v2 =	vor.u32 $0x303, v1  }
0x36: {  	s11 =	simm.s32 $0x18880;
	s12 =	simm.s32 $0x1;
	s13 =	simm.s32 $0x19000;
	v18 =	vor.u32 $0xD, v1;
	v19 =	vor.u32 $0xE, v1;
	[tilespmem:$0x1FFD0] =	vst v2;
	v2 =	vor.u32 $0x304, v1  }
0x37: {  	s14 =	simm.s32 $0x19200;
	s15 =	simm.s32 $0x19280;
	s8 =	sshrl.u32 s7, $0x1;
	v20 =	vor.u32 $0xF, v1;
	v5 =	vor.u32 $0xFFFFFC80, v23;
	[tilespmem:$0x1FFE0] =	vst v2;
	v2 =	vor.u32 $0x305, v1  }
0x38: {  	s16 =	simm.s32 $0x0;
	s7 =	ssub.s32 s7, s8;
	s8 =	simm.s32 $0x0;
	v21 =	vor.u32 $0xFFFFFD80, v23;
	v22 =	vor.u32 $0xFFFFFE80, v23;
	v23 =	vor.u32 $0xFFFFFF80, v23;
	[tilespmem:$0x1FFF0] =	vst v2  }
.LBB2_6:
0x39: {  	[hbm4b:s2+s8] =	stream.linear.scatter [tilespmem:s13], [sflag:$0x1], $0x200, $0x38;
	[tilespmem:$0x19300] =	vst v63  }
0x3a: {  	_ =	swait.ge [sflag:s12], $0x200  }
0x3b: {  	[sflag:s12] =	ssyncset.done $0x0  }
0x3c: {  	[sflag:s12] =	ssyncadd.s32 $0xFFFFFE00  }
0x3d: {  	[hbm4b:s4+s8] =	stream.linear.scatter [tilespmem:s14], [sflag:$0x1], $0x80, $0x38;
	[tilespmem:$0x19300] =	vst v63  }
0x3e: {  	s16 =	sadd.s32 $0x1, s16  }
0x3f: {  	[hbm4b:s5+s8] =	stream.linear.scatter [tilespmem:s15], [sflag:$0x1], $0x80, $0x38;
	[tilespmem:$0x19300] =	vst v63  }
0x40: {  	p0 =	sne.s32 s16, s7;
	_ =	swait.ge [sflag:s12], $0x80  }
.Ltmp2:
0x41: {  	[sflag:s12] =	ssyncset.done $0x0;
	(pc) =	sbr.rel @!p0 .LBB2_7-.Ltmp2, $4  }
0x42: {  	[sflag:s12] =	ssyncadd.s32 $0xFFFFFF80  }
0x43: {  	_ =	swait.ge [sflag:s12], $0x80  }
0x44: {  	[sflag:s12] =	ssyncset.done $0x0  }
0x45: {  	[sflag:s12] =	ssyncadd.s32 $0xFFFFFF80  }
.LBB2_2:
0x46: {  	[tilespmem:s8], [sflag:$0x1] =	stream.linear.gather [hbm4b:s6+s8], $0x13880, $0x38;
	[tilespmem:$0x19300] =	vst v63  }
0x47: {  	_ = 	snop  }
0x48: {  	[tilespmem:s9], [sflag:$0x2] =	stream.linear.gather [hbm4b:s0+s8], $0x4E20, $0x38;
	[tilespmem:$0x19300] =	vst v63  }
0x49: {  	_ =	swait.ge [sflag:s10], $0x4E20  }
0x4a: {  	[sflag:s10] =	ssyncset.done $0x0  }
0x4b: {  	[sflag:s10] =	ssyncadd.s32 $0xFFFFB1E0  }
0x4c: {  	[tilespmem:$0x186A0] =	vst v54  }
0x4d: {  	[tilespmem:$0x186B0] =	vst v54  }
0x4e: {  	[tilespmem:$0x186C0] =	vst v54  }
0x4f: {  	[tilespmem:$0x186D0] =	vst v54  }
0x50: {  	[tilespmem:$0x186E0] =	vst v54  }
0x51: {  	[tilespmem:$0x186F0] =	vst v54  }
0x52: {  	[tilespmem:$0x18700] =	vst v54  }
0x53: {  	[tilespmem:$0x18710] =	vst v54  }
0x54: {  	[tilespmem:$0x18720] =	vst v54  }
0x55: {  	[tilespmem:$0x18730] =	vst v54  }
0x56: {  	[tilespmem:$0x18740] =	vst v54  }
0x57: {  	[tilespmem:$0x18750] =	vst v54  }
0x58: {  	[tilespmem:$0x18760] =	vst v54  }
0x59: {  	[tilespmem:$0x18770] =	vst v54  }
0x5a: {  	[tilespmem:$0x18780] =	vst v54  }
0x5b: {  	[tilespmem:$0x18790] =	vst v54  }
0x5c: {  	[tilespmem:$0x187A0] =	vst v54  }
0x5d: {  	[tilespmem:$0x187B0] =	vst v54  }
0x5e: {  	[tilespmem:$0x187C0] =	vst v54  }
0x5f: {  	[tilespmem:$0x187D0] =	vst v54  }
0x60: {  	[tilespmem:$0x187E0] =	vst v54  }
0x61: {  	[tilespmem:$0x187F0] =	vst v54  }
0x62: {  	[tilespmem:$0x18800] =	vst v54  }
0x63: {  	[tilespmem:$0x18810] =	vst v54  }
0x64: {  	[tilespmem:$0x18820] =	vst v54  }
0x65: {  	[tilespmem:$0x18830] =	vst v54  }
0x66: {  	[tilespmem:$0x18840] =	vst v54  }
0x67: {  	[tilespmem:$0x18850] =	vst v54  }
0x68: {  	[tilespmem:$0x18860] =	vst v54  }
0x69: {  	[tilespmem:$0x18870] =	vst v54  }
0x6a: {  	[tilespmem:$0x18D80] =	vst v3  }
0x6b: {  	[tilespmem:$0x18E00] =	vst v3  }
0x6c: {  	[tilespmem:$0x18E80] =	vst v3  }
0x6d: {  	[tilespmem:$0x18F00] =	vst v3  }
0x6e: {  	[tilespmem:$0x18F80] =	vst v3  }
0x6f: {  	v2 =	vimm.s32 $0xFFFFFFFF;
	[tilespmem:$0x19200] =	vst v3  }
0x70: {  	[tilespmem:$0x19280] =	vst v2  }
0x71: {  	[tilespmem:$0x18D90] =	vst v3  }
0x72: {  	[tilespmem:$0x18E10] =	vst v3  }
0x73: {  	[tilespmem:$0x18E90] =	vst v3  }
0x74: {  	[tilespmem:$0x18F10] =	vst v3  }
0x75: {  	[tilespmem:$0x18F90] =	vst v3  }
0x76: {  	[tilespmem:$0x19210] =	vst v3  }
0x77: {  	[tilespmem:$0x19290] =	vst v2  }
0x78: {  	[tilespmem:$0x18DA0] =	vst v3  }
0x79: {  	[tilespmem:$0x18E20] =	vst v3  }
0x7a: {  	[tilespmem:$0x18EA0] =	vst v3  }
0x7b: {  	[tilespmem:$0x18F20] =	vst v3  }
0x7c: {  	[tilespmem:$0x18FA0] =	vst v3  }
0x7d: {  	[tilespmem:$0x19220] =	vst v3  }
0x7e: {  	[tilespmem:$0x192A0] =	vst v2  }
0x7f: {  	[tilespmem:$0x18DB0] =	vst v3  }
0x80: {  	[tilespmem:$0x18E30] =	vst v3  }
0x81: {  	[tilespmem:$0x18EB0] =	vst v3  }
0x82: {  	[tilespmem:$0x18F30] =	vst v3  }
0x83: {  	[tilespmem:$0x18FB0] =	vst v3  }
0x84: {  	[tilespmem:$0x19230] =	vst v3  }
0x85: {  	[tilespmem:$0x192B0] =	vst v2  }
0x86: {  	[tilespmem:$0x18DC0] =	vst v3  }
0x87: {  	[tilespmem:$0x18E40] =	vst v3  }
0x88: {  	[tilespmem:$0x18EC0] =	vst v3  }
0x89: {  	[tilespmem:$0x18F40] =	vst v3  }
0x8a: {  	[tilespmem:$0x18FC0] =	vst v3  }
0x8b: {  	[tilespmem:$0x19240] =	vst v3  }
0x8c: {  	[tilespmem:$0x192C0] =	vst v2  }
0x8d: {  	[tilespmem:$0x18DD0] =	vst v3  }
0x8e: {  	[tilespmem:$0x18E50] =	vst v3  }
0x8f: {  	[tilespmem:$0x18ED0] =	vst v3  }
0x90: {  	[tilespmem:$0x18F50] =	vst v3  }
0x91: {  	[tilespmem:$0x18FD0] =	vst v3  }
0x92: {  	[tilespmem:$0x19250] =	vst v3  }
0x93: {  	[tilespmem:$0x192D0] =	vst v2  }
0x94: {  	[tilespmem:$0x18DE0] =	vst v3  }
0x95: {  	[tilespmem:$0x18E60] =	vst v3  }
0x96: {  	[tilespmem:$0x18EE0] =	vst v3  }
0x97: {  	[tilespmem:$0x18F60] =	vst v3  }
0x98: {  	[tilespmem:$0x18FE0] =	vst v3  }
0x99: {  	[tilespmem:$0x19260] =	vst v3  }
0x9a: {  	[tilespmem:$0x192E0] =	vst v2  }
0x9b: {  	[tilespmem:$0x19000] =	vst v3  }
0x9c: {  	[tilespmem:$0x19010] =	vst v3  }
0x9d: {  	[tilespmem:$0x19020] =	vst v3  }
0x9e: {  	[tilespmem:$0x19030] =	vst v3  }
0x9f: {  	[tilespmem:$0x19040] =	vst v3  }
0xa0: {  	[tilespmem:$0x19050] =	vst v3  }
0xa1: {  	[tilespmem:$0x19060] =	vst v3  }
0xa2: {  	[tilespmem:$0x19070] =	vst v3  }
0xa3: {  	[tilespmem:$0x19080] =	vst v3  }
0xa4: {  	[tilespmem:$0x19090] =	vst v3  }
0xa5: {  	[tilespmem:$0x190A0] =	vst v3  }
0xa6: {  	[tilespmem:$0x190B0] =	vst v3  }
0xa7: {  	[tilespmem:$0x190C0] =	vst v3  }
0xa8: {  	[tilespmem:$0x190D0] =	vst v3  }
0xa9: {  	[tilespmem:$0x190E0] =	vst v3  }
0xaa: {  	[tilespmem:$0x190F0] =	vst v3  }
0xab: {  	[tilespmem:$0x19100] =	vst v3  }
0xac: {  	[tilespmem:$0x19110] =	vst v3  }
0xad: {  	[tilespmem:$0x19120] =	vst v3  }
0xae: {  	[tilespmem:$0x19130] =	vst v3  }
0xaf: {  	[tilespmem:$0x19140] =	vst v3  }
0xb0: {  	[tilespmem:$0x19150] =	vst v3  }
0xb1: {  	v25 =	vor.u32 s8, v1;
	[tilespmem:$0x19160] =	vst v3  }
0xb2: {  	v25 =	vand.u32 v5, v25;
	[tilespmem:$0x19170] =	vst v3  }
0xb3: {  	v26 =	vor.u32 s8, v6;
	[tilespmem:$0x19180] =	vst v3  }
0xb4: {  	v27 =	vor.u32 s8, v7;
	[tilespmem:$0x19190] =	vst v3  }
0xb5: {  	v28 =	vor.u32 s8, v8;
	[tilespmem:$0x191A0] =	vst v3  }
0xb6: {  	v29 =	vor.u32 s8, v9;
	[tilespmem:$0x191B0] =	vst v3  }
0xb7: {  	v30 =	vor.u32 s8, v10;
	v25 =	vld.idx.msk [tilespmem:v25+s9+$0x0], $0xffff  }
0xb8: {  	v31 =	vor.u32 s8, v11;
	v26 =	vld.idx.msk [tilespmem:v26+s9+$0x0], $0xffff  }
0xb9: {  	v32 =	vor.u32 s8, v12;
	v27 =	vld.idx.msk [tilespmem:v27+s9+$0x0], $0xffff  }
0xba: {  	v33 =	vor.u32 s8, v13;
	v28 =	vld.idx.msk [tilespmem:v28+s9+$0x0], $0xffff  }
0xbb: {  	v34 =	vor.u32 s8, v14;
	v29 =	vld.idx.msk [tilespmem:v29+s9+$0x0], $0xffff  }
0xbc: {  	v35 =	vor.u32 s8, v15;
	v30 =	vld.idx.msk [tilespmem:v30+s9+$0x0], $0xffff  }
0xbd: {  	v36 =	vor.u32 s8, v16;
	v31 =	vld.idx.msk [tilespmem:v31+s9+$0x0], $0xffff;
	v25 =	vmax.f32 v25, v26  }
0xbe: {  	v58 =	vor.u32 s8, v17;
	v26 =	vld.idx.msk [tilespmem:v32+s9+$0x0], $0xffff;
	v25 =	vmax.f32 v25, v27  }
0xbf: {  	v59 =	vor.u32 s8, v18;
	v27 =	vld.idx.msk [tilespmem:v33+s9+$0x0], $0xffff;
	v25 =	vmax.f32 v25, v28  }
0xc0: {  	v60 =	vor.u32 s8, v19;
	v28 =	vld.idx.msk [tilespmem:v34+s9+$0x0], $0xffff;
	v25 =	vmax.f32 v25, v29  }
0xc1: {  	v61 =	vor.u32 s8, v20;
	v29 =	vld.idx.msk [tilespmem:v35+s9+$0x0], $0xffff;
	v25 =	vmax.f32 v25, v30  }
0xc2: {  	v30 =	vld.idx.msk [tilespmem:v36+s9+$0x0], $0xffff;
	v25 =	vmax.f32 v25, v31  }
0xc3: {  	v31 =	vld.idx.msk [tilespmem:v58+s9+$0x0], $0xffff;
	v25 =	vmax.f32 v25, v26  }
0xc4: {  	v26 =	vld.idx.msk [tilespmem:v59+s9+$0x0], $0xffff;
	v25 =	vmax.f32 v25, v27  }
0xc5: {  	v27 =	vld.idx.msk [tilespmem:v60+s9+$0x0], $0xffff;
	v25 =	vmax.f32 v25, v28  }
0xc6: {  	s18 =	simm.s32 $0x100;
	v28 =	vld.idx.msk [tilespmem:v61+s9+$0x0], $0xffff;
	v25 =	vmax.f32 v25, v29  }
0xc7: {  	v29 =	vor.u32 s18, v1;
	v25 =	vmax.f32 v25, v30  }
0xc8: {  	v29 =	vand.u32 v21, v29;
	v25 =	vmax.f32 v25, v31  }
0xc9: {  	v25 =	vmax.f32 v25, v26;
	v26 =	vor.u32 s18, v6  }
0xca: {  	v25 =	vmax.f32 v25, v27;
	v27 =	vor.u32 s18, v7  }
0xcb: {  	s17 =	simm.s32 $0x188A0;
	v25 =	vmax.f32 v25, v28;
	v28 =	vor.u32 s18, v8  }
0xcc: {  	[tilespmem:s17+$0xFFFFFFE0] =	vst v25;
	v25 =	vor.u32 s18, v9  }
0xcd: {  	v30 =	vor.u32 s18, v10;
	v29 =	vld.idx.msk [tilespmem:v29+s9+$0x0], $0xffff  }
0xce: {  	v31 =	vor.u32 s18, v11;
	v26 =	vld.idx.msk [tilespmem:v26+s9+$0x0], $0xffff  }
0xcf: {  	v62 =	vor.u32 s18, v12;
	v27 =	vld.idx.msk [tilespmem:v27+s9+$0x0], $0xffff  }
0xd0: {  	v63 =	vor.u32 s18, v13;
	v28 =	vld.idx.msk [tilespmem:v28+s9+$0x0], $0xffff  }
0xd1: {  	v40 =	vor.u32 s18, v14;
	v25 =	vld.idx.msk [tilespmem:v25+s9+$0x0], $0xffff  }
0xd2: {  	v41 =	vor.u32 s18, v15;
	v30 =	vld.idx.msk [tilespmem:v30+s9+$0x0], $0xffff  }
0xd3: {  	v42 =	vor.u32 s18, v16;
	v31 =	vld.idx.msk [tilespmem:v31+s9+$0x0], $0xffff;
	v26 =	vmax.f32 v29, v26  }
0xd4: {  	v43 =	vor.u32 s18, v17;
	v29 =	vld.idx.msk [tilespmem:v62+s9+$0x0], $0xffff;
	v26 =	vmax.f32 v26, v27  }
0xd5: {  	v44 =	vor.u32 s18, v18;
	v27 =	vld.idx.msk [tilespmem:v63+s9+$0x0], $0xffff;
	v26 =	vmax.f32 v26, v28  }
0xd6: {  	v45 =	vor.u32 s18, v19;
	v28 =	vld.idx.msk [tilespmem:v40+s9+$0x0], $0xffff;
	v25 =	vmax.f32 v26, v25  }
0xd7: {  	v46 =	vor.u32 s18, v20;
	v26 =	vld.idx.msk [tilespmem:v41+s9+$0x0], $0xffff;
	v25 =	vmax.f32 v25, v30  }
0xd8: {  	v30 =	vld.idx.msk [tilespmem:v42+s9+$0x0], $0xffff;
	v25 =	vmax.f32 v25, v31  }
0xd9: {  	v31 =	vld.idx.msk [tilespmem:v43+s9+$0x0], $0xffff;
	v25 =	vmax.f32 v25, v29  }
0xda: {  	v29 =	vld.idx.msk [tilespmem:v44+s9+$0x0], $0xffff;
	v25 =	vmax.f32 v25, v27  }
0xdb: {  	v27 =	vld.idx.msk [tilespmem:v45+s9+$0x0], $0xffff;
	v25 =	vmax.f32 v25, v28  }
0xdc: {  	s30 =	simm.s32 $0x200;
	v28 =	vld.idx.msk [tilespmem:v46+s9+$0x0], $0xffff;
	v25 =	vmax.f32 v25, v26  }
0xdd: {  	v26 =	vor.u32 s30, v1;
	v25 =	vmax.f32 v25, v30  }
0xde: {  	v26 =	vand.u32 v22, v26;
	v25 =	vmax.f32 v25, v31  }
0xdf: {  	v25 =	vmax.f32 v25, v29;
	v29 =	vor.u32 s30, v6  }
0xe0: {  	v25 =	vmax.f32 v25, v27;
	v27 =	vor.u32 s30, v7  }
0xe1: {  	v25 =	vmax.f32 v25, v28;
	v28 =	vor.u32 s30, v8  }
0xe2: {  	[tilespmem:s17+$0xFFFFFFF0] =	vst v25;
	v25 =	vor.u32 s30, v9  }
0xe3: {  	v30 =	vor.u32 s30, v10;
	v26 =	vld.idx.msk [tilespmem:v26+s9+$0x0], $0xffff  }
0xe4: {  	v31 =	vor.u32 s30, v11;
	v29 =	vld.idx.msk [tilespmem:v29+s9+$0x0], $0xffff  }
0xe5: {  	v47 =	vor.u32 s30, v12;
	v27 =	vld.idx.msk [tilespmem:v27+s9+$0x0], $0xffff  }
0xe6: {  	v48 =	vor.u32 s30, v13;
	v28 =	vld.idx.msk [tilespmem:v28+s9+$0x0], $0xffff  }
0xe7: {  	v49 =	vor.u32 s30, v14;
	v25 =	vld.idx.msk [tilespmem:v25+s9+$0x0], $0xffff  }
0xe8: {  	v50 =	vor.u32 s30, v15;
	v30 =	vld.idx.msk [tilespmem:v30+s9+$0x0], $0xffff  }
0xe9: {  	v51 =	vor.u32 s30, v16;
	v31 =	vld.idx.msk [tilespmem:v31+s9+$0x0], $0xffff;
	v26 =	vmax.f32 v26, v29  }
0xea: {  	v52 =	vor.u32 s30, v17;
	v29 =	vld.idx.msk [tilespmem:v47+s9+$0x0], $0xffff;
	v26 =	vmax.f32 v26, v27  }
0xeb: {  	v53 =	vor.u32 s30, v18;
	v27 =	vld.idx.msk [tilespmem:v48+s9+$0x0], $0xffff;
	v26 =	vmax.f32 v26, v28  }
0xec: {  	v55 =	vor.u32 s30, v19;
	v28 =	vld.idx.msk [tilespmem:v49+s9+$0x0], $0xffff;
	v25 =	vmax.f32 v26, v25  }
0xed: {  	v56 =	vor.u32 s30, v20;
	v26 =	vld.idx.msk [tilespmem:v50+s9+$0x0], $0xffff;
	v25 =	vmax.f32 v25, v30  }
0xee: {  	v30 =	vld.idx.msk [tilespmem:v51+s9+$0x0], $0xffff;
	v25 =	vmax.f32 v25, v31  }
0xef: {  	v31 =	vld.idx.msk [tilespmem:v52+s9+$0x0], $0xffff;
	v25 =	vmax.f32 v25, v29  }
0xf0: {  	v29 =	vld.idx.msk [tilespmem:v53+s9+$0x0], $0xffff;
	v25 =	vmax.f32 v25, v27  }
0xf1: {  	v27 =	vld.idx.msk [tilespmem:v55+s9+$0x0], $0xffff;
	v25 =	vmax.f32 v25, v28  }
0xf2: {  	s31 =	simm.s32 $0x300;
	v28 =	vld.idx.msk [tilespmem:v56+s9+$0x0], $0xffff;
	v25 =	vmax.f32 v25, v26  }
0xf3: {  	v26 =	vor.u32 s31, v1;
	v25 =	vmax.f32 v25, v30  }
0xf4: {  	v26 =	vand.u32 v23, v26;
	v25 =	vmax.f32 v25, v31  }
0xf5: {  	v25 =	vmax.f32 v25, v29;
	v29 =	vor.u32 s31, v6  }
0xf6: {  	v25 =	vmax.f32 v25, v27;
	v27 =	vor.u32 s31, v7  }
0xf7: {  	v25 =	vmax.f32 v25, v28;
	v28 =	vor.u32 s31, v8  }
0xf8: {  	[tilespmem:s17+$0x0] =	vst v25;
	v25 =	vor.u32 s31, v9  }
0xf9: {  	v30 =	vor.u32 s31, v10;
	v26 =	vld.idx.msk [tilespmem:v26+s9+$0x0], $0xffff  }
0xfa: {  	v31 =	vor.u32 s31, v11;
	v29 =	vld.idx.msk [tilespmem:v29+s9+$0x0], $0xffff  }
0xfb: {  	v57 =	vor.u32 s31, v12;
	v27 =	vld.idx.msk [tilespmem:v27+s9+$0x0], $0xffff  }
0xfc: {  	v58 =	vor.u32 s31, v13;
	v28 =	vld.idx.msk [tilespmem:v28+s9+$0x0], $0xffff  }
0xfd: {  	v59 =	vor.u32 s31, v14;
	v25 =	vld.idx.msk [tilespmem:v25+s9+$0x0], $0xffff  }
0xfe: {  	v60 =	vor.u32 s31, v15;
	v30 =	vld.idx.msk [tilespmem:v30+s9+$0x0], $0xffff  }
0xff: {  	v61 =	vor.u32 s31, v16;
	v31 =	vld.idx.msk [tilespmem:v31+s9+$0x0], $0xffff;
	v26 =	vmax.f32 v26, v29  }
0x100: {  	v29 =	vld.idx.msk [tilespmem:v57+s9+$0x0], $0xffff;
	v26 =	vmax.f32 v26, v27;
	v27 =	vor.u32 s31, v17  }
0x101: {  	v63 =	vor.u32 s31, v18;
	v62 =	vld.idx.msk [tilespmem:v58+s9+$0x0], $0xffff;
	v26 =	vmax.f32 v26, v28  }
0x102: {  	v34 =	vld.idx.msk [tilespmem:v59+s9+$0x0], $0xffff;
	v25 =	vmax.f32 v26, v25;
	v26 =	vor.u32 s31, v19  }
0x103: {  	v35 =	vld.idx.msk [tilespmem:v60+s9+$0x0], $0xffff;
	v25 =	vmax.f32 v25, v30;
	v30 =	vor.u32 s31, v20  }
0x104: {  	v36 =	vld.idx.msk [tilespmem:v61+s9+$0x0], $0xffff;
	v25 =	vmax.f32 v25, v31  }
0x105: {  	v25 =	vmax.f32 v25, v29;
	v28 =	vld.idx.msk [tilespmem:v27+s9+$0x0], $0xffff  }
0x106: {  	v27 =	vmax.f32 v25, v62;
	v25 =	vld.idx.msk [tilespmem:v63+s9+$0x0], $0xffff  }
0x107: {  	v27 =	vmax.f32 v27, v34;
	v26 =	vld.idx.msk [tilespmem:v26+s9+$0x0], $0xffff  }
0x108: {  	v29 =	vmax.f32 v27, v35;
	v27 =	vld.idx.msk [tilespmem:v30+s9+$0x0], $0xffff  }
0x109: {  	s20 =	simm.s32 $0x4;
	s19 =	simm.s32 $0x188A0;
	s18 =	simm.s32 $0x400;
	v29 =	vmax.f32 v29, v36  }
.LBB2_3:
0x10a: {  	s20 =	sadd.s32 $0x4, s20;
	v30 =	vor.u32 s18, v1;
	v28 =	vmax.f32 v29, v28;
	s17 =	sadd.s32 $0x40, s17  }
0x10b: {  	p0 =	slt.u32 s20, $0x4C;
	v29 =	vand.u32 v5, v30;
	v25 =	vmax.f32 v28, v25  }
0x10c: {  	v28 =	vor.u32 s18, v6;
	v25 =	vmax.f32 v25, v26  }
0x10d: {  	v26 =	vor.u32 s18, v7;
	v25 =	vmax.f32 v25, v27  }
0x10e: {  	v27 =	vor.u32 s18, v8;
	[tilespmem:s19+$0x10] =	vst v25;
	s19 =	smov.u32 s17  }
0x10f: {  	v25 =	vor.u32 s18, v9  }
0x110: {  	v30 =	vor.u32 s18, v10;
	v29 =	vld.idx.msk [tilespmem:v29+s9+$0x0], $0xffff  }
0x111: {  	v31 =	vor.u32 s18, v11;
	v28 =	vld.idx.msk [tilespmem:v28+s9+$0x0], $0xffff  }
0x112: {  	v32 =	vor.u32 s18, v12;
	v26 =	vld.idx.msk [tilespmem:v26+s9+$0x0], $0xffff  }
0x113: {  	v33 =	vor.u32 s18, v13;
	v27 =	vld.idx.msk [tilespmem:v27+s9+$0x0], $0xffff  }
0x114: {  	v34 =	vor.u32 s18, v14;
	v25 =	vld.idx.msk [tilespmem:v25+s9+$0x0], $0xffff  }
0x115: {  	v35 =	vor.u32 s18, v15;
	v30 =	vld.idx.msk [tilespmem:v30+s9+$0x0], $0xffff  }
0x116: {  	v36 =	vor.u32 s18, v16;
	v31 =	vld.idx.msk [tilespmem:v31+s9+$0x0], $0xffff  }
0x117: {  	v28 =	vmax.f32 v29, v28;
	v29 =	vld.idx.msk [tilespmem:v32+s9+$0x0], $0xffff;
	v32 =	vor.u32 s18, v17  }
0x118: {  	v26 =	vmax.f32 v28, v26;
	v28 =	vld.idx.msk [tilespmem:v33+s9+$0x0], $0xffff;
	v33 =	vor.u32 s18, v18  }
0x119: {  	v26 =	vmax.f32 v26, v27;
	v27 =	vld.idx.msk [tilespmem:v34+s9+$0x0], $0xffff;
	v34 =	vor.u32 s18, v19  }
0x11a: {  	v25 =	vmax.f32 v26, v25;
	v26 =	vld.idx.msk [tilespmem:v35+s9+$0x0], $0xffff;
	v35 =	vor.u32 s18, v20  }
0x11b: {  	v25 =	vmax.f32 v25, v30;
	v30 =	vld.idx.msk [tilespmem:v36+s9+$0x0], $0xffff  }
0x11c: {  	v25 =	vmax.f32 v25, v31;
	v31 =	vld.idx.msk [tilespmem:v32+s9+$0x0], $0xffff  }
0x11d: {  	v25 =	vmax.f32 v25, v29;
	v29 =	vld.idx.msk [tilespmem:v33+s9+$0x0], $0xffff  }
0x11e: {  	v25 =	vmax.f32 v25, v28;
	v28 =	vld.idx.msk [tilespmem:v34+s9+$0x0], $0xffff  }
0x11f: {  	v25 =	vmax.f32 v25, v27;
	v27 =	vld.idx.msk [tilespmem:v35+s9+$0x0], $0xffff  }
0x120: {  	s21 =	sadd.s32 $0x100, s18;
	v25 =	vmax.f32 v25, v26  }
0x121: {  	v26 =	vor.u32 s21, v1;
	v25 =	vmax.f32 v25, v30  }
0x122: {  	v26 =	vand.u32 v21, v26;
	v25 =	vmax.f32 v25, v31  }
0x123: {  	v25 =	vmax.f32 v25, v29;
	v29 =	vor.u32 s21, v6  }
0x124: {  	v25 =	vmax.f32 v25, v28;
	v28 =	vor.u32 s21, v7  }
0x125: {  	v25 =	vmax.f32 v25, v27;
	v27 =	vor.u32 s21, v8  }
0x126: {  	[tilespmem:s17+$0xFFFFFFE0] =	vst v25;
	v25 =	vor.u32 s21, v9  }
0x127: {  	v30 =	vor.u32 s21, v10;
	v26 =	vld.idx.msk [tilespmem:v26+s9+$0x0], $0xffff  }
0x128: {  	v31 =	vor.u32 s21, v11;
	v29 =	vld.idx.msk [tilespmem:v29+s9+$0x0], $0xffff  }
0x129: {  	v32 =	vor.u32 s21, v12;
	v28 =	vld.idx.msk [tilespmem:v28+s9+$0x0], $0xffff  }
0x12a: {  	v33 =	vor.u32 s21, v13;
	v27 =	vld.idx.msk [tilespmem:v27+s9+$0x0], $0xffff  }
0x12b: {  	v34 =	vor.u32 s21, v14;
	v25 =	vld.idx.msk [tilespmem:v25+s9+$0x0], $0xffff  }
0x12c: {  	v35 =	vor.u32 s21, v15;
	v30 =	vld.idx.msk [tilespmem:v30+s9+$0x0], $0xffff  }
0x12d: {  	v36 =	vor.u32 s21, v16;
	v31 =	vld.idx.msk [tilespmem:v31+s9+$0x0], $0xffff  }
0x12e: {  	v26 =	vmax.f32 v26, v29;
	v29 =	vld.idx.msk [tilespmem:v32+s9+$0x0], $0xffff;
	v32 =	vor.u32 s21, v17  }
0x12f: {  	v26 =	vmax.f32 v26, v28;
	v28 =	vld.idx.msk [tilespmem:v33+s9+$0x0], $0xffff;
	v33 =	vor.u32 s21, v18  }
0x130: {  	v26 =	vmax.f32 v26, v27;
	v27 =	vld.idx.msk [tilespmem:v34+s9+$0x0], $0xffff;
	v34 =	vor.u32 s21, v19  }
0x131: {  	v25 =	vmax.f32 v26, v25;
	v26 =	vld.idx.msk [tilespmem:v35+s9+$0x0], $0xffff;
	v35 =	vor.u32 s21, v20  }
0x132: {  	v25 =	vmax.f32 v25, v30;
	v30 =	vld.idx.msk [tilespmem:v36+s9+$0x0], $0xffff  }
0x133: {  	v25 =	vmax.f32 v25, v31;
	v31 =	vld.idx.msk [tilespmem:v32+s9+$0x0], $0xffff  }
0x134: {  	v25 =	vmax.f32 v25, v29;
	v29 =	vld.idx.msk [tilespmem:v33+s9+$0x0], $0xffff  }
0x135: {  	v25 =	vmax.f32 v25, v28;
	v28 =	vld.idx.msk [tilespmem:v34+s9+$0x0], $0xffff  }
0x136: {  	v25 =	vmax.f32 v25, v27;
	v27 =	vld.idx.msk [tilespmem:v35+s9+$0x0], $0xffff  }
0x137: {  	s21 =	sadd.s32 $0x200, s18;
	v25 =	vmax.f32 v25, v26  }
0x138: {  	v26 =	vor.u32 s21, v1;
	v25 =	vmax.f32 v25, v30  }
0x139: {  	v26 =	vand.u32 v22, v26;
	v25 =	vmax.f32 v25, v31  }
0x13a: {  	v25 =	vmax.f32 v25, v29;
	v29 =	vor.u32 s21, v6  }
0x13b: {  	v25 =	vmax.f32 v25, v28;
	v28 =	vor.u32 s21, v7  }
0x13c: {  	v25 =	vmax.f32 v25, v27;
	v27 =	vor.u32 s21, v8  }
0x13d: {  	[tilespmem:s17+$0xFFFFFFF0] =	vst v25;
	v25 =	vor.u32 s21, v9  }
0x13e: {  	v30 =	vor.u32 s21, v10;
	v26 =	vld.idx.msk [tilespmem:v26+s9+$0x0], $0xffff  }
0x13f: {  	v31 =	vor.u32 s21, v11;
	v29 =	vld.idx.msk [tilespmem:v29+s9+$0x0], $0xffff  }
0x140: {  	v32 =	vor.u32 s21, v12;
	v28 =	vld.idx.msk [tilespmem:v28+s9+$0x0], $0xffff  }
0x141: {  	v33 =	vor.u32 s21, v13;
	v27 =	vld.idx.msk [tilespmem:v27+s9+$0x0], $0xffff  }
0x142: {  	v34 =	vor.u32 s21, v14;
	v25 =	vld.idx.msk [tilespmem:v25+s9+$0x0], $0xffff  }
0x143: {  	v35 =	vor.u32 s21, v15;
	v30 =	vld.idx.msk [tilespmem:v30+s9+$0x0], $0xffff  }
0x144: {  	v36 =	vor.u32 s21, v16;
	v31 =	vld.idx.msk [tilespmem:v31+s9+$0x0], $0xffff  }
0x145: {  	v26 =	vmax.f32 v26, v29;
	v29 =	vld.idx.msk [tilespmem:v32+s9+$0x0], $0xffff;
	v32 =	vor.u32 s21, v17  }
0x146: {  	v26 =	vmax.f32 v26, v28;
	v28 =	vld.idx.msk [tilespmem:v33+s9+$0x0], $0xffff;
	v33 =	vor.u32 s21, v18  }
0x147: {  	v26 =	vmax.f32 v26, v27;
	v27 =	vld.idx.msk [tilespmem:v34+s9+$0x0], $0xffff;
	v34 =	vor.u32 s21, v19  }
0x148: {  	v25 =	vmax.f32 v26, v25;
	v26 =	vld.idx.msk [tilespmem:v35+s9+$0x0], $0xffff;
	v35 =	vor.u32 s21, v20  }
0x149: {  	v25 =	vmax.f32 v25, v30;
	v30 =	vld.idx.msk [tilespmem:v36+s9+$0x0], $0xffff  }
0x14a: {  	v25 =	vmax.f32 v25, v31;
	v31 =	vld.idx.msk [tilespmem:v32+s9+$0x0], $0xffff  }
0x14b: {  	v25 =	vmax.f32 v25, v29;
	v29 =	vld.idx.msk [tilespmem:v33+s9+$0x0], $0xffff  }
0x14c: {  	v25 =	vmax.f32 v25, v28;
	v28 =	vld.idx.msk [tilespmem:v34+s9+$0x0], $0xffff  }
0x14d: {  	v25 =	vmax.f32 v25, v27;
	v27 =	vld.idx.msk [tilespmem:v35+s9+$0x0], $0xffff  }
0x14e: {  	s21 =	sadd.s32 $0x300, s18;
	v25 =	vmax.f32 v25, v26  }
0x14f: {  	v26 =	vor.u32 s21, v1;
	v25 =	vmax.f32 v25, v30  }
0x150: {  	v26 =	vand.u32 v23, v26;
	v25 =	vmax.f32 v25, v31  }
0x151: {  	v25 =	vmax.f32 v25, v29;
	v29 =	vor.u32 s21, v6  }
0x152: {  	v25 =	vmax.f32 v25, v28;
	v28 =	vor.u32 s21, v7  }
0x153: {  	v25 =	vmax.f32 v25, v27;
	v27 =	vor.u32 s21, v8  }
0x154: {  	[tilespmem:s17+$0x0] =	vst v25;
	v25 =	vor.u32 s21, v9  }
0x155: {  	v30 =	vor.u32 s21, v10;
	v26 =	vld.idx.msk [tilespmem:v26+s9+$0x0], $0xffff  }
0x156: {  	v31 =	vor.u32 s21, v11;
	v29 =	vld.idx.msk [tilespmem:v29+s9+$0x0], $0xffff  }
0x157: {  	v32 =	vor.u32 s21, v12;
	v28 =	vld.idx.msk [tilespmem:v28+s9+$0x0], $0xffff  }
0x158: {  	v33 =	vor.u32 s21, v13;
	v27 =	vld.idx.msk [tilespmem:v27+s9+$0x0], $0xffff  }
0x159: {  	v34 =	vor.u32 s21, v14;
	v25 =	vld.idx.msk [tilespmem:v25+s9+$0x0], $0xffff  }
0x15a: {  	v35 =	vor.u32 s21, v15;
	v30 =	vld.idx.msk [tilespmem:v30+s9+$0x0], $0xffff  }
0x15b: {  	v36 =	vor.u32 s21, v16;
	v31 =	vld.idx.msk [tilespmem:v31+s9+$0x0], $0xffff  }
0x15c: {  	v26 =	vmax.f32 v26, v29;
	v29 =	vld.idx.msk [tilespmem:v32+s9+$0x0], $0xffff;
	v32 =	vor.u32 s21, v17  }
0x15d: {  	v37 =	vor.u32 s21, v18;
	v26 =	vmax.f32 v26, v28;
	v33 =	vld.idx.msk [tilespmem:v33+s9+$0x0], $0xffff  }
0x15e: {  	v26 =	vmax.f32 v26, v27;
	v27 =	vld.idx.msk [tilespmem:v34+s9+$0x0], $0xffff;
	v34 =	vor.u32 s21, v19  }
0x15f: {  	v38 =	vor.u32 s21, v20;
	v25 =	vmax.f32 v26, v25;
	v35 =	vld.idx.msk [tilespmem:v35+s9+$0x0], $0xffff  }
0x160: {  	v25 =	vmax.f32 v25, v30;
	v30 =	vld.idx.msk [tilespmem:v36+s9+$0x0], $0xffff  }
0x161: {  	v25 =	vmax.f32 v25, v31;
	v28 =	vld.idx.msk [tilespmem:v32+s9+$0x0], $0xffff  }
.Ltmp3:
0x162: {  	v26 =	vmax.f32 v25, v29;
	v25 =	vld.idx.msk [tilespmem:v37+s9+$0x0], $0xffff;
	(pc) =	sbr.rel @p0 .LBB2_3-.Ltmp3, $4  }
0x163: {  	v29 =	vmax.f32 v26, v33;
	v26 =	vld.idx.msk [tilespmem:v34+s9+$0x0], $0xffff  }
0x164: {  	v29 =	vmax.f32 v29, v27;
	v27 =	vld.idx.msk [tilespmem:v38+s9+$0x0], $0xffff  }
0x165: {  	v29 =	vmax.f32 v29, v35  }
0x166: {  	s18 =	sadd.s32 $0x400, s18;
	v29 =	vmax.f32 v29, v30  }
0x167: {  	v30 =	vor.u32 s18, v1  }
0x168: {  	v28 =	vmax.f32 v29, v28;
	v29 =	vand.u32 v5, v30  }
0x169: {  	v25 =	vmax.f32 v28, v25;
	v28 =	vor.u32 s18, v6  }
0x16a: {  	v25 =	vmax.f32 v25, v26;
	v26 =	vor.u32 s18, v7  }
0x16b: {  	v25 =	vmax.f32 v25, v27;
	v27 =	vor.u32 s18, v8  }
0x16c: {  	[tilespmem:s19+$0x10] =	vst v25;
	v25 =	vor.u32 s18, v9  }
0x16d: {  	v30 =	vor.u32 s18, v10;
	v29 =	vld.idx.msk [tilespmem:v29+s9+$0x0], $0xffff  }
0x16e: {  	v31 =	vor.u32 s18, v11;
	v28 =	vld.idx.msk [tilespmem:v28+s9+$0x0], $0xffff  }
0x16f: {  	v32 =	vor.u32 s18, v12;
	v26 =	vld.idx.msk [tilespmem:v26+s9+$0x0], $0xffff  }
0x170: {  	v33 =	vor.u32 s18, v13;
	v27 =	vld.idx.msk [tilespmem:v27+s9+$0x0], $0xffff  }
0x171: {  	v34 =	vor.u32 s18, v14;
	v25 =	vld.idx.msk [tilespmem:v25+s9+$0x0], $0xffff  }
0x172: {  	v35 =	vor.u32 s18, v15;
	v30 =	vld.idx.msk [tilespmem:v30+s9+$0x0], $0xffff  }
0x173: {  	v36 =	vor.u32 s18, v16;
	v31 =	vld.idx.msk [tilespmem:v31+s9+$0x0], $0xffff;
	v28 =	vmax.f32 v29, v28  }
0x174: {  	v47 =	vor.u32 s18, v17;
	v29 =	vld.idx.msk [tilespmem:v32+s9+$0x0], $0xffff;
	v26 =	vmax.f32 v28, v26  }
0x175: {  	v48 =	vor.u32 s18, v18;
	v28 =	vld.idx.msk [tilespmem:v33+s9+$0x0], $0xffff;
	v26 =	vmax.f32 v26, v27  }
0x176: {  	v49 =	vor.u32 s18, v19;
	v27 =	vld.idx.msk [tilespmem:v34+s9+$0x0], $0xffff;
	v25 =	vmax.f32 v26, v25  }
0x177: {  	v50 =	vor.u32 s18, v20;
	v26 =	vld.idx.msk [tilespmem:v35+s9+$0x0], $0xffff;
	v25 =	vmax.f32 v25, v30  }
0x178: {  	v30 =	vld.idx.msk [tilespmem:v36+s9+$0x0], $0xffff;
	v25 =	vmax.f32 v25, v31  }
0x179: {  	v31 =	vld.idx.msk [tilespmem:v47+s9+$0x0], $0xffff;
	v25 =	vmax.f32 v25, v29  }
0x17a: {  	v29 =	vld.idx.msk [tilespmem:v48+s9+$0x0], $0xffff;
	v25 =	vmax.f32 v25, v28  }
0x17b: {  	v28 =	vld.idx.msk [tilespmem:v49+s9+$0x0], $0xffff;
	v25 =	vmax.f32 v25, v27  }
0x17c: {  	s28 =	sadd.s32 $0x100, s18;
	v27 =	vld.idx.msk [tilespmem:v50+s9+$0x0], $0xffff;
	v25 =	vmax.f32 v25, v26  }
0x17d: {  	v26 =	vor.u32 s28, v1;
	v25 =	vmax.f32 v25, v30  }
0x17e: {  	v26 =	vand.u32 v21, v26;
	v25 =	vmax.f32 v25, v31  }
0x17f: {  	v25 =	vmax.f32 v25, v29;
	v29 =	vor.u32 s28, v6  }
0x180: {  	v25 =	vmax.f32 v25, v28;
	v28 =	vor.u32 s28, v7  }
0x181: {  	s17 =	sadd.s32 $0x40, s17;
	v25 =	vmax.f32 v25, v27;
	v27 =	vor.u32 s28, v8  }
0x182: {  	[tilespmem:s17+$0xFFFFFFE0] =	vst v25;
	v25 =	vor.u32 s28, v9  }
0x183: {  	v30 =	vor.u32 s28, v10;
	v26 =	vld.idx.msk [tilespmem:v26+s9+$0x0], $0xffff  }
0x184: {  	v31 =	vor.u32 s28, v11;
	v29 =	vld.idx.msk [tilespmem:v29+s9+$0x0], $0xffff  }
0x185: {  	v51 =	vor.u32 s28, v12;
	v28 =	vld.idx.msk [tilespmem:v28+s9+$0x0], $0xffff  }
0x186: {  	v52 =	vor.u32 s28, v13;
	v27 =	vld.idx.msk [tilespmem:v27+s9+$0x0], $0xffff  }
0x187: {  	v53 =	vor.u32 s28, v14;
	v25 =	vld.idx.msk [tilespmem:v25+s9+$0x0], $0xffff  }
0x188: {  	v55 =	vor.u32 s28, v15;
	v30 =	vld.idx.msk [tilespmem:v30+s9+$0x0], $0xffff  }
0x189: {  	v56 =	vor.u32 s28, v16;
	v31 =	vld.idx.msk [tilespmem:v31+s9+$0x0], $0xffff;
	v26 =	vmax.f32 v26, v29  }
0x18a: {  	v57 =	vor.u32 s28, v17;
	v29 =	vld.idx.msk [tilespmem:v51+s9+$0x0], $0xffff;
	v26 =	vmax.f32 v26, v28  }
0x18b: {  	v58 =	vor.u32 s28, v18;
	v28 =	vld.idx.msk [tilespmem:v52+s9+$0x0], $0xffff;
	v26 =	vmax.f32 v26, v27  }
0x18c: {  	v59 =	vor.u32 s28, v19;
	v27 =	vld.idx.msk [tilespmem:v53+s9+$0x0], $0xffff;
	v25 =	vmax.f32 v26, v25  }
0x18d: {  	v60 =	vor.u32 s28, v20;
	v26 =	vld.idx.msk [tilespmem:v55+s9+$0x0], $0xffff;
	v25 =	vmax.f32 v25, v30  }
0x18e: {  	v30 =	vld.idx.msk [tilespmem:v56+s9+$0x0], $0xffff;
	v25 =	vmax.f32 v25, v31  }
0x18f: {  	v31 =	vld.idx.msk [tilespmem:v57+s9+$0x0], $0xffff;
	v25 =	vmax.f32 v25, v29  }
0x190: {  	v29 =	vld.idx.msk [tilespmem:v58+s9+$0x0], $0xffff;
	v25 =	vmax.f32 v25, v28  }
0x191: {  	v28 =	vld.idx.msk [tilespmem:v59+s9+$0x0], $0xffff;
	v25 =	vmax.f32 v25, v27  }
0x192: {  	s29 =	sadd.s32 $0x200, s18;
	v27 =	vld.idx.msk [tilespmem:v60+s9+$0x0], $0xffff;
	v25 =	vmax.f32 v25, v26  }
0x193: {  	v26 =	vor.u32 s29, v1;
	v25 =	vmax.f32 v25, v30  }
0x194: {  	v26 =	vand.u32 v22, v26;
	v25 =	vmax.f32 v25, v31  }
0x195: {  	v25 =	vmax.f32 v25, v29;
	v29 =	vor.u32 s29, v6  }
0x196: {  	v25 =	vmax.f32 v25, v28;
	v28 =	vor.u32 s29, v7  }
0x197: {  	v25 =	vmax.f32 v25, v27;
	v27 =	vor.u32 s29, v8  }
0x198: {  	[tilespmem:s17+$0xFFFFFFF0] =	vst v25;
	v25 =	vor.u32 s29, v9  }
0x199: {  	v30 =	vor.u32 s29, v10;
	v26 =	vld.idx.msk [tilespmem:v26+s9+$0x0], $0xffff  }
0x19a: {  	v31 =	vor.u32 s29, v11;
	v29 =	vld.idx.msk [tilespmem:v29+s9+$0x0], $0xffff  }
0x19b: {  	v61 =	vor.u32 s29, v12;
	v28 =	vld.idx.msk [tilespmem:v28+s9+$0x0], $0xffff  }
0x19c: {  	v62 =	vor.u32 s29, v13;
	v27 =	vld.idx.msk [tilespmem:v27+s9+$0x0], $0xffff  }
0x19d: {  	v63 =	vor.u32 s29, v14;
	v25 =	vld.idx.msk [tilespmem:v25+s9+$0x0], $0xffff  }
0x19e: {  	v40 =	vor.u32 s29, v15;
	v30 =	vld.idx.msk [tilespmem:v30+s9+$0x0], $0xffff  }
0x19f: {  	v41 =	vor.u32 s29, v16;
	v31 =	vld.idx.msk [tilespmem:v31+s9+$0x0], $0xffff;
	v26 =	vmax.f32 v26, v29  }
0x1a0: {  	v42 =	vor.u32 s29, v17;
	v29 =	vld.idx.msk [tilespmem:v61+s9+$0x0], $0xffff;
	v26 =	vmax.f32 v26, v28  }
0x1a1: {  	v43 =	vor.u32 s29, v18;
	v28 =	vld.idx.msk [tilespmem:v62+s9+$0x0], $0xffff;
	v26 =	vmax.f32 v26, v27  }
0x1a2: {  	v44 =	vor.u32 s29, v19;
	v27 =	vld.idx.msk [tilespmem:v63+s9+$0x0], $0xffff;
	v25 =	vmax.f32 v26, v25  }
0x1a3: {  	v45 =	vor.u32 s29, v20;
	v26 =	vld.idx.msk [tilespmem:v40+s9+$0x0], $0xffff;
	v25 =	vmax.f32 v25, v30  }
0x1a4: {  	v30 =	vld.idx.msk [tilespmem:v41+s9+$0x0], $0xffff;
	v25 =	vmax.f32 v25, v31  }
0x1a5: {  	v31 =	vld.idx.msk [tilespmem:v42+s9+$0x0], $0xffff;
	v25 =	vmax.f32 v25, v29  }
0x1a6: {  	v29 =	vld.idx.msk [tilespmem:v43+s9+$0x0], $0xffff;
	v25 =	vmax.f32 v25, v28  }
0x1a7: {  	v28 =	vld.idx.msk [tilespmem:v44+s9+$0x0], $0xffff;
	v25 =	vmax.f32 v25, v27  }
0x1a8: {  	s30 =	sadd.s32 $0x300, s18;
	v27 =	vld.idx.msk [tilespmem:v45+s9+$0x0], $0xffff;
	v25 =	vmax.f32 v25, v26  }
0x1a9: {  	v26 =	vor.u32 s30, v1;
	v25 =	vmax.f32 v25, v30  }
0x1aa: {  	v26 =	vand.u32 v23, v26;
	v25 =	vmax.f32 v25, v31  }
0x1ab: {  	v25 =	vmax.f32 v25, v29;
	v29 =	vor.u32 s30, v6  }
0x1ac: {  	v25 =	vmax.f32 v25, v28;
	v28 =	vor.u32 s30, v7  }
0x1ad: {  	v25 =	vmax.f32 v25, v27;
	v27 =	vor.u32 s30, v8  }
0x1ae: {  	v2 =	vld [tilespmem:$0x1FDA0];
	[tilespmem:s17+$0x0] =	vst v25;
	v25 =	vor.u32 s30, v9  }
0x1af: {  	v30 =	vor.u32 s30, v10;
	v26 =	vld.idx.msk [tilespmem:v26+s9+$0x0], $0xffff  }
0x1b0: {  	v31 =	vor.u32 s30, v11;
	v29 =	vld.idx.msk [tilespmem:v29+s9+$0x0], $0xffff  }
0x1b1: {  	v46 =	vor.u32 s30, v12;
	v28 =	vld.idx.msk [tilespmem:v28+s9+$0x0], $0xffff  }
0x1b2: {  	v47 =	vor.u32 s30, v13;
	v27 =	vld.idx.msk [tilespmem:v27+s9+$0x0], $0xffff  }
0x1b3: {  	v48 =	vor.u32 s30, v14;
	v25 =	vld.idx.msk [tilespmem:v25+s9+$0x0], $0xffff  }
0x1b4: {  	v49 =	vor.u32 s30, v15;
	v30 =	vld.idx.msk [tilespmem:v30+s9+$0x0], $0xffff  }
0x1b5: {  	v50 =	vor.u32 s30, v16;
	v31 =	vld.idx.msk [tilespmem:v31+s9+$0x0], $0xffff;
	v26 =	vmax.f32 v26, v29  }
0x1b6: {  	v51 =	vor.u32 s30, v17;
	v29 =	vld.idx.msk [tilespmem:v46+s9+$0x0], $0xffff;
	v26 =	vmax.f32 v26, v28  }
0x1b7: {  	v52 =	vor.u32 s30, v18;
	v28 =	vld.idx.msk [tilespmem:v47+s9+$0x0], $0xffff;
	v26 =	vmax.f32 v26, v27  }
0x1b8: {  	v53 =	vor.u32 s30, v19;
	v27 =	vld.idx.msk [tilespmem:v48+s9+$0x0], $0xffff;
	v25 =	vmax.f32 v26, v25  }
0x1b9: {  	v55 =	vor.u32 s30, v20;
	v26 =	vld.idx.msk [tilespmem:v49+s9+$0x0], $0xffff;
	v25 =	vmax.f32 v25, v30  }
0x1ba: {  	v30 =	vld.idx.msk [tilespmem:v50+s9+$0x0], $0xffff;
	v25 =	vmax.f32 v25, v31  }
0x1bb: {  	v31 =	vld.idx.msk [tilespmem:v51+s9+$0x0], $0xffff;
	v25 =	vmax.f32 v25, v29  }
0x1bc: {  	v29 =	vld.idx.msk [tilespmem:v52+s9+$0x0], $0xffff;
	v25 =	vmax.f32 v25, v28  }
0x1bd: {  	v28 =	vld.idx.msk [tilespmem:v53+s9+$0x0], $0xffff;
	v25 =	vmax.f32 v25, v27  }
0x1be: {  	v27 =	vld.idx.msk [tilespmem:v55+s9+$0x0], $0xffff;
	v25 =	vmax.f32 v25, v26  }
0x1bf: {  	v25 =	vmax.f32 v25, v30  }
0x1c0: {  	v25 =	vmax.f32 v25, v31  }
0x1c1: {  	v25 =	vmax.f32 v25, v29  }
0x1c2: {  	v25 =	vmax.f32 v25, v28  }
0x1c3: {  	v25 =	vmax.f32 v25, v27  }
0x1c4: {  	[tilespmem:s17+$0x10] =	vst v25  }
0x1c5: {  	v41 =	vld.idx.msk [tilespmem:v2+s11+$0x0], $0xffff  }
0x1c6: {  	v2 =	vld [tilespmem:$0x1FDB0];
	_ =	sdelay $0x7  }
0x1c7: {  	v42 =	vld.idx.msk [tilespmem:v2+s11+$0x0], $0xffff  }
0x1c8: {  	v2 =	vld [tilespmem:$0x1FDC0];
	_ =	sdelay $0x7  }
0x1c9: {  	v43 =	vld.idx.msk [tilespmem:v2+s11+$0x0], $0xffff  }
0x1ca: {  	v2 =	vld [tilespmem:$0x1FDD0];
	_ =	sdelay $0x7  }
0x1cb: {  	v44 =	vld.idx.msk [tilespmem:v2+s11+$0x0], $0xffff  }
0x1cc: {  	v2 =	vld [tilespmem:$0x1FDE0];
	_ =	sdelay $0x7  }
0x1cd: {  	v45 =	vld.idx.msk [tilespmem:v2+s11+$0x0], $0xffff  }
0x1ce: {  	v2 =	vld [tilespmem:$0x1FDF0];
	_ =	sdelay $0x7  }
0x1cf: {  	v46 =	vld.idx.msk [tilespmem:v2+s11+$0x0], $0xffff  }
0x1d0: {  	v2 =	vld [tilespmem:$0x1FE00];
	_ =	sdelay $0x7  }
0x1d1: {  	v47 =	vld.idx.msk [tilespmem:v2+s11+$0x0], $0xffff  }
0x1d2: {  	v2 =	vld [tilespmem:$0x1FE10];
	_ =	sdelay $0x7  }
0x1d3: {  	v48 =	vld.idx.msk [tilespmem:v2+s11+$0x0], $0xffff  }
0x1d4: {  	v2 =	vld [tilespmem:$0x1FE20];
	_ =	sdelay $0x7  }
0x1d5: {  	v49 =	vld.idx.msk [tilespmem:v2+s11+$0x0], $0xffff  }
0x1d6: {  	v2 =	vld [tilespmem:$0x1FE30];
	_ =	sdelay $0x7  }
0x1d7: {  	v50 =	vld.idx.msk [tilespmem:v2+s11+$0x0], $0xffff  }
0x1d8: {  	v2 =	vld [tilespmem:$0x1FE40];
	_ =	sdelay $0x7  }
0x1d9: {  	v51 =	vld.idx.msk [tilespmem:v2+s11+$0x0], $0xffff  }
0x1da: {  	v2 =	vld [tilespmem:$0x1FE50];
	_ =	sdelay $0x7  }
0x1db: {  	v52 =	vld.idx.msk [tilespmem:v2+s11+$0x0], $0xffff  }
0x1dc: {  	v2 =	vld [tilespmem:$0x1FE60];
	_ =	sdelay $0x7  }
0x1dd: {  	v53 =	vld.idx.msk [tilespmem:v2+s11+$0x0], $0xffff  }
0x1de: {  	v2 =	vld [tilespmem:$0x1FE70];
	_ =	sdelay $0x7  }
0x1df: {  	v2 =	vld.idx.msk [tilespmem:v2+s11+$0x0], $0xffff;
	_ =	sdelay $0x4  }
0x1e0: {  	[tilespmem:$0x1FCD0] =	vst v2;
	v2 =	vld [tilespmem:$0x1FE80];
	_ =	sdelay $0x7  }
0x1e1: {  	v2 =	vld.idx.msk [tilespmem:v2+s11+$0x0], $0xffff;
	_ =	sdelay $0x4  }
0x1e2: {  	[tilespmem:$0x1FCE0] =	vst v2;
	v2 =	vld [tilespmem:$0x1FE90];
	_ =	sdelay $0x7  }
0x1e3: {  	v2 =	vld.idx.msk [tilespmem:v2+s11+$0x0], $0xffff;
	_ =	sdelay $0x4  }
0x1e4: {  	[tilespmem:$0x1FCF0] =	vst v2;
	v2 =	vld [tilespmem:$0x1FEA0];
	_ =	sdelay $0x7  }
0x1e5: {  	v57 =	vld.idx.msk [tilespmem:v2+s11+$0x0], $0xffff  }
0x1e6: {  	v2 =	vld [tilespmem:$0x1FEB0];
	_ =	sdelay $0x7  }
0x1e7: {  	v58 =	vld.idx.msk [tilespmem:v2+s11+$0x0], $0xffff  }
0x1e8: {  	v2 =	vld [tilespmem:$0x1FEC0];
	_ =	sdelay $0x7  }
0x1e9: {  	v59 =	vld.idx.msk [tilespmem:v2+s11+$0x0], $0xffff  }
0x1ea: {  	v2 =	vld [tilespmem:$0x1FED0];
	_ =	sdelay $0x7  }
0x1eb: {  	v60 =	vld.idx.msk [tilespmem:v2+s11+$0x0], $0xffff  }
0x1ec: {  	v2 =	vld [tilespmem:$0x1FEE0];
	_ =	sdelay $0x7  }
0x1ed: {  	v61 =	vld.idx.msk [tilespmem:v2+s11+$0x0], $0xffff  }
0x1ee: {  	v2 =	vld [tilespmem:$0x1FEF0];
	_ =	sdelay $0x7  }
0x1ef: {  	v62 =	vld.idx.msk [tilespmem:v2+s11+$0x0], $0xffff  }
0x1f0: {  	v2 =	vld [tilespmem:$0x1FF00];
	_ =	sdelay $0x7  }
0x1f1: {  	v2 =	vld.idx.msk [tilespmem:v2+s11+$0x0], $0xffff;
	_ =	sdelay $0x4  }
0x1f2: {  	[tilespmem:$0x1FD00] =	vst v2;
	v2 =	vld [tilespmem:$0x1FF10];
	_ =	sdelay $0x7  }
0x1f3: {  	v2 =	vld.idx.msk [tilespmem:v2+s11+$0x0], $0xffff;
	_ =	sdelay $0x4  }
0x1f4: {  	[tilespmem:$0x1FD10] =	vst v2;
	v2 =	vld [tilespmem:$0x1FF20];
	_ =	sdelay $0x7  }
0x1f5: {  	v2 =	vld.idx.msk [tilespmem:v2+s11+$0x0], $0xffff;
	_ =	sdelay $0x4  }
0x1f6: {  	[tilespmem:$0x1FD20] =	vst v2;
	v2 =	vld [tilespmem:$0x1FF30];
	_ =	sdelay $0x7  }
0x1f7: {  	v2 =	vld.idx.msk [tilespmem:v2+s11+$0x0], $0xffff;
	_ =	sdelay $0x4  }
0x1f8: {  	[tilespmem:$0x1FD30] =	vst v2;
	v2 =	vld [tilespmem:$0x1FF40];
	_ =	sdelay $0x7  }
0x1f9: {  	v2 =	vld.idx.msk [tilespmem:v2+s11+$0x0], $0xffff;
	_ =	sdelay $0x4  }
0x1fa: {  	[tilespmem:$0x1FD40] =	vst v2;
	v2 =	vld [tilespmem:$0x1FF50];
	_ =	sdelay $0x7  }
0x1fb: {  	v2 =	vld.idx.msk [tilespmem:v2+s11+$0x0], $0xffff;
	_ =	sdelay $0x4  }
0x1fc: {  	[tilespmem:$0x1FD50] =	vst v2;
	v2 =	vld [tilespmem:$0x1FF60];
	_ =	sdelay $0x7  }
0x1fd: {  	v2 =	vld.idx.msk [tilespmem:v2+s11+$0x0], $0xffff;
	_ =	sdelay $0x4  }
0x1fe: {  	[tilespmem:$0x1FD60] =	vst v2;
	v2 =	vld [tilespmem:$0x1FF70];
	_ =	sdelay $0x7  }
0x1ff: {  	v2 =	vld.idx.msk [tilespmem:v2+s11+$0x0], $0xffff;
	_ =	sdelay $0x1  }
0x200: {  	v4 =	vld [tilespmem:$0x1FFC0]  }
0x201: {  	v26 =	vld [tilespmem:$0x1FFF0]  }
0x202: {  	v25 =	vld.idx.msk [tilespmem:v1+s11+$0x0], $0xffff  }
0x203: {  	[tilespmem:$0x1FD70] =	vst v2;
	v2 =	vld [tilespmem:$0x1FF80]  }
0x204: {  	v27 =	vld.idx.msk [tilespmem:v6+s11+$0x0], $0xffff  }
0x205: {  	v28 =	vld.idx.msk [tilespmem:v7+s11+$0x0], $0xffff  }
0x206: {  	v29 =	vld.idx.msk [tilespmem:v8+s11+$0x0], $0xffff  }
0x207: {  	v30 =	vld.idx.msk [tilespmem:v9+s11+$0x0], $0xffff  }
0x208: {  	v31 =	vld.idx.msk [tilespmem:v10+s11+$0x0], $0xffff  }
0x209: {  	v32 =	vld.idx.msk [tilespmem:v11+s11+$0x0], $0xffff  }
0x20a: {  	v33 =	vld.idx.msk [tilespmem:v12+s11+$0x0], $0xffff  }
0x20b: {  	v2 =	vld.idx.msk [tilespmem:v2+s11+$0x0], $0xffff  }
0x20c: {  	v34 =	vld.idx.msk [tilespmem:v13+s11+$0x0], $0xffff  }
0x20d: {  	v35 =	vld.idx.msk [tilespmem:v14+s11+$0x0], $0xffff;
	v25 =	vmax.f32 v25, v27  }
0x20e: {  	v36 =	vld.idx.msk [tilespmem:v15+s11+$0x0], $0xffff;
	v25 =	vmax.f32 v25, v28  }
0x20f: {  	v25 =	vmax.f32 v25, v29;
	v29 =	vld.idx.msk [tilespmem:v4+s11+$0x0], $0xffff  }
0x210: {  	[tilespmem:$0x1FD80] =	vst v2;
	v2 =	vld [tilespmem:$0x1FF90]  }
0x211: {  	v4 =	vld [tilespmem:$0x1FFD0]  }
0x212: {  	v37 =	vld.idx.msk [tilespmem:v16+s11+$0x0], $0xffff  }
0x213: {  	v38 =	vld.idx.msk [tilespmem:v17+s11+$0x0], $0xffff  }
0x214: {  	v39 =	vld.idx.msk [tilespmem:v18+s11+$0x0], $0xffff  }
0x215: {  	v63 =	vld.idx.msk [tilespmem:v19+s11+$0x0], $0xffff;
	v25 =	vmax.f32 v25, v30  }
0x216: {  	v56 =	vor.u32 $0x307, v1;
	v40 =	vld.idx.msk [tilespmem:v20+s11+$0x0], $0xffff;
	v25 =	vmax.f32 v25, v31  }
0x217: {  	v55 =	vor.u32 $0x308, v1;
	v25 =	vmax.f32 v25, v32;
	v32 =	vld.idx.msk [tilespmem:v26+s11+$0x0], $0xffff  }
0x218: {  	v2 =	vld.idx.msk [tilespmem:v2+s11+$0x0], $0xffff  }
0x219: {  	v26 =	vor.u32 $0x30A, v1;
	v30 =	vld.idx.msk [tilespmem:v4+s11+$0x0], $0xffff  }
0x21a: {  	v25 =	vmax.f32 v25, v33;
	v33 =	vmax.f32 v41, v42;
	v41 =	vor.u32 $0x30B, v1;
	v4 =	vld [tilespmem:$0x1FFE0]  }
0x21b: {  	v25 =	vmax.f32 v25, v34;
	v34 =	vld.idx.msk [tilespmem:v56+s11+$0x0], $0xffff;
	v42 =	vor.u32 $0x30C, v1  }
0x21c: {  	v25 =	vmax.f32 v25, v35;
	v35 =	vld.idx.msk [tilespmem:v55+s11+$0x0], $0xffff;
	v55 =	vor.u32 $0x401, v1  }
0x21d: {  	v25 =	vmax.f32 v25, v36;
	[tilespmem:$0x1FD90] =	vst v2;
	v2 =	vld [tilespmem:$0x1FFA0]  }
0x21e: {  	v56 =	vor.u32 $0x30D, v1;
	v25 =	vmax.f32 v25, v37;
	v26 =	vld.idx.msk [tilespmem:v26+s11+$0x0], $0xffff  }
0x21f: {  	v25 =	vmax.f32 v25, v38;
	v38 =	vld.idx.msk [tilespmem:v41+s11+$0x0], $0xffff;
	v41 =	vor.u32 $0x400, v1  }
0x220: {  	v25 =	vmax.f32 v25, v39;
	v39 =	vld.idx.msk [tilespmem:v42+s11+$0x0], $0xffff  }
0x221: {  	v42 =	vld.idx.msk [tilespmem:v55+s11+$0x0], $0xffff;
	v33 =	vmax.f32 v33, v43  }
0x222: {  	v31 =	vld.idx.msk [tilespmem:v4+s11+$0x0], $0xffff;
	v4 =	vor.u32 $0x309, v1;
	v33 =	vmax.f32 v33, v44  }
0x223: {  	v36 =	vor.u32 $0x30E, v1;
	v43 =	vld.idx.msk [tilespmem:v56+s11+$0x0], $0xffff;
	v33 =	vmax.f32 v33, v45  }
0x224: {  	v56 =	vor.u32 $0x402, v1;
	v41 =	vld.idx.msk [tilespmem:v41+s11+$0x0], $0xffff;
	v33 =	vmax.f32 v33, v46  }
0x225: {  	v45 =	vor.u32 $0x404, v1;
	v33 =	vmax.f32 v33, v47;
	v27 =	vld.idx.msk [tilespmem:v2+s11+$0x0], $0xffff  }
0x226: {  	v33 =	vmax.f32 v33, v48;
	v2 =	vld [tilespmem:$0x1FFB0]  }
0x227: {  	v25 =	vmax.f32 v25, v63;
	v4 =	vld.idx.msk [tilespmem:v4+s11+$0x0], $0xffff;
	v33 =	vmax.f32 v33, v49  }
0x228: {  	v63 =	vmax.f32 v25, v40;
	v25 =	vmax.f32 v33, v50;
	v33 =	vld.idx.msk [tilespmem:v36+s11+$0x0], $0xffff;
	v36 =	vor.u32 $0x403, v1  }
0x229: {  	v44 =	vld.idx.msk [tilespmem:v56+s11+$0x0], $0xffff;
	v25 =	vmax.f32 v25, v51  }
0x22a: {  	v45 =	vld.idx.msk [tilespmem:v45+s11+$0x0], $0xffff;
	v25 =	vmax.f32 v25, v52;
	v51 =	vmax.f32 v57, v58  }
0x22b: {  	v47 =	vor.u32 $0x406, v1;
	v25 =	vmax.f32 v25, v53;
	v53 =	vld [tilespmem:$0x1FCD0];
	v40 =	vmax.f32 v51, v59  }
0x22c: {  	v56 =	vld [tilespmem:$0x1FCE0];
	v40 =	vmax.f32 v40, v60;
	v60 =	vor.u32 $0x409, v1  }
0x22d: {  	v36 =	vld.idx.msk [tilespmem:v36+s11+$0x0], $0xffff  }
0x22e: {  	v28 =	vld.idx.msk [tilespmem:v2+s11+$0x0], $0xffff;
	v2 =	vor.u32 $0x306, v1  }
0x22f: {  	v46 =	vor.u32 $0x405, v1;
	v58 =	vld [tilespmem:$0x1FCF0]  }
0x230: {  	v25 =	vmax.f32 v25, v53;
	v51 =	vld.idx.msk [tilespmem:v47+s11+$0x0], $0xffff  }
0x231: {  	v55 =	vor.u32 $0x407, v1;
	v25 =	vmax.f32 v25, v56;
	v56 =	vld.idx.msk [tilespmem:v60+s11+$0x0], $0xffff  }
0x232: {  	v57 =	vor.u32 $0x408, v1;
	v59 =	vld [tilespmem:$0x1FD00]  }
0x233: {  	v40 =	vmax.f32 v40, v61;
	v2 =	vld.idx.msk [tilespmem:v2+s11+$0x0], $0xffff  }
0x234: {  	v40 =	vmax.f32 v40, v62;
	v62 =	vor.u32 $0x40A, v1;
	v27 =	vmax.f32 v27, v28;
	v28 =	vld.idx.msk [tilespmem:v46+s11+$0x0], $0xffff  }
0x235: {  	v61 =	vld [tilespmem:$0x1FD10];
	v27 =	vmax.f32 v27, v29;
	v29 =	vmax.f32 v41, v42  }
0x236: {  	v27 =	vmax.f32 v27, v30;
	v29 =	vmax.f32 v29, v44;
	v30 =	vld.idx.msk [tilespmem:v55+s11+$0x0], $0xffff  }
0x237: {  	v27 =	vmax.f32 v27, v31;
	v29 =	vmax.f32 v29, v36;
	v31 =	vld.idx.msk [tilespmem:v57+s11+$0x0], $0xffff  }
0x238: {  	v25 =	vmax.f32 v25, v58;
	v58 =	vld [tilespmem:$0x1FD20];
	v27 =	vmax.f32 v27, v32;
	v29 =	vmax.f32 v29, v45  }
0x239: {  	v2 =	vmax.f32 v27, v2;
	v27 =	vmax.f32 v29, v28;
	v28 =	vld.idx.msk [tilespmem:v62+s11+$0x0], $0xffff;
	v29 =	vor.u32 $0x40F, v1  }
0x23a: {  	v40 =	vmax.f32 v40, v59;
	v60 =	vld [tilespmem:$0x1FD30];
	v2 =	vmax.f32 v2, v34;
	v27 =	vmax.f32 v27, v51  }
0x23b: {  	v40 =	vmax.f32 v40, v61;
	v61 =	vld [tilespmem:$0x1FD40];
	v2 =	vmax.f32 v2, v35;
	v27 =	vmax.f32 v27, v30  }
0x23c: {  	v2 =	vmax.f32 v2, v4;
	v4 =	vmax.f32 v27, v31;
	v31 =	vld [tilespmem:$0x1FD50]  }
0x23d: {  	v2 =	vmax.f32 v2, v26;
	v4 =	vmax.f32 v4, v56;
	v26 =	vld [tilespmem:$0x1FD60]  }
0x23e: {  	v4 =	vmax.f32 v4, v28;
	v28 =	vld.idx.msk [tilespmem:v29+s11+$0x0], $0xffff  }
0x23f: {  	v40 =	vmax.f32 v40, v58;
	v29 =	vld [tilespmem:$0x1FD70]  }
0x240: {  	v37 =	vor.u32 $0x30F, v1;
	v40 =	vmax.f32 v40, v60  }
0x241: {  	v52 =	vor.u32 $0x40B, v1;
	v35 =	vmax.f32 v40, v61  }
0x242: {  	v53 =	vor.u32 $0x40C, v1;
	v31 =	vmax.f32 v35, v31  }
0x243: {  	v55 =	vor.u32 $0x40D, v1;
	v26 =	vmax.f32 v31, v26  }
0x244: {  	v26 =	vmax.f32 v26, v29;
	v29 =	vld [tilespmem:$0x1FD80]  }
0x245: {  	v37 =	vld.idx.msk [tilespmem:v37+s11+$0x0], $0xffff;
	v57 =	vor.u32 $0x40E, v1  }
0x246: {  	v59 =	vld.idx.msk [tilespmem:v52+s11+$0x0], $0xffff  }
0x247: {  	v30 =	vld.idx.msk [tilespmem:v53+s11+$0x0], $0xffff  }
0x248: {  	v27 =	vld.idx.msk [tilespmem:v55+s11+$0x0], $0xffff  }
0x249: {  	v26 =	vmax.f32 v26, v29;
	v29 =	vld [tilespmem:$0x1FD90]  }
0x24a: {  	v62 =	vld.idx.msk [tilespmem:v57+s11+$0x0], $0xffff  }
0x24b: {  	v2 =	vmax.f32 v2, v38  }
0x24c: {  	v2 =	vmax.f32 v2, v39;
	v4 =	vmax.f32 v4, v59  }
0x24d: {  	(xrf0) =	vmax.scan.msk.f32 $0xffff, v63;
	v2 =	vmax.f32 v2, v43;
	v4 =	vmax.f32 v4, v30  }
0x24e: {  	(xrf0) =	vmax.scan.msk.f32 $0xffff, v25;
	v2 =	vmax.f32 v2, v33;
	v4 =	vmax.f32 v4, v27;
	v26 =	vmax.f32 v26, v29  }
0x24f: {  	v27 =	vmax.f32 v2, v37;
	v2 =	vmax.f32 v4, v62;
	(xrf0) =	vmax.scan.msk.f32 $0xffff, v26  }
0x250: {  	v28 =	vmax.f32 v2, v28;
	(xrf0) =	vmax.scan.msk.f32 $0xffff, v27  }
0x251: {  	(xrf0) =	vmax.scan.msk.f32 $0xffff, v28;
	_ =	sdelay $0x1  }
0x252: {  	v2, _, _ =	vpop (xrf0)  }
0x253: {  	v4, _, _ =	vpop (xrf0);
	v2 =	vperm.xlane v2, v24  }
0x254: {  	v4 =	vperm.xlane v4, v24;
	v29, _, _ =	vpop (xrf0)  }
0x255: {  	v2 =	vnsel vm0, $0xBF800000, v2;
	v30, _, _ =	vpop (xrf0);
	v29 =	vperm.xlane v29, v24  }
0x256: {  	v2 =	vsel vm1, v2, v4;
	v4 =	vperm.xlane v30, v24;
	v30, _, _ =	vpop (xrf0)  }
0x257: {  	v2 =	vsel vm2, v2, v29;
	v29 =	vperm.xlane v30, v24  }
0x258: {  	v2 =	vsel vm3, v2, v4  }
0x259: {  	v29 =	vsel vm4, v2, v29  }
0x25a: {  	(xrf0) =	vmax.scan.msk.f32 $0xffff, v29;
	_ =	sdelay $0x5  }
0x25b: {  	v2, _, _ =	vpop (xrf0)  }
0x25c: {  	v30 =	vperm.xlane v2, v24;
	_ =	sdelay $0x1  }
0x25d: {  	vm5 =	vge.f32 v30, $5.000000070e-02  }
0x25e: {  	_ =	swait.ge [sflag:s12], $0x13880;
	v2 =	vsel vm5, $0x3F800000, v3  }
0x25f: {  	(xrf0) =	vmax.scan.msk.f32 $0xffff, v2;
	_ =	sdelay $0x5  }
0x260: {  	v2, _, _ =	vpop (xrf0)  }
0x261: {  	(v2sf) =	vpush v2, $0xF;
	_ =	sdelay $0xe  }
0x262: {  	s31 =	spop (v2sf)  }
0x263: {  	p0 =	sgt.f32 s31, $0.0e+00  }
.Ltmp4:
0x264: {  	_ = 	snop;
	(pc) =	sbr.rel @!p0 .LBB2_6-.Ltmp4, $3  }
0x265: {  	_ =	sdelay $0x1  }
0x266: {  	[sflag:s12] =	ssyncset.done $0x0  }
0x267: {  	s17 =	simm.s32 $0x0;
	[sflag:s12] =	ssyncadd.s32 $0xFFFEC780  }
.LBB2_5:
0x268: {  	vm5 =	veq.f32 v29, v30  }
0x269: {  	v31 =	vmctz.xlane vm5;
	_ =	sdelay $0x1  }
0x26a: {  	vm5 =	veq.s32 v31, $0x3  }
0x26b: {  	vm6 =	veq.s32 v31, $0x2;
	v2 =	vsel vm5, v27, v28  }
0x26c: {  	vm7 =	veq.s32 v31, $0x1;
	v2 =	vsel vm6, v26, v2  }
0x26d: {  	vm8 =	veq.s32 v31, $0x0;
	v2 =	vsel vm7, v25, v2  }
0x26e: {  	v38 =	vsel vm8, v63, v2  }
0x26f: {  	vm9 =	veq.f32 v38, v30  }
0x270: {  	v39 =	vmctz.xlane vm9;
	_ =	sdelay $0x1  }
0x271: {  	v2 =	vshll.u32 v31, $0x8;
	v4 =	vshll.u32 v39, $0x4  }
0x272: {  	v2 =	vadd.s32 v2, v4;
	v4 =	vor.u32 v0, v4  }
0x273: {  	v32 =	vand.u32 $0xFFFFFF80, v2;
	v4 =	vand.u32 $0x7F, v4  }
0x274: {  	v4 =	vor.u32 v4, v32;
	_ =	sdelay $0x4  }
0x275: {  	v4 =	vld.idx.msk [tilespmem:v4+s11+$0x0], $0xffff;
	_ =	sdelay $0x4  }
0x276: {  	vm13 =	veq.f32 v4, v30  }
0x277: {  	v40 =	vmctz.xlane vm13;
	_ =	sdelay $0x1  }
0x278: {  	v2 =	vadd.s32 v40, v2  }
0x279: {  	v55 =	vshll.u32 v2, $0x4  }
0x27a: {  	v33 =	vor.u32 v0, v55;
	_ =	sdelay $0x4  }
0x27b: {  	v33 =	vld.idx.msk [tilespmem:v33+s9+$0x0], $0xffff;
	_ =	sdelay $0x4  }
0x27c: {  	vm14 =	veq.f32 v33, v30  }
0x27d: {  	v34 =	vmctz.xlane vm14;
	_ =	sdelay $0x1  }
0x27e: {  	vm9 =	veq.s32 v34, v0  }
0x27f: {  	v33 =	vsel vm9, $0xBF800000, v33  }
0x280: {  	(xrf0) =	vmax.scan.msk.f32 $0xffff, v33;
	_ =	sdelay $0x2  }
0x281: {  	v32 =	vadd.s32 v34, v55;
	_ =	sdelay $0x1  }
0x282: {  	v56 =	vshll.u32 v32, $0x2  }
0x283: {  	v35 =	vor.u32 $0x1, v56;
	v57, _, _ =	vpop (xrf0)  }
0x284: {  	v58 =	vor.u32 $0x2, v56;
	v41 =	vperm.xlane v57, v24  }
0x285: {  	v37 =	vor.u32 $0x3, v56;
	[tilespmem:v32+s9+$0x0] =	vst.idx.msk $0x1, v54  }
0x286: {  	[tilespmem:v2+s11+$0x0] =	vst.idx.msk $0x1, v41  }
0x287: {  	v36 =	vld.idx.msk [tilespmem:v56+s8+$0x0], $0xffff  }
0x288: {  	v35 =	vld.idx.msk [tilespmem:v35+s8+$0x0], $0xffff  }
0x289: {  	v34 =	vld.idx.msk [tilespmem:v58+s8+$0x0], $0xffff  }
0x28a: {  	v33 =	vld.idx.msk [tilespmem:v37+s8+$0x0], $0xffff  }
0x28b: {  	v2 =	vld [tilespmem:$0x18D80]  }
0x28c: {  	v59 =	vld [tilespmem:$0x18E00]  }
0x28d: {  	v42 =	vld [tilespmem:$0x18E80]  }
0x28e: {  	v43 =	vld [tilespmem:$0x18F00]  }
0x28f: {  	v44 =	vld [tilespmem:$0x18F80]  }
0x290: {  	v45 =	vld [tilespmem:$0x18D90]  }
0x291: {  	v46 =	vld [tilespmem:$0x18E10]  }
0x292: {  	v47 =	vld [tilespmem:$0x18E90]  }
0x293: {  	v48 =	vld [tilespmem:$0x18F10]  }
0x294: {  	v49 =	vld [tilespmem:$0x18F90]  }
0x295: {  	v52 =	vld [tilespmem:$0x18DA0]  }
0x296: {  	v53 =	vld [tilespmem:$0x18E20]  }
0x297: {  	v55 =	vld [tilespmem:$0x18E30]  }
0x298: {  	vm15 =	veq.s32 v40, v0;
	v40 =	vld [tilespmem:$0x18F30]  }
0x299: {  	v4 =	vsel vm15, v41, v4;
	v61 =	vld [tilespmem:$0x18EA0];
	v50 =	vsub.f32 v34, v36;
	v51 =	vsub.f32 v33, v35  }
0x29a: {  	v62 =	vld [tilespmem:$0x18F20];
	v2 =	vmax.f32 v2, v36;
	v37 =	vmax.f32 v59, v35;
	v42 =	vmin.f32 v42, v34  }
0x29b: {  	v56 =	vld [tilespmem:$0x18EB0];
	v43 =	vmin.f32 v43, v33;
	v45 =	vmax.f32 v45, v36;
	v47 =	vmin.f32 v47, v34  }
0x29c: {  	v57 =	vld [tilespmem:$0x18DC0];
	v46 =	vmax.f32 v46, v35;
	v48 =	vmin.f32 v48, v33;
	v53 =	vmax.f32 v53, v35  }
0x29d: {  	v55 =	vmax.f32 v55, v35;
	v40 =	vmin.f32 v40, v33;
	v45 =	vsub.f32 v47, v45;
	v47 =	vld [tilespmem:$0x18E40]  }
0x29e: {  	v2 =	vsub.f32 v42, v2;
	v60 =	vsub.f32 v43, v37;
	v43 =	vmin.f32 v61, v34;
	v61 =	vld [tilespmem:$0x18EC0]  }
0x29f: {  	v46 =	vsub.f32 v48, v46;
	v40 =	vsub.f32 v40, v55;
	v37 =	vmul.f32 v51, v50;
	v51 =	vld [tilespmem:$0x18FA0]  }
0x2a0: {  	v50 =	vmin.f32 v62, v33;
	v62 =	vld [tilespmem:$0x18F40];
	v2 =	vmax.f32 v2, $0.0e+00;
	v42 =	vmax.f32 v60, $0.0e+00  }
0x2a1: {  	v60 =	vmax.f32 v52, v36;
	v45 =	vmax.f32 v45, $0.0e+00;
	v50 =	vsub.f32 v50, v53;
	v53 =	vld [tilespmem:$0x18DD0]  }
0x2a2: {  	v46 =	vmax.f32 v46, $0.0e+00;
	v2 =	vmul.f32 v42, v2;
	v59 =	vadd.f32 v44, v37;
	v44 =	vld [tilespmem:$0x18DB0]  }
0x2a3: {  	v43 =	vsub.f32 v43, v60;
	v41 =	vmul.f32 v46, v45;
	v45 =	vadd.f32 v49, v37;
	v49 =	vld [tilespmem:$0x18ED0]  }
0x2a4: {  	v40 =	vmax.f32 v40, $0.0e+00;
	v46 =	vld [tilespmem:$0x18DE0];
	v60 =	vmax.f32 v57, v36  }
0x2a5: {  	v58 =	vmax.f32 v50, $0.0e+00;
	v50 =	vld [tilespmem:$0x18F50];
	v42 =	vsub.f32 v59, v2;
	v43 =	vmax.f32 v43, $0.0e+00  }
0x2a6: {  	v59 =	vmin.f32 v56, v34;
	v52 =	vmin.f32 v61, v34;
	v56 =	vld [tilespmem:$0x18E60];
	v47 =	vmax.f32 v47, v35  }
0x2a7: {  	v61 =	vld [tilespmem:$0x18EE0];
	v48 =	vmin.f32 v62, v33;
	v52 =	vsub.f32 v52, v60;
	v51 =	vadd.f32 v51, v37  }
0x2a8: {  	v43 =	vmul.f32 v58, v43;
	v62 =	vld [tilespmem:$0x18F60];
	v42 =	vadd.f32 $9.999999930e-09, v42;
	v47 =	vsub.f32 v48, v47  }
0x2a9: {  	v58 =	vld [tilespmem:$0x18FC0];
	v53 =	vmax.f32 v53, v36;
	v44 =	vmax.f32 v44, v36;
	v49 =	vmin.f32 v49, v34  }
0x2aa: {  	v51 =	vsub.f32 v51, v43;
	v46 =	vmax.f32 v46, v36;
	(erf) = vrcp.f32 v42;
	v42 =	vld [tilespmem:$0x18E50]  }
0x2ab: {  	v57 =	vld [tilespmem:$0x18FB0];
	v52 =	vmax.f32 v52, $0.0e+00;
	v44 =	vsub.f32 v59, v44;
	v50 =	vmin.f32 v50, v33  }
0x2ac: {  	v60 =	vld [tilespmem:$0x18FD0];
	v47 =	vmax.f32 v47, $0.0e+00;
	v59 =	vmin.f32 v61, v34;
	v61 =	vmax.f32 v56, v35  }
0x2ad: {  	v51 =	vadd.f32 $9.999999930e-09, v51;
	v44 =	vmax.f32 v44, $0.0e+00;
	v46 =	vsub.f32 v59, v46  }
0x2ae: {  	v48 =	vmin.f32 v62, v33;
	v56 =	vadd.f32 v58, v37;
	v40 =	vmul.f32 v40, v44  }
0x2af: {  	v62 =	vld [tilespmem:$0x18FE0];
	v44 =	vsub.f32 v45, v41;
	v45 =	vsub.f32 v49, v53;
	v42 =	vmax.f32 v42, v35  }
0x2b0: {  	v47 =	vmul.f32 v47, v52;
	v48 =	vsub.f32 v48, v61;
	v42 =	vsub.f32 v50, v42  }
0x2b1: {  	v49 =	vadd.f32 v57, v37;
	v57 =	vadd.f32 v60, v37;
	v46 =	vmax.f32 v46, $0.0e+00  }
0x2b2: {  	v44 =	vadd.f32 $9.999999930e-09, v44;
	v45 =	vmax.f32 v45, $0.0e+00;
	v42 =	vmax.f32 v42, $0.0e+00  }
0x2b3: {  	v52 =	vsub.f32 v49, v40;
	v48 =	vmax.f32 v48, $0.0e+00;
	v42 =	vmul.f32 v42, v45  }
0x2b4: {  	(xrf0) =	vmax.scan.msk.f32 $0xffff, v4;
	v58 =	vsub.f32 v56, v47;
	v4 =	vmul.f32 v48, v46;
	v59 =	vadd.f32 v62, v37  }
0x2b5: {  	(erf) = vrcp.f32 v44;
	v60 =	vadd.f32 $9.999999930e-09, v52;
	v61 =	vsub.f32 v57, v42  }
0x2b6: {  	v46 =	vadd.f32 $9.999999930e-09, v58;
	(erf) = vrcp.f32 v51;
	v48 =	vsub.f32 v59, v4  }
0x2b7: {  	(erf) = vrcp.f32 v60;
	v62 =	vadd.f32 $9.999999930e-09, v61  }
0x2b8: {  	(erf) = vrcp.f32 v46;
	v49 =	vadd.f32 $9.999999930e-09, v48  }
0x2b9: {  	(erf) = vrcp.f32 v62  }
0x2ba: {  	v50, _, _ =	vpop (xrf0);
	(erf) = vrcp.f32 v49  }
0x2bb: {  	v44 =	vperm.xlane v50, v24  }
0x2bc: {  	vm12 =	veq.s32 v39, v0  }
0x2bd: {  	v51 =	vpop (erf);
	v38 =	vsel vm12, v44, v38  }
0x2be: {  	(xrf0) =	vmax.scan.msk.f32 $0xffff, v38;
	v52 =	vpop (erf)  }
0x2bf: {  	v2 =	vmul.f32 v51, v2;
	v53 =	vpop (erf);
	v55 =	vmul.f32 v52, v41  }
0x2c0: {  	v56 =	vpop (erf);
	v43 =	vmul.f32 v53, v43  }
0x2c1: {  	vm13 =	vge.f32 v2, $5.000000000e-01;
	v57 =	vpop (erf);
	vm10 =	vge.f32 v55, $5.000000000e-01;
	v2 =	vmul.f32 v56, v40  }
0x2c2: {  	v59 =	vmul.f32 v57, v47;
	vm9 =	vmor vm13, vm10;
	vm14 =	vge.f32 v43, $5.000000000e-01;
	v58 =	vpop (erf)  }
0x2c3: {  	vm9 =	vmor vm9, vm14;
	vm15 =	vge.f32 v2, $5.000000000e-01;
	v2 =	vmul.f32 v58, v42;
	v60 =	vpop (erf)  }
0x2c4: {  	v61, _, _ =	vpop (xrf0);
	vm9 =	vmor vm9, vm15;
	vm12 =	vge.f32 v59, $5.000000000e-01;
	v4 =	vmul.f32 v60, v4  }
0x2c5: {  	v62 =	vperm.xlane v61, v24;
	vm9 =	vmor vm9, vm12;
	vm13 =	vge.f32 v2, $5.000000000e-01  }
0x2c6: {  	vm11 =	veq.s32 v31, v0;
	vm9 =	vmor vm9, vm13;
	vm14 =	vge.f32 v4, $5.000000000e-01  }
0x2c7: {  	v29 =	vsel vm11, v62, v29;
	vm9 =	vmor vm9, vm14  }
0x2c8: {  	(xrf0) =	vmax.scan.msk.f32 $0xffff, v29;
	v2 =	vsel vm9, $0x3F800000, v3  }
0x2c9: {  	(xrf0) =	vmax.scan.msk.f32 $0xffff, v2;
	_ =	sdelay $0x4  }
0x2ca: {  	v2, _, _ =	vpop (xrf0)  }
0x2cb: {  	v2 =	vperm.xlane v2, v24;
	v4, _, _ =	vpop (xrf0)  }
0x2cc: {  	(v2sf) =	vpush v4, $0xF  }
0x2cd: {  	vm15 =	vge.f32 v2, $5.000000070e-02  }
0x2ce: {  	v4 =	vsel vm15, $0x3F800000, v3  }
0x2cf: {  	(xrf0) =	vmax.scan.msk.f32 $0xffff, v4;
	_ =	sdelay $0x5  }
0x2d0: {  	v4, _, _ =	vpop (xrf0)  }
0x2d1: {  	(v2sf) =	vpush v4, $0xF;
	_ =	sdelay $0x4  }
0x2d2: {  	s18 =	spop (v2sf)  }
0x2d3: {  	p0 =	sgt.f32 s18, $0.0e+00;
	_ =	sdelay $0x1  }
0x2d4: {  	v4 =	vmov @!p0 s17;
	_ =	sdelay $0x3  }
0x2d5: {  	s19 =	simm.s32 $0x1;
	s18 =	simm.s32 @!p0 $0x18D80;
	p1 =	por !p0, !p0  }
0x2d6: {  	v39 =	vshll.u32 @!p0 v4, $0x2;
	s19 =	simm.s32 @!p1 $0x0;
	[tilespmem:v4+s18+$0x0] =	vst.idx.msk @!p0 $0x1, v36;
	s18 =	simm.s32 @!p0 $0x18E00  }
0x2d7: {  	v40 =	vor.u32 @!p0 $0x1, v39;
	s17 =	sadd.s32 s19, s17;
	[tilespmem:v4+s18+$0x0] =	vst.idx.msk @!p0 $0x1, v35;
	s18 =	simm.s32 @!p0 $0x18E80  }
0x2d8: {  	v41 =	vor.u32 @!p0 $0x2, v39;
	p1 =	sgt.u32 s17, $0x63;
	s19 =	spop (v2sf);
	[tilespmem:v4+s18+$0x0] =	vst.idx.msk @!p0 $0x1, v34;
	s18 =	simm.s32 @!p0 $0x18F00  }
0x2d9: {  	v42 =	vor.u32 @!p0 $0x3, v39;
	p2 =	sgt.f32 @!p1 s19, $0.0e+00;
	[tilespmem:v4+s18+$0x0] =	vst.idx.msk @!p0 $0x1, v33;
	s18 =	simm.s32 @!p0 $0x18F80  }
0x2da: {  	[tilespmem:v4+s18+$0x0] =	vst.idx.msk @!p0 $0x1, v37;
	s18 =	simm.s32 @!p0 $0x19000  }
0x2db: {  	p1 =	por p1, !p2;
	[tilespmem:v39+s18+$0x0] =	vst.idx.msk @!p0 $0x1, v36  }
.Ltmp5:
0x2dc: {  	[tilespmem:v40+s18+$0x0] =	vst.idx.msk @!p0 $0x1, v35;
	(pc) =	sbr.rel @!p1 .LBB2_5-.Ltmp5, $4  }
0x2dd: {  	[tilespmem:v41+s18+$0x0] =	vst.idx.msk @!p0 $0x1, v34  }
0x2de: {  	v63 =	vsel vm8, v38, v63;
	[tilespmem:v42+s18+$0x0] =	vst.idx.msk @!p0 $0x1, v33;
	s18 =	simm.s32 @!p0 $0x19200  }
0x2df: {  	v25 =	vsel vm7, v38, v25;
	v26 =	vsel vm6, v38, v26;
	vm6 =	veq.s32 v31, $0x4;
	[tilespmem:v4+s18+$0x0] =	vst.idx.msk @!p0 $0x1, v30;
	s18 =	simm.s32 @!p0 $0x19280  }
0x2e0: {  	v27 =	vsel vm5, v38, v27;
	v28 =	vsel vm6, v38, v28;
	v30 =	vmov v2;
	[tilespmem:v4+s18+$0x0] =	vst.idx.msk @!p0 $0x1, v32  }
.Ltmp6:
0x2e1: {  	_ = 	snop;
	(pc) =	sbr.rel .LBB2_6-.Ltmp6, $1  }
0x2e2: {  	_ =	sdelay $0x3  }
.Lfunc_end2:
_tile_overlayer_lowered:
.L_overlay_start_2:
0x2e3: {  	(tag) =	ssettag $0x2  }
0x2e4: {  	s0 =	rddreg [dreg:$0x0];
	s2 =	stileid.u32  }
0x2e5: {  	s1 =	rddreg [dreg:$0x1];
	p0 =	sne.s32 s2, $0x0  }
0x2e6: {  	s3 =	rddreg [dreg:$0x2];
	[bflag:$0x3] =	sbarrier.arrive $0xFFFF;
	s2 =	simm.s32 @!p0 $0x1C02  }
0x2e7: {  	[timem:s3], [sflag:s2] =	dma.local @!p0 [hbm:s0], s1  }
0x2e8: {  	s0 =	simm.s32 @!p0 $0x2  }
0x2e9: {  	_ =	swait.ge @!p0 [sflag:s0], s1  }
0x2ea: {  	s1 =	ssub.s32 @!p0 $0x0, s1;
	[sflag:s0] =	ssyncset.done @!p0 $0x0  }
0x2eb: {  	[sflag:s0] =	ssyncadd.s32 @!p0 s1  }
0x2ec: {  	[bflag:$0x3] =	sbarrier.arrive $0xFFFF  }
0x2ed: {  	_ =	shalt  }

</sc_bundles>
